<compile_context>
chip_gen: v7x
topology: tpu7x:2x2x1
jax: 0.10.2.dev20260603
libtpu: 0.0.44.dev20260713+nightly
codegen_flags: <defaults>
</compile_context>

<pallas_src>
import numpy as np
import jax
import jax.numpy as jnp
from jax import lax
from jax.experimental import pallas as pl
from jax.experimental.pallas import tpu as pltpu
from jax.experimental.pallas import tpu_sc as plsc

_MAX_SHIFT = 50.0
_OUT_LEN = 3072
_NCP = 10
_NC, _NS, _L = 2, 16, 16
_NW = _NC * _NS
_CHUNK = 16

_STARTS = [int(v) for v in np.linspace(0.0, float(_OUT_LEN - 1), _NCP)]


def _prep_body(woff_ref, idx0_ref, idx1_ref, frac_ref, *, in_len, batch):
    t = lax.broadcasted_iota(jnp.int32, (batch, _OUT_LEN), 1)
    b = lax.broadcasted_iota(jnp.int32, (batch, _OUT_LEN), 0)
    tf = t.astype(jnp.float32)
    base = tf * np.float32((in_len - 1) / float(_OUT_LEN - 1))
    off = jnp.zeros((batch, _OUT_LEN), jnp.float32)
    for s in range(_NCP - 1):
        o0 = woff_ref[s] * np.float32(_MAX_SHIFT)
        o1 = woff_ref[s + 1] * np.float32(_MAX_SHIFT)
        seg_len = _STARTS[s + 1] - _STARTS[s]
        val = o0 + (tf - np.float32(_STARTS[s])) * (
            (o1 - o0) * np.float32(1.0 / (seg_len - 1)))
        m = (t >= _STARTS[s]) & (t < _STARTS[s + 1])
        off = jnp.where(m, val, off)
    warp = jnp.clip(base + off, 0.0, np.float32(in_len - 1))
    fl = warp.astype(jnp.int32)
    frac_ref[...] = warp - fl.astype(jnp.float32)
    ip = jnp.minimum(fl, in_len - 2) + b * in_len
    idx0_ref[...] = ip
    idx1_ref[...] = ip + 1


def _gather_body(x_hbm, idx0_hbm, idx1_hbm, frac_hbm, out_hbm,
                 idx0_v, idx1_v, frac_v,
                 buf0a, buf0b, buf1a, buf1b, obufa, obufb,
                 s0a, s0b, s1a, s1b, osa, osb,
                 *, rows_w, ncols):
    cid = lax.axis_index("c")
    sid = lax.axis_index("s")
    wid = sid * _NC + cid
    row0 = wid * rows_w
    nchunk = rows_w // _CHUNK
    buf0 = (buf0a, buf0b)
    buf1 = (buf1a, buf1b)
    obuf = (obufa, obufb)
    s0 = (s0a, s0b)
    s1 = (s1a, s1b)
    osem = (osa, osb)

    pltpu.sync_copy(idx0_hbm.at[pl.ds(row0, rows_w)], idx0_v)
    pltpu.sync_copy(idx1_hbm.at[pl.ds(row0, rows_w)], idx1_v)
    pltpu.sync_copy(frac_hbm.at[pl.ds(row0, rows_w)], frac_v)

    def issue_gathers(g, p):
        r = g * _CHUNK
        pltpu.async_copy(x_hbm.at[idx0_v.at[pl.ds(r, _CHUNK)]], buf0[p], s0[p])
        pltpu.async_copy(x_hbm.at[idx1_v.at[pl.ds(r, _CHUNK)]], buf1[p], s1[p])

    issue_gathers(0, 0)

    def pair(gp, carry):
        for p in range(2):
            g = gp * 2 + p
            r = g * _CHUNK

            @pl.when(g < nchunk - 1)
            def _():
                issue_gathers(g + 1, 1 - p)

            pltpu.make_async_copy(
                x_hbm.at[idx0_v.at[pl.ds(r, _CHUNK)]], buf0[p], s0[p]).wait()
            pltpu.make_async_copy(
                x_hbm.at[idx1_v.at[pl.ds(r, _CHUNK)]], buf1[p], s1[p]).wait()

            @pl.when(gp > 0)
            def _():
                pltpu.make_async_copy(
                    obuf[p], out_hbm.at[pl.ds(row0, _CHUNK)], osem[p]).wait()

            def row(kk, rcarry):
                f = plsc.load_gather(frac_v, [jnp.full((_L,), r + kk, jnp.int32)])
                w0 = np.float32(1.0) - f
                for j in range(ncols // _L):
                    a = buf0[p][kk, pl.ds(j * _L, _L)]
                    bv = buf1[p][kk, pl.ds(j * _L, _L)]
                    obuf[p][kk, pl.ds(j * _L, _L)] = a * w0 + bv * f
                return rcarry

            lax.fori_loop(0, _CHUNK, row, 0)
            pltpu.async_copy(obuf[p], out_hbm.at[pl.ds(row0 + r, _CHUNK)], osem[p])
        return carry

    lax.fori_loop(0, nchunk // 2, pair, 0)
    pltpu.make_async_copy(obufa, out_hbm.at[pl.ds(row0, _CHUNK)], osa).wait()
    pltpu.make_async_copy(obufb, out_hbm.at[pl.ds(row0, _CHUNK)], osb).wait()


def kernel(x, warp_offsets, reference_length):
    del reference_length
    B, T, C = x.shape
    rows_total = B * _OUT_LEN
    rows_w = rows_total // _NW

    idx0, idx1, frac = pl.pallas_call(
        lambda w, i0, i1, f: _prep_body(w, i0, i1, f, in_len=T, batch=B),
        out_shape=(
            jax.ShapeDtypeStruct((B, _OUT_LEN), jnp.int32),
            jax.ShapeDtypeStruct((B, _OUT_LEN), jnp.int32),
            jax.ShapeDtypeStruct((B, _OUT_LEN), jnp.float32),
        ),
        in_specs=[pl.BlockSpec(memory_space=pltpu.SMEM)],
    )(warp_offsets.astype(jnp.float32))

    x2 = x.reshape(B * T, C)
    mesh = plsc.VectorSubcoreMesh(core_axis_name="c", subcore_axis_name="s",
                                  num_cores=_NC, num_subcores=_NS)
    out = pl.kernel(
        lambda *refs: _gather_body(*refs, rows_w=rows_w, ncols=C),
        out_type=jax.ShapeDtypeStruct((rows_total, C), jnp.float32),
        mesh=mesh,
        compiler_params=pltpu.CompilerParams(needs_layout_passes=False),
        scratch_types=(
            [pltpu.VMEM((rows_w,), jnp.int32)] * 2 +
            [pltpu.VMEM((rows_w,), jnp.float32)] +
            [pltpu.VMEM((_CHUNK, C), jnp.float32)] * 6 +
            [pltpu.SemaphoreType.DMA] * 6
        ),
    )(x2, idx0.reshape(rows_total), idx1.reshape(rows_total),
      frac.reshape(rows_total))
    return out.reshape(B, _OUT_LEN, C)

# --- scband reference (transcript-rebuilt; emitter-appended) ---
"""Pipeline reference for scband-shifted-sinc-warper-43705587204678 (READ-ONLY COPY).

The authoritative reference and input builder live on the scoring server;
editing this copy changes nothing except your own understanding.
"""

import jax, jax.numpy as jnp
import numpy as np

MAX_SHIFT = 50
NUM_CP = 10


def _interpolate_warp_function(warp_offsets, input_len, output_len, output_len_traced):
    base_warp = jnp.linspace(0.0, float(input_len - 1), output_len)
    control_positions = np.linspace(0.0, float(output_len - 1), NUM_CP)
    scaled_offsets = warp_offsets * MAX_SHIFT
    segs = []
    for i in range(NUM_CP - 1):
        start_idx = int(control_positions[i])
        end_idx = int(control_positions[i + 1])
        segs.append(jnp.linspace(scaled_offsets[i], scaled_offsets[i + 1], end_idx - start_idx))
    tail = output_len - int(control_positions[-1])
    if tail > 0:
        segs.append(jnp.zeros((tail,), dtype=jnp.float32))
    offset_full = jnp.concatenate(segs)
    warp_fn = base_warp + offset_full
    warp_fn = jnp.clip(warp_fn, 0.0, float(input_len - 1))
    warp_fn = warp_fn + 0.0 * output_len_traced.astype(warp_fn.dtype)
    return warp_fn


def _sinc_interpolate(x, indices):
    time = x.shape[1]
    integer_part = jnp.floor(indices).astype(jnp.int32)
    fractional_part = indices - integer_part.astype(jnp.float32)
    integer_part = jnp.clip(integer_part, 0, time - 2)
    x0 = x[:, integer_part, :]
    x1 = x[:, integer_part + 1, :]
    fp = fractional_part.reshape(1, -1, 1)
    return x0 * (1.0 - fp) + x1 * fp


def setup_inputs(seed: int = 0) -> dict:
    key = jax.random.key(seed)
    k1, k2 = jax.random.split(key)
    x = jax.random.normal(k1, (8, 4096, 1024), dtype=jnp.float32)
    warp_offsets = jax.random.normal(k2, (NUM_CP,), dtype=jnp.float32) * 0.1
    return {"x": x, "warp_offsets": warp_offsets, "reference_length": 3072}


def reference(x, warp_offsets, reference_length):
    input_len = x.shape[1]
    reference_length = jnp.asarray(reference_length)
    warp_fn = _interpolate_warp_function(warp_offsets, input_len, 3072, reference_length)
    warped = _sinc_interpolate(x, warp_fn)
    return warped

if __name__ == "__main__":
    import jax
    _d = setup_inputs()
    print(jax.jit(kernel)(*tuple(_d.values())))

</pallas_src>

<mosaic_0001>
#map = affine_map<(d0, d1) -> (0, 0)>
#map1 = affine_map<(d0, d1) -> (0)>
module attributes {stable_mosaic.version = 14 : i64} {
  func.func @_lambda_(%arg0: i32, %arg1: i32, %arg2: memref<32768x1024xf32, #tpu.memory_space<hbm>>, %arg3: memref<24576xi32, #tpu.memory_space<hbm>>, %arg4: memref<24576xi32, #tpu.memory_space<hbm>>, %arg5: memref<24576xf32, #tpu.memory_space<hbm>>, %arg6: memref<24576x1024xf32, #tpu.memory_space<hbm>>, %arg7: memref<768xi32, #tpu.memory_space<vmem>>, %arg8: memref<768xi32, #tpu.memory_space<vmem>>, %arg9: memref<768xf32, #tpu.memory_space<vmem>>, %arg10: memref<16x1024xf32, #tpu.memory_space<vmem>>, %arg11: memref<16x1024xf32, #tpu.memory_space<vmem>>, %arg12: memref<16x1024xf32, #tpu.memory_space<vmem>>, %arg13: memref<16x1024xf32, #tpu.memory_space<vmem>>, %arg14: memref<16x1024xf32, #tpu.memory_space<vmem>>, %arg15: memref<16x1024xf32, #tpu.memory_space<vmem>>, %arg16: memref<!tpu.dma_semaphore, #tpu.memory_space<semaphore_mem>>, %arg17: memref<!tpu.dma_semaphore, #tpu.memory_space<semaphore_mem>>, %arg18: memref<!tpu.dma_semaphore, #tpu.memory_space<semaphore_mem>>, %arg19: memref<!tpu.dma_semaphore, #tpu.memory_space<semaphore_mem>>, %arg20: memref<!tpu.dma_semaphore, #tpu.memory_space<semaphore_mem>>, %arg21: memref<!tpu.dma_semaphore, #tpu.memory_space<semaphore_mem>>) attributes {dimension_semantics = [#tpu.dimension_semantics<core_parallel>, #tpu.dimension_semantics<subcore_parallel>], iteration_bounds = array<i64: 2, 16>, scalar_prefetch = 0 : i64, scratch_operands = 15 : i64, tpu.core_type = #tpu.core_type<sc_vector_subcore>, window_params = [{transform_indices = #map}, {transform_indices = #map1}, {transform_indices = #map1}, {transform_indices = #map1}, {transform_indices = #map}]} {
    %mul3A = arith.constant 2 : i32
    %mul3A_0 = arith.muli %arg1, %mul3A : i32
    %add3A = arith.addi %mul3A_0, %arg0 : i32
    %mul3A_1 = arith.constant 768 : i32
    %mul3A_2 = arith.muli %add3A, %mul3A_1 : i32
    "tpu.region"() ({
      %run_scoped3A = tpu.sem_alloc : memref<!tpu.dma_semaphore, #tpu.memory_space<semaphore_mem>>
      %dma_start3A_24 = tpu.memref_slice %arg3[%mul3A_2] : memref<24576xi32, #tpu.memory_space<hbm>> -> memref<768xi32, #tpu.memory_space<hbm>>
      %dma_start3A_25 = tpu.memref_slice %arg3[%mul3A_2] : memref<24576xi32, #tpu.memory_space<hbm>> -> memref<768xi32, #tpu.memory_space<hbm>>
      tpu.enqueue_dma source(%dma_start3A_25 : memref<768xi32, #tpu.memory_space<hbm>>) target(%arg7 : memref<768xi32, #tpu.memory_space<vmem>>) target_semaphore(%run_scoped3A : memref<!tpu.dma_semaphore, #tpu.memory_space<semaphore_mem>>)
      %dma_wait3A_26 = tpu.memref_slice %arg3[%mul3A_2] : memref<24576xi32, #tpu.memory_space<hbm>> -> memref<768xi32, #tpu.memory_space<hbm>>
      %dma_wait3A_27 = tpu.memref_slice %arg3[%mul3A_2] : memref<24576xi32, #tpu.memory_space<hbm>> -> memref<768xi32, #tpu.memory_space<hbm>>
      tpu.wait_dma2 semaphore(%run_scoped3A : memref<!tpu.dma_semaphore, #tpu.memory_space<semaphore_mem>>) src(%dma_wait3A_27 : memref<768xi32, #tpu.memory_space<hbm>>) dst(%arg7 : memref<768xi32, #tpu.memory_space<vmem>>)
      tpu.yield
    }) : () -> ()
    "tpu.region"() ({
      %run_scoped3A = tpu.sem_alloc : memref<!tpu.dma_semaphore, #tpu.memory_space<semaphore_mem>>
      %dma_start3A_24 = tpu.memref_slice %arg4[%mul3A_2] : memref<24576xi32, #tpu.memory_space<hbm>> -> memref<768xi32, #tpu.memory_space<hbm>>
      %dma_start3A_25 = tpu.memref_slice %arg4[%mul3A_2] : memref<24576xi32, #tpu.memory_space<hbm>> -> memref<768xi32, #tpu.memory_space<hbm>>
      tpu.enqueue_dma source(%dma_start3A_25 : memref<768xi32, #tpu.memory_space<hbm>>) target(%arg8 : memref<768xi32, #tpu.memory_space<vmem>>) target_semaphore(%run_scoped3A : memref<!tpu.dma_semaphore, #tpu.memory_space<semaphore_mem>>)
      %dma_wait3A_26 = tpu.memref_slice %arg4[%mul3A_2] : memref<24576xi32, #tpu.memory_space<hbm>> -> memref<768xi32, #tpu.memory_space<hbm>>
      %dma_wait3A_27 = tpu.memref_slice %arg4[%mul3A_2] : memref<24576xi32, #tpu.memory_space<hbm>> -> memref<768xi32, #tpu.memory_space<hbm>>
      tpu.wait_dma2 semaphore(%run_scoped3A : memref<!tpu.dma_semaphore, #tpu.memory_space<semaphore_mem>>) src(%dma_wait3A_27 : memref<768xi32, #tpu.memory_space<hbm>>) dst(%arg8 : memref<768xi32, #tpu.memory_space<vmem>>)
      tpu.yield
    }) : () -> ()
    "tpu.region"() ({
      %run_scoped3A = tpu.sem_alloc : memref<!tpu.dma_semaphore, #tpu.memory_space<semaphore_mem>>
      %dma_start3A_24 = tpu.memref_slice %arg5[%mul3A_2] : memref<24576xf32, #tpu.memory_space<hbm>> -> memref<768xf32, #tpu.memory_space<hbm>>
      %dma_start3A_25 = tpu.memref_slice %arg5[%mul3A_2] : memref<24576xf32, #tpu.memory_space<hbm>> -> memref<768xf32, #tpu.memory_space<hbm>>
      tpu.enqueue_dma source(%dma_start3A_25 : memref<768xf32, #tpu.memory_space<hbm>>) target(%arg9 : memref<768xf32, #tpu.memory_space<vmem>>) target_semaphore(%run_scoped3A : memref<!tpu.dma_semaphore, #tpu.memory_space<semaphore_mem>>)
      %dma_wait3A_26 = tpu.memref_slice %arg5[%mul3A_2] : memref<24576xf32, #tpu.memory_space<hbm>> -> memref<768xf32, #tpu.memory_space<hbm>>
      %dma_wait3A_27 = tpu.memref_slice %arg5[%mul3A_2] : memref<24576xf32, #tpu.memory_space<hbm>> -> memref<768xf32, #tpu.memory_space<hbm>>
      tpu.wait_dma2 semaphore(%run_scoped3A : memref<!tpu.dma_semaphore, #tpu.memory_space<semaphore_mem>>) src(%dma_wait3A_27 : memref<768xf32, #tpu.memory_space<hbm>>) dst(%arg9 : memref<768xf32, #tpu.memory_space<vmem>>)
      tpu.yield
    }) : () -> ()
    %dma_start3A = arith.constant 0 : i32
    %dma_start3A_3 = tpu.memref_slice %arg7[%dma_start3A] : memref<768xi32, #tpu.memory_space<vmem>> -> memref<16xi32, #tpu.memory_space<vmem>>
    %dma_start3A_4 = arith.constant 0 : i32
    %dma_start3A_5 = arith.constant 0 : i32
    %dma_start3A_6 = tpu.memref_slice %arg2[%dma_start3A_4, %dma_start3A_5] : memref<32768x1024xf32, #tpu.memory_space<hbm>> -> memref<32768x1024xf32, #tpu.memory_space<hbm>>
    tpu.enqueue_indirect_dma source(%dma_start3A_6 : memref<32768x1024xf32, #tpu.memory_space<hbm>>) target(%arg10 : memref<16x1024xf32, #tpu.memory_space<vmem>>) offsets(%dma_start3A_3 : memref<16xi32, #tpu.memory_space<vmem>>) semaphore(%arg16 : memref<!tpu.dma_semaphore, #tpu.memory_space<semaphore_mem>>)
    %dma_start3A_7 = arith.constant 0 : i32
    %dma_start3A_8 = tpu.memref_slice %arg8[%dma_start3A_7] : memref<768xi32, #tpu.memory_space<vmem>> -> memref<16xi32, #tpu.memory_space<vmem>>
    %dma_start3A_9 = arith.constant 0 : i32
    %dma_start3A_10 = arith.constant 0 : i32
    %dma_start3A_11 = tpu.memref_slice %arg2[%dma_start3A_9, %dma_start3A_10] : memref<32768x1024xf32, #tpu.memory_space<hbm>> -> memref<32768x1024xf32, #tpu.memory_space<hbm>>
    tpu.enqueue_indirect_dma source(%dma_start3A_11 : memref<32768x1024xf32, #tpu.memory_space<hbm>>) target(%arg12 : memref<16x1024xf32, #tpu.memory_space<vmem>>) offsets(%dma_start3A_8 : memref<16xi32, #tpu.memory_space<vmem>>) semaphore(%arg18 : memref<!tpu.dma_semaphore, #tpu.memory_space<semaphore_mem>>)
    %scan3A = arith.constant 0 : i32
    %scan3A_12 = arith.constant 0 : i32
    %scan3A_13 = arith.constant 24 : i32
    %scan3A_14 = arith.addi %scan3A_12, %scan3A_13 : i32
    %scan3A_15 = arith.constant 1 : i32
    scf.for %scan3A_24 = %scan3A_12 to %scan3A_14 step %scan3A_15  : i32 {
      %mul3A_25 = arith.constant 2 : i32
      %mul3A_26 = arith.muli %scan3A_24, %mul3A_25 : i32
      %add3A_27 = arith.constant 0 : i32
      %add3A_28 = arith.addi %mul3A_26, %add3A_27 : i32
      %mul3A_29 = arith.constant 16 : i32
      %mul3A_30 = arith.muli %add3A_28, %mul3A_29 : i32
      %lt3A = arith.constant 47 : i32
      %lt3A_31 = arith.cmpi slt, %add3A_28, %lt3A : i32
      %convert_element_type3A = arith.extui %lt3A_31 : i1 to i32
      %cond3A = arith.constant 0 : i32
      %cond3A_32 = arith.cmpi ne, %convert_element_type3A, %cond3A : i32
      scf.if %cond3A_32 {
        %add3A_91 = arith.constant 1 : i32
        %add3A_92 = arith.addi %add3A_28, %add3A_91 : i32
        %mul3A_93 = arith.constant 16 : i32
        %mul3A_94 = arith.muli %add3A_92, %mul3A_93 : i32
        %dma_start3A_95 = tpu.memref_slice %arg7[%mul3A_94] : memref<768xi32, #tpu.memory_space<vmem>> -> memref<16xi32, #tpu.memory_space<vmem>>
        %dma_start3A_96 = arith.constant 0 : i32
        %dma_start3A_97 = arith.constant 0 : i32
        %dma_start3A_98 = tpu.memref_slice %arg2[%dma_start3A_96, %dma_start3A_97] : memref<32768x1024xf32, #tpu.memory_space<hbm>> -> memref<32768x1024xf32, #tpu.memory_space<hbm>>
        tpu.enqueue_indirect_dma source(%dma_start3A_98 : memref<32768x1024xf32, #tpu.memory_space<hbm>>) target(%arg11 : memref<16x1024xf32, #tpu.memory_space<vmem>>) offsets(%dma_start3A_95 : memref<16xi32, #tpu.memory_space<vmem>>) semaphore(%arg17 : memref<!tpu.dma_semaphore, #tpu.memory_space<semaphore_mem>>)
        %dma_start3A_99 = tpu.memref_slice %arg8[%mul3A_94] : memref<768xi32, #tpu.memory_space<vmem>> -> memref<16xi32, #tpu.memory_space<vmem>>
        %dma_start3A_100 = arith.constant 0 : i32
        %dma_start3A_101 = arith.constant 0 : i32
        %dma_start3A_102 = tpu.memref_slice %arg2[%dma_start3A_100, %dma_start3A_101] : memref<32768x1024xf32, #tpu.memory_space<hbm>> -> memref<32768x1024xf32, #tpu.memory_space<hbm>>
        tpu.enqueue_indirect_dma source(%dma_start3A_102 : memref<32768x1024xf32, #tpu.memory_space<hbm>>) target(%arg13 : memref<16x1024xf32, #tpu.memory_space<vmem>>) offsets(%dma_start3A_99 : memref<16xi32, #tpu.memory_space<vmem>>) semaphore(%arg19 : memref<!tpu.dma_semaphore, #tpu.memory_space<semaphore_mem>>)
      } else {
      }
      %dma_wait3A_33 = tpu.memref_slice %arg7[%mul3A_30] : memref<768xi32, #tpu.memory_space<vmem>> -> memref<16xi32, #tpu.memory_space<vmem>>
      %dma_wait3A_34 = arith.constant 0 : i32
      %dma_wait3A_35 = arith.constant 0 : i32
      %dma_wait3A_36 = tpu.memref_slice %arg2[%dma_wait3A_34, %dma_wait3A_35] : memref<32768x1024xf32, #tpu.memory_space<hbm>> -> memref<32768x1024xf32, #tpu.memory_space<hbm>>
      tpu.wait_indirect_dma semaphore(%arg16 : memref<!tpu.dma_semaphore, #tpu.memory_space<semaphore_mem>>) src(%dma_wait3A_36 : memref<32768x1024xf32, #tpu.memory_space<hbm>>) dst(%arg10 : memref<16x1024xf32, #tpu.memory_space<vmem>>)
      %dma_wait3A_37 = tpu.memref_slice %arg8[%mul3A_30] : memref<768xi32, #tpu.memory_space<vmem>> -> memref<16xi32, #tpu.memory_space<vmem>>
      %dma_wait3A_38 = arith.constant 0 : i32
      %dma_wait3A_39 = arith.constant 0 : i32
      %dma_wait3A_40 = tpu.memref_slice %arg2[%dma_wait3A_38, %dma_wait3A_39] : memref<32768x1024xf32, #tpu.memory_space<hbm>> -> memref<32768x1024xf32, #tpu.memory_space<hbm>>
      tpu.wait_indirect_dma semaphore(%arg18 : memref<!tpu.dma_semaphore, #tpu.memory_space<semaphore_mem>>) src(%dma_wait3A_40 : memref<32768x1024xf32, #tpu.memory_space<hbm>>) dst(%arg12 : memref<16x1024xf32, #tpu.memory_space<vmem>>)
      %gt3A = arith.constant 0 : i32
      %gt3A_41 = arith.cmpi sgt, %scan3A_24, %gt3A : i32
      %convert_element_type3A_42 = arith.extui %gt3A_41 : i1 to i32
      %cond3A_43 = arith.constant 0 : i32
      %cond3A_44 = arith.cmpi ne, %convert_element_type3A_42, %cond3A_43 : i32
      scf.if %cond3A_44 {
        %dma_wait3A_91 = arith.constant 0 : i32
        %dma_wait3A_92 = tpu.memref_slice %arg6[%mul3A_2, %dma_wait3A_91] : memref<24576x1024xf32, #tpu.memory_space<hbm>> -> memref<16x1024xf32, #tpu.memory_space<hbm>>
        %dma_wait3A_93 = arith.constant 0 : i32
        %dma_wait3A_94 = tpu.memref_slice %arg6[%mul3A_2, %dma_wait3A_93] : memref<24576x1024xf32, #tpu.memory_space<hbm>> -> memref<16x1024xf32, #tpu.memory_space<hbm>>
        tpu.wait_dma2 semaphore(%arg20 : memref<!tpu.dma_semaphore, #tpu.memory_space<semaphore_mem>>) src(%arg14 : memref<16x1024xf32, #tpu.memory_space<vmem>>) dst(%dma_wait3A_94 : memref<16x1024xf32, #tpu.memory_space<hbm>>)
      } else {
      }
      %scan3A_45 = arith.constant 0 : i32
      %scan3A_46 = arith.constant 0 : i32
      %scan3A_47 = arith.constant 16 : i32
      %scan3A_48 = arith.addi %scan3A_46, %scan3A_47 : i32
      %scan3A_49 = arith.constant 1 : i32
      scf.for %scan3A_91 = %scan3A_46 to %scan3A_48 step %scan3A_49  : i32 {
        %add3A_92 = arith.addi %mul3A_30, %scan3A_91 : i32
        %broadcast_in_dim3A = vector.broadcast %add3A_92 : i32 to vector<16xi32>
        %gather3A = tpu.vector_load_idx %arg9[%broadcast_in_dim3A] : memref<768xf32, #tpu.memory_space<vmem>>[vector<16xi32>], vector<16xf32>,
        %sub3A = arith.constant 1.000000e+00 : f32
        %sub3A_93 = vector.broadcast %sub3A : f32 to vector<16xf32>
        %sub3A_94 = arith.subf %sub3A_93, %gather3A : vector<16xf32>
        %get3A = arith.index_cast %scan3A_91 : i32 to index
        %get3A_95 = arith.constant 0 : index
        %get3A_96 = tpu.vector_load %arg10[%get3A, %get3A_95] {strides = array<i32>} : memref<16x1024xf32, #tpu.memory_space<vmem>>, vector<16xf32>,
        %get3A_97 = arith.index_cast %scan3A_91 : i32 to index
        %get3A_98 = arith.constant 0 : index
        %get3A_99 = tpu.vector_load %arg12[%get3A_97, %get3A_98] {strides = array<i32>} : memref<16x1024xf32, #tpu.memory_space<vmem>>, vector<16xf32>,
        %mul3A_100 = arith.mulf %get3A_96, %sub3A_94 : vector<16xf32>
        %mul3A_101 = arith.mulf %get3A_99, %gather3A : vector<16xf32>
        %add3A_102 = arith.addf %mul3A_100, %mul3A_101 : vector<16xf32>
        %swap3A = arith.index_cast %scan3A_91 : i32 to index
        %swap3A_103 = arith.constant 0 : index
        %swap3A_104 = tpu.vector_load %arg14[%swap3A, %swap3A_103] {strides = array<i32>} : memref<16x1024xf32, #tpu.memory_space<vmem>>, vector<16xf32>,
        tpu.vector_store %arg14[%swap3A, %swap3A_103], %add3A_102 {strides = array<i32>} : memref<16x1024xf32, #tpu.memory_space<vmem>>, vector<16xf32>,
        %get3A_105 = arith.index_cast %scan3A_91 : i32 to index
        %get3A_106 = arith.constant 16 : index
        %get3A_107 = tpu.vector_load %arg10[%get3A_105, %get3A_106] {strides = array<i32>} : memref<16x1024xf32, #tpu.memory_space<vmem>>, vector<16xf32>,
        %get3A_108 = arith.index_cast %scan3A_91 : i32 to index
        %get3A_109 = arith.constant 16 : index
        %get3A_110 = tpu.vector_load %arg12[%get3A_108, %get3A_109] {strides = array<i32>} : memref<16x1024xf32, #tpu.memory_space<vmem>>, vector<16xf32>,
        %mul3A_111 = arith.mulf %get3A_107, %sub3A_94 : vector<16xf32>
        %mul3A_112 = arith.mulf %get3A_110, %gather3A : vector<16xf32>
        %add3A_113 = arith.addf %mul3A_111, %mul3A_112 : vector<16xf32>
        %swap3A_114 = arith.index_cast %scan3A_91 : i32 to index
        %swap3A_115 = arith.constant 16 : index
        %swap3A_116 = tpu.vector_load %arg14[%swap3A_114, %swap3A_115] {strides = array<i32>} : memref<16x1024xf32, #tpu.memory_space<vmem>>, vector<16xf32>,
        tpu.vector_store %arg14[%swap3A_114, %swap3A_115], %add3A_113 {strides = array<i32>} : memref<16x1024xf32, #tpu.memory_space<vmem>>, vector<16xf32>,
        %get3A_117 = arith.index_cast %scan3A_91 : i32 to index
        %get3A_118 = arith.constant 32 : index
        %get3A_119 = tpu.vector_load %arg10[%get3A_117, %get3A_118] {strides = array<i32>} : memref<16x1024xf32, #tpu.memory_space<vmem>>, vector<16xf32>,
        %get3A_120 = arith.index_cast %scan3A_91 : i32 to index
        %get3A_121 = arith.constant 32 : index
        %get3A_122 = tpu.vector_load %arg12[%get3A_120, %get3A_121] {strides = array<i32>} : memref<16x1024xf32, #tpu.memory_space<vmem>>, vector<16xf32>,
        %mul3A_123 = arith.mulf %get3A_119, %sub3A_94 : vector<16xf32>
        %mul3A_124 = arith.mulf %get3A_122, %gather3A : vector<16xf32>
        %add3A_125 = arith.addf %mul3A_123, %mul3A_124 : vector<16xf32>
        %swap3A_126 = arith.index_cast %scan3A_91 : i32 to index
        %swap3A_127 = arith.constant 32 : index
        %swap3A_128 = tpu.vector_load %arg14[%swap3A_126, %swap3A_127] {strides = array<i32>} : memref<16x1024xf32, #tpu.memory_space<vmem>>, vector<16xf32>,
        tpu.vector_store %arg14[%swap3A_126, %swap3A_127], %add3A_125 {strides = array<i32>} : memref<16x1024xf32, #tpu.memory_space<vmem>>, vector<16xf32>,
        %get3A_129 = arith.index_cast %scan3A_91 : i32 to index
        %get3A_130 = arith.constant 48 : index
        %get3A_131 = tpu.vector_load %arg10[%get3A_129, %get3A_130] {strides = array<i32>} : memref<16x1024xf32, #tpu.memory_space<vmem>>, vector<16xf32>,
        %get3A_132 = arith.index_cast %scan3A_91 : i32 to index
        %get3A_133 = arith.constant 48 : index
        %get3A_134 = tpu.vector_load %arg12[%get3A_132, %get3A_133] {strides = array<i32>} : memref<16x1024xf32, #tpu.memory_space<vmem>>, vector<16xf32>,
        %mul3A_135 = arith.mulf %get3A_131, %sub3A_94 : vector<16xf32>
        %mul3A_136 = arith.mulf %get3A_134, %gather3A : vector<16xf32>
        %add3A_137 = arith.addf %mul3A_135, %mul3A_136 : vector<16xf32>
        %swap3A_138 = arith.index_cast %scan3A_91 : i32 to index
        %swap3A_139 = arith.constant 48 : index
        %swap3A_140 = tpu.vector_load %arg14[%swap3A_138, %swap3A_139] {strides = array<i32>} : memref<16x1024xf32, #tpu.memory_space<vmem>>, vector<16xf32>,
        tpu.vector_store %arg14[%swap3A_138, %swap3A_139], %add3A_137 {strides = array<i32>} : memref<16x1024xf32, #tpu.memory_space<vmem>>, vector<16xf32>,
        %get3A_141 = arith.index_cast %scan3A_91 : i32 to index
        %get3A_142 = arith.constant 64 : index
        %get3A_143 = tpu.vector_load %arg10[%get3A_141, %get3A_142] {strides = array<i32>} : memref<16x1024xf32, #tpu.memory_space<vmem>>, vector<16xf32>,
        %get3A_144 = arith.index_cast %scan3A_91 : i32 to index
        %get3A_145 = arith.constant 64 : index
        %get3A_146 = tpu.vector_load %arg12[%get3A_144, %get3A_145] {strides = array<i32>} : memref<16x1024xf32, #tpu.memory_space<vmem>>, vector<16xf32>,
        %mul3A_147 = arith.mulf %get3A_143, %sub3A_94 : vector<16xf32>
        %mul3A_148 = arith.mulf %get3A_146, %gather3A : vector<16xf32>
        %add3A_149 = arith.addf %mul3A_147, %mul3A_148 : vector<16xf32>
        %swap3A_150 = arith.index_cast %scan3A_91 : i32 to index
        %swap3A_151 = arith.constant 64 : index
        %swap3A_152 = tpu.vector_load %arg14[%swap3A_150, %swap3A_151] {strides = array<i32>} : memref<16x1024xf32, #tpu.memory_space<vmem>>, vector<16xf32>,
        tpu.vector_store %arg14[%swap3A_150, %swap3A_151], %add3A_149 {strides = array<i32>} : memref<16x1024xf32, #tpu.memory_space<vmem>>, vector<16xf32>,
        %get3A_153 = arith.index_cast %scan3A_91 : i32 to index
        %get3A_154 = arith.constant 80 : index
        %get3A_155 = tpu.vector_load %arg10[%get3A_153, %get3A_154] {strides = array<i32>} : memref<16x1024xf32, #tpu.memory_space<vmem>>, vector<16xf32>,
        %get3A_156 = arith.index_cast %scan3A_91 : i32 to index
        %get3A_157 = arith.constant 80 : index
        %get3A_158 = tpu.vector_load %arg12[%get3A_156, %get3A_157] {strides = array<i32>} : memref<16x1024xf32, #tpu.memory_space<vmem>>, vector<16xf32>,
        %mul3A_159 = arith.mulf %get3A_155, %sub3A_94 : vector<16xf32>
        %mul3A_160 = arith.mulf %get3A_158, %gather3A : vector<16xf32>
        %add3A_161 = arith.addf %mul3A_159, %mul3A_160 : vector<16xf32>
        %swap3A_162 = arith.index_cast %scan3A_91 : i32 to index
        %swap3A_163 = arith.constant 80 : index
        %swap3A_164 = tpu.vector_load %arg14[%swap3A_162, %swap3A_163] {strides = array<i32>} : memref<16x1024xf32, #tpu.memory_space<vmem>>, vector<16xf32>,
        tpu.vector_store %arg14[%swap3A_162, %swap3A_163], %add3A_161 {strides = array<i32>} : memref<16x1024xf32, #tpu.memory_space<vmem>>, vector<16xf32>,
        %get3A_165 = arith.index_cast %scan3A_91 : i32 to index
        %get3A_166 = arith.constant 96 : index
        %get3A_167 = tpu.vector_load %arg10[%get3A_165, %get3A_166] {strides = array<i32>} : memref<16x1024xf32, #tpu.memory_space<vmem>>, vector<16xf32>,
        %get3A_168 = arith.index_cast %scan3A_91 : i32 to index
        %get3A_169 = arith.constant 96 : index
        %get3A_170 = tpu.vector_load %arg12[%get3A_168, %get3A_169] {strides = array<i32>} : memref<16x1024xf32, #tpu.memory_space<vmem>>, vector<16xf32>,
        %mul3A_171 = arith.mulf %get3A_167, %sub3A_94 : vector<16xf32>
        %mul3A_172 = arith.mulf %get3A_170, %gather3A : vector<16xf32>
        %add3A_173 = arith.addf %mul3A_171, %mul3A_172 : vector<16xf32>
        %swap3A_174 = arith.index_cast %scan3A_91 : i32 to index
        %swap3A_175 = arith.constant 96 : index
        %swap3A_176 = tpu.vector_load %arg14[%swap3A_174, %swap3A_175] {strides = array<i32>} : memref<16x1024xf32, #tpu.memory_space<vmem>>, vector<16xf32>,
        tpu.vector_store %arg14[%swap3A_174, %swap3A_175], %add3A_173 {strides = array<i32>} : memref<16x1024xf32, #tpu.memory_space<vmem>>, vector<16xf32>,
        %get3A_177 = arith.index_cast %scan3A_91 : i32 to index
        %get3A_178 = arith.constant 112 : index
        %get3A_179 = tpu.vector_load %arg10[%get3A_177, %get3A_178] {strides = array<i32>} : memref<16x1024xf32, #tpu.memory_space<vmem>>, vector<16xf32>,
        %get3A_180 = arith.index_cast %scan3A_91 : i32 to index
        %get3A_181 = arith.constant 112 : index
        %get3A_182 = tpu.vector_load %arg12[%get3A_180, %get3A_181] {strides = array<i32>} : memref<16x1024xf32, #tpu.memory_space<vmem>>, vector<16xf32>,
        %mul3A_183 = arith.mulf %get3A_179, %sub3A_94 : vector<16xf32>
        %mul3A_184 = arith.mulf %get3A_182, %gather3A : vector<16xf32>
        %add3A_185 = arith.addf %mul3A_183, %mul3A_184 : vector<16xf32>
        %swap3A_186 = arith.index_cast %scan3A_91 : i32 to index
        %swap3A_187 = arith.constant 112 : index
        %swap3A_188 = tpu.vector_load %arg14[%swap3A_186, %swap3A_187] {strides = array<i32>} : memref<16x1024xf32, #tpu.memory_space<vmem>>, vector<16xf32>,
        tpu.vector_store %arg14[%swap3A_186, %swap3A_187], %add3A_185 {strides = array<i32>} : memref<16x1024xf32, #tpu.memory_space<vmem>>, vector<16xf32>,
        %get3A_189 = arith.index_cast %scan3A_91 : i32 to index
        %get3A_190 = arith.constant 128 : index
        %get3A_191 = tpu.vector_load %arg10[%get3A_189, %get3A_190] {strides = array<i32>} : memref<16x1024xf32, #tpu.memory_space<vmem>>, vector<16xf32>,
        %get3A_192 = arith.index_cast %scan3A_91 : i32 to index
        %get3A_193 = arith.constant 128 : index
        %get3A_194 = tpu.vector_load %arg12[%get3A_192, %get3A_193] {strides = array<i32>} : memref<16x1024xf32, #tpu.memory_space<vmem>>, vector<16xf32>,
        %mul3A_195 = arith.mulf %get3A_191, %sub3A_94 : vector<16xf32>
        %mul3A_196 = arith.mulf %get3A_194, %gather3A : vector<16xf32>
        %add3A_197 = arith.addf %mul3A_195, %mul3A_196 : vector<16xf32>
        %swap3A_198 = arith.index_cast %scan3A_91 : i32 to index
        %swap3A_199 = arith.constant 128 : index
        %swap3A_200 = tpu.vector_load %arg14[%swap3A_198, %swap3A_199] {strides = array<i32>} : memref<16x1024xf32, #tpu.memory_space<vmem>>, vector<16xf32>,
        tpu.vector_store %arg14[%swap3A_198, %swap3A_199], %add3A_197 {strides = array<i32>} : memref<16x1024xf32, #tpu.memory_space<vmem>>, vector<16xf32>,
        %get3A_201 = arith.index_cast %scan3A_91 : i32 to index
        %get3A_202 = arith.constant 144 : index
        %get3A_203 = tpu.vector_load %arg10[%get3A_201, %get3A_202] {strides = array<i32>} : memref<16x1024xf32, #tpu.memory_space<vmem>>, vector<16xf32>,
        %get3A_204 = arith.index_cast %scan3A_91 : i32 to index
        %get3A_205 = arith.constant 144 : index
        %get3A_206 = tpu.vector_load %arg12[%get3A_204, %get3A_205] {strides = array<i32>} : memref<16x1024xf32, #tpu.memory_space<vmem>>, vector<16xf32>,
        %mul3A_207 = arith.mulf %get3A_203, %sub3A_94 : vector<16xf32>
        %mul3A_208 = arith.mulf %get3A_206, %gather3A : vector<16xf32>
        %add3A_209 = arith.addf %mul3A_207, %mul3A_208 : vector<16xf32>
        %swap3A_210 = arith.index_cast %scan3A_91 : i32 to index
        %swap3A_211 = arith.constant 144 : index
        %swap3A_212 = tpu.vector_load %arg14[%swap3A_210, %swap3A_211] {strides = array<i32>} : memref<16x1024xf32, #tpu.memory_space<vmem>>, vector<16xf32>,
        tpu.vector_store %arg14[%swap3A_210, %swap3A_211], %add3A_209 {strides = array<i32>} : memref<16x1024xf32, #tpu.memory_space<vmem>>, vector<16xf32>,
        %get3A_213 = arith.index_cast %scan3A_91 : i32 to index
        %get3A_214 = arith.constant 160 : index
        %get3A_215 = tpu.vector_load %arg10[%get3A_213, %get3A_214] {strides = array<i32>} : memref<16x1024xf32, #tpu.memory_space<vmem>>, vector<16xf32>,
        %get3A_216 = arith.index_cast %scan3A_91 : i32 to index
        %get3A_217 = arith.constant 160 : index
        %get3A_218 = tpu.vector_load %arg12[%get3A_216, %get3A_217] {strides = array<i32>} : memref<16x1024xf32, #tpu.memory_space<vmem>>, vector<16xf32>,
        %mul3A_219 = arith.mulf %get3A_215, %sub3A_94 : vector<16xf32>
        %mul3A_220 = arith.mulf %get3A_218, %gather3A : vector<16xf32>
        %add3A_221 = arith.addf %mul3A_219, %mul3A_220 : vector<16xf32>
        %swap3A_222 = arith.index_cast %scan3A_91 : i32 to index
        %swap3A_223 = arith.constant 160 : index
        %swap3A_224 = tpu.vector_load %arg14[%swap3A_222, %swap3A_223] {strides = array<i32>} : memref<16x1024xf32, #tpu.memory_space<vmem>>, vector<16xf32>,
        tpu.vector_store %arg14[%swap3A_222, %swap3A_223], %add3A_221 {strides = array<i32>} : memref<16x1024xf32, #tpu.memory_space<vmem>>, vector<16xf32>,
        %get3A_225 = arith.index_cast %scan3A_91 : i32 to index
        %get3A_226 = arith.constant 176 : index
        %get3A_227 = tpu.vector_load %arg10[%get3A_225, %get3A_226] {strides = array<i32>} : memref<16x1024xf32, #tpu.memory_space<vmem>>, vector<16xf32>,
        %get3A_228 = arith.index_cast %scan3A_91 : i32 to index
        %get3A_229 = arith.constant 176 : index
        %get3A_230 = tpu.vector_load %arg12[%get3A_228, %get3A_229] {strides = array<i32>} : memref<16x1024xf32, #tpu.memory_space<vmem>>, vector<16xf32>,
        %mul3A_231 = arith.mulf %get3A_227, %sub3A_94 : vector<16xf32>
        %mul3A_232 = arith.mulf %get3A_230, %gather3A : vector<16xf32>
        %add3A_233 = arith.addf %mul3A_231, %mul3A_232 : vector<16xf32>
        %swap3A_234 = arith.index_cast %scan3A_91 : i32 to index
        %swap3A_235 = arith.constant 176 : index
        %swap3A_236 = tpu.vector_load %arg14[%swap3A_234, %swap3A_235] {strides = array<i32>} : memref<16x1024xf32, #tpu.memory_space<vmem>>, vector<16xf32>,
        tpu.vector_store %arg14[%swap3A_234, %swap3A_235], %add3A_233 {strides = array<i32>} : memref<16x1024xf32, #tpu.memory_space<vmem>>, vector<16xf32>,
        %get3A_237 = arith.index_cast %scan3A_91 : i32 to index
        %get3A_238 = arith.constant 192 : index
        %get3A_239 = tpu.vector_load %arg10[%get3A_237, %get3A_238] {strides = array<i32>} : memref<16x1024xf32, #tpu.memory_space<vmem>>, vector<16xf32>,
        %get3A_240 = arith.index_cast %scan3A_91 : i32 to index
        %get3A_241 = arith.constant 192 : index
        %get3A_242 = tpu.vector_load %arg12[%get3A_240, %get3A_241] {strides = array<i32>} : memref<16x1024xf32, #tpu.memory_space<vmem>>, vector<16xf32>,
        %mul3A_243 = arith.mulf %get3A_239, %sub3A_94 : vector<16xf32>
        %mul3A_244 = arith.mulf %get3A_242, %gather3A : vector<16xf32>
        %add3A_245 = arith.addf %mul3A_243, %mul3A_244 : vector<16xf32>
        %swap3A_246 = arith.index_cast %scan3A_91 : i32 to index
        %swap3A_247 = arith.constant 192 : index
        %swap3A_248 = tpu.vector_load %arg14[%swap3A_246, %swap3A_247] {strides = array<i32>} : memref<16x1024xf32, #tpu.memory_space<vmem>>, vector<16xf32>,
        tpu.vector_store %arg14[%swap3A_246, %swap3A_247], %add3A_245 {strides = array<i32>} : memref<16x1024xf32, #tpu.memory_space<vmem>>, vector<16xf32>,
        %get3A_249 = arith.index_cast %scan3A_91 : i32 to index
        %get3A_250 = arith.constant 208 : index
        %get3A_251 = tpu.vector_load %arg10[%get3A_249, %get3A_250] {strides = array<i32>} : memref<16x1024xf32, #tpu.memory_space<vmem>>, vector<16xf32>,
        %get3A_252 = arith.index_cast %scan3A_91 : i32 to index
        %get3A_253 = arith.constant 208 : index
        %get3A_254 = tpu.vector_load %arg12[%get3A_252, %get3A_253] {strides = array<i32>} : memref<16x1024xf32, #tpu.memory_space<vmem>>, vector<16xf32>,
        %mul3A_255 = arith.mulf %get3A_251, %sub3A_94 : vector<16xf32>
        %mul3A_256 = arith.mulf %get3A_254, %gather3A : vector<16xf32>
        %add3A_257 = arith.addf %mul3A_255, %mul3A_256 : vector<16xf32>
        %swap3A_258 = arith.index_cast %scan3A_91 : i32 to index
        %swap3A_259 = arith.constant 208 : index
        %swap3A_260 = tpu.vector_load %arg14[%swap3A_258, %swap3A_259] {strides = array<i32>} : memref<16x1024xf32, #tpu.memory_space<vmem>>, vector<16xf32>,
        tpu.vector_store %arg14[%swap3A_258, %swap3A_259], %add3A_257 {strides = array<i32>} : memref<16x1024xf32, #tpu.memory_space<vmem>>, vector<16xf32>,
        %get3A_261 = arith.index_cast %scan3A_91 : i32 to index
        %get3A_262 = arith.constant 224 : index
        %get3A_263 = tpu.vector_load %arg10[%get3A_261, %get3A_262] {strides = array<i32>} : memref<16x1024xf32, #tpu.memory_space<vmem>>, vector<16xf32>,
        %get3A_264 = arith.index_cast %scan3A_91 : i32 to index
        %get3A_265 = arith.constant 224 : index
        %get3A_266 = tpu.vector_load %arg12[%get3A_264, %get3A_265] {strides = array<i32>} : memref<16x1024xf32, #tpu.memory_space<vmem>>, vector<16xf32>,
        %mul3A_267 = arith.mulf %get3A_263, %sub3A_94 : vector<16xf32>
        %mul3A_268 = arith.mulf %get3A_266, %gather3A : vector<16xf32>
        %add3A_269 = arith.addf %mul3A_267, %mul3A_268 : vector<16xf32>
        %swap3A_270 = arith.index_cast %scan3A_91 : i32 to index
        %swap3A_271 = arith.constant 224 : index
        %swap3A_272 = tpu.vector_load %arg14[%swap3A_270, %swap3A_271] {strides = array<i32>} : memref<16x1024xf32, #tpu.memory_space<vmem>>, vector<16xf32>,
        tpu.vector_store %arg14[%swap3A_270, %swap3A_271], %add3A_269 {strides = array<i32>} : memref<16x1024xf32, #tpu.memory_space<vmem>>, vector<16xf32>,
        %get3A_273 = arith.index_cast %scan3A_91 : i32 to index
        %get3A_274 = arith.constant 240 : index
        %get3A_275 = tpu.vector_load %arg10[%get3A_273, %get3A_274] {strides = array<i32>} : memref<16x1024xf32, #tpu.memory_space<vmem>>, vector<16xf32>,
        %get3A_276 = arith.index_cast %scan3A_91 : i32 to index
        %get3A_277 = arith.constant 240 : index
        %get3A_278 = tpu.vector_load %arg12[%get3A_276, %get3A_277] {strides = array<i32>} : memref<16x1024xf32, #tpu.memory_space<vmem>>, vector<16xf32>,
        %mul3A_279 = arith.mulf %get3A_275, %sub3A_94 : vector<16xf32>
        %mul3A_280 = arith.mulf %get3A_278, %gather3A : vector<16xf32>
        %add3A_281 = arith.addf %mul3A_279, %mul3A_280 : vector<16xf32>
        %swap3A_282 = arith.index_cast %scan3A_91 : i32 to index
        %swap3A_283 = arith.constant 240 : index
        %swap3A_284 = tpu.vector_load %arg14[%swap3A_282, %swap3A_283] {strides = array<i32>} : memref<16x1024xf32, #tpu.memory_space<vmem>>, vector<16xf32>,
        tpu.vector_store %arg14[%swap3A_282, %swap3A_283], %add3A_281 {strides = array<i32>} : memref<16x1024xf32, #tpu.memory_space<vmem>>, vector<16xf32>,
        %get3A_285 = arith.index_cast %scan3A_91 : i32 to index
        %get3A_286 = arith.constant 256 : index
        %get3A_287 = tpu.vector_load %arg10[%get3A_285, %get3A_286] {strides = array<i32>} : memref<16x1024xf32, #tpu.memory_space<vmem>>, vector<16xf32>,
        %get3A_288 = arith.index_cast %scan3A_91 : i32 to index
        %get3A_289 = arith.constant 256 : index
        %get3A_290 = tpu.vector_load %arg12[%get3A_288, %get3A_289] {strides = array<i32>} : memref<16x1024xf32, #tpu.memory_space<vmem>>, vector<16xf32>,
        %mul3A_291 = arith.mulf %get3A_287, %sub3A_94 : vector<16xf32>
        %mul3A_292 = arith.mulf %get3A_290, %gather3A : vector<16xf32>
        %add3A_293 = arith.addf %mul3A_291, %mul3A_292 : vector<16xf32>
        %swap3A_294 = arith.index_cast %scan3A_91 : i32 to index
        %swap3A_295 = arith.constant 256 : index
        %swap3A_296 = tpu.vector_load %arg14[%swap3A_294, %swap3A_295] {strides = array<i32>} : memref<16x1024xf32, #tpu.memory_space<vmem>>, vector<16xf32>,
        tpu.vector_store %arg14[%swap3A_294, %swap3A_295], %add3A_293 {strides = array<i32>} : memref<16x1024xf32, #tpu.memory_space<vmem>>, vector<16xf32>,
        %get3A_297 = arith.index_cast %scan3A_91 : i32 to index
        %get3A_298 = arith.constant 272 : index
        %get3A_299 = tpu.vector_load %arg10[%get3A_297, %get3A_298] {strides = array<i32>} : memref<16x1024xf32, #tpu.memory_space<vmem>>, vector<16xf32>,
        %get3A_300 = arith.index_cast %scan3A_91 : i32 to index
        %get3A_301 = arith.constant 272 : index
        %get3A_302 = tpu.vector_load %arg12[%get3A_300, %get3A_301] {strides = array<i32>} : memref<16x1024xf32, #tpu.memory_space<vmem>>, vector<16xf32>,
        %mul3A_303 = arith.mulf %get3A_299, %sub3A_94 : vector<16xf32>
        %mul3A_304 = arith.mulf %get3A_302, %gather3A : vector<16xf32>
        %add3A_305 = arith.addf %mul3A_303, %mul3A_304 : vector<16xf32>
        %swap3A_306 = arith.index_cast %scan3A_91 : i32 to index
        %swap3A_307 = arith.constant 272 : index
        %swap3A_308 = tpu.vector_load %arg14[%swap3A_306, %swap3A_307] {strides = array<i32>} : memref<16x1024xf32, #tpu.memory_space<vmem>>, vector<16xf32>,
        tpu.vector_store %arg14[%swap3A_306, %swap3A_307], %add3A_305 {strides = array<i32>} : memref<16x1024xf32, #tpu.memory_space<vmem>>, vector<16xf32>,
        %get3A_309 = arith.index_cast %scan3A_91 : i32 to index
        %get3A_310 = arith.constant 288 : index
        %get3A_311 = tpu.vector_load %arg10[%get3A_309, %get3A_310] {strides = array<i32>} : memref<16x1024xf32, #tpu.memory_space<vmem>>, vector<16xf32>,
        %get3A_312 = arith.index_cast %scan3A_91 : i32 to index
        %get3A_313 = arith.constant 288 : index
        %get3A_314 = tpu.vector_load %arg12[%get3A_312, %get3A_313] {strides = array<i32>} : memref<16x1024xf32, #tpu.memory_space<vmem>>, vector<16xf32>,
        %mul3A_315 = arith.mulf %get3A_311, %sub3A_94 : vector<16xf32>
        %mul3A_316 = arith.mulf %get3A_314, %gather3A : vector<16xf32>
        %add3A_317 = arith.addf %mul3A_315, %mul3A_316 : vector<16xf32>
        %swap3A_318 = arith.index_cast %scan3A_91 : i32 to index
        %swap3A_319 = arith.constant 288 : index
        %swap3A_320 = tpu.vector_load %arg14[%swap3A_318, %swap3A_319] {strides = array<i32>} : memref<16x1024xf32, #tpu.memory_space<vmem>>, vector<16xf32>,
        tpu.vector_store %arg14[%swap3A_318, %swap3A_319], %add3A_317 {strides = array<i32>} : memref<16x1024xf32, #tpu.memory_space<vmem>>, vector<16xf32>,
        %get3A_321 = arith.index_cast %scan3A_91 : i32 to index
        %get3A_322 = arith.constant 304 : index
        %get3A_323 = tpu.vector_load %arg10[%get3A_321, %get3A_322] {strides = array<i32>} : memref<16x1024xf32, #tpu.memory_space<vmem>>, vector<16xf32>,
        %get3A_324 = arith.index_cast %scan3A_91 : i32 to index
        %get3A_325 = arith.constant 304 : index
        %get3A_326 = tpu.vector_load %arg12[%get3A_324, %get3A_325] {strides = array<i32>} : memref<16x1024xf32, #tpu.memory_space<vmem>>, vector<16xf32>,
        %mul3A_327 = arith.mulf %get3A_323, %sub3A_94 : vector<16xf32>
        %mul3A_328 = arith.mulf %get3A_326, %gather3A : vector<16xf32>
        %add3A_329 = arith.addf %mul3A_327, %mul3A_328 : vector<16xf32>
        %swap3A_330 = arith.index_cast %scan3A_91 : i32 to index
        %swap3A_331 = arith.constant 304 : index
        %swap3A_332 = tpu.vector_load %arg14[%swap3A_330, %swap3A_331] {strides = array<i32>} : memref<16x1024xf32, #tpu.memory_space<vmem>>, vector<16xf32>,
        tpu.vector_store %arg14[%swap3A_330, %swap3A_331], %add3A_329 {strides = array<i32>} : memref<16x1024xf32, #tpu.memory_space<vmem>>, vector<16xf32>,
        %get3A_333 = arith.index_cast %scan3A_91 : i32 to index
        %get3A_334 = arith.constant 320 : index
        %get3A_335 = tpu.vector_load %arg10[%get3A_333, %get3A_334] {strides = array<i32>} : memref<16x1024xf32, #tpu.memory_space<vmem>>, vector<16xf32>,
        %get3A_336 = arith.index_cast %scan3A_91 : i32 to index
        %get3A_337 = arith.constant 320 : index
        %get3A_338 = tpu.vector_load %arg12[%get3A_336, %get3A_337] {strides = array<i32>} : memref<16x1024xf32, #tpu.memory_space<vmem>>, vector<16xf32>,
        %mul3A_339 = arith.mulf %get3A_335, %sub3A_94 : vector<16xf32>
        %mul3A_340 = arith.mulf %get3A_338, %gather3A : vector<16xf32>
        %add3A_341 = arith.addf %mul3A_339, %mul3A_340 : vector<16xf32>
        %swap3A_342 = arith.index_cast %scan3A_91 : i32 to index
        %swap3A_343 = arith.constant 320 : index
        %swap3A_344 = tpu.vector_load %arg14[%swap3A_342, %swap3A_343] {strides = array<i32>} : memref<16x1024xf32, #tpu.memory_space<vmem>>, vector<16xf32>,
        tpu.vector_store %arg14[%swap3A_342, %swap3A_343], %add3A_341 {strides = array<i32>} : memref<16x1024xf32, #tpu.memory_space<vmem>>, vector<16xf32>,
        %get3A_345 = arith.index_cast %scan3A_91 : i32 to index
        %get3A_346 = arith.constant 336 : index
        %get3A_347 = tpu.vector_load %arg10[%get3A_345, %get3A_346] {strides = array<i32>} : memref<16x1024xf32, #tpu.memory_space<vmem>>, vector<16xf32>,
        %get3A_348 = arith.index_cast %scan3A_91 : i32 to index
        %get3A_349 = arith.constant 336 : index
        %get3A_350 = tpu.vector_load %arg12[%get3A_348, %get3A_349] {strides = array<i32>} : memref<16x1024xf32, #tpu.memory_space<vmem>>, vector<16xf32>,
        %mul3A_351 = arith.mulf %get3A_347, %sub3A_94 : vector<16xf32>
        %mul3A_352 = arith.mulf %get3A_350, %gather3A : vector<16xf32>
        %add3A_353 = arith.addf %mul3A_351, %mul3A_352 : vector<16xf32>
        %swap3A_354 = arith.index_cast %scan3A_91 : i32 to index
        %swap3A_355 = arith.constant 336 : index
        %swap3A_356 = tpu.vector_load %arg14[%swap3A_354, %swap3A_355] {strides = array<i32>} : memref<16x1024xf32, #tpu.memory_space<vmem>>, vector<16xf32>,
        tpu.vector_store %arg14[%swap3A_354, %swap3A_355], %add3A_353 {strides = array<i32>} : memref<16x1024xf32, #tpu.memory_space<vmem>>, vector<16xf32>,
        %get3A_357 = arith.index_cast %scan3A_91 : i32 to index
        %get3A_358 = arith.constant 352 : index
        %get3A_359 = tpu.vector_load %arg10[%get3A_357, %get3A_358] {strides = array<i32>} : memref<16x1024xf32, #tpu.memory_space<vmem>>, vector<16xf32>,
        %get3A_360 = arith.index_cast %scan3A_91 : i32 to index
        %get3A_361 = arith.constant 352 : index
        %get3A_362 = tpu.vector_load %arg12[%get3A_360, %get3A_361] {strides = array<i32>} : memref<16x1024xf32, #tpu.memory_space<vmem>>, vector<16xf32>,
        %mul3A_363 = arith.mulf %get3A_359, %sub3A_94 : vector<16xf32>
        %mul3A_364 = arith.mulf %get3A_362, %gather3A : vector<16xf32>
        %add3A_365 = arith.addf %mul3A_363, %mul3A_364 : vector<16xf32>
        %swap3A_366 = arith.index_cast %scan3A_91 : i32 to index
        %swap3A_367 = arith.constant 352 : index
        %swap3A_368 = tpu.vector_load %arg14[%swap3A_366, %swap3A_367] {strides = array<i32>} : memref<16x1024xf32, #tpu.memory_space<vmem>>, vector<16xf32>,
        tpu.vector_store %arg14[%swap3A_366, %swap3A_367], %add3A_365 {strides = array<i32>} : memref<16x1024xf32, #tpu.memory_space<vmem>>, vector<16xf32>,
        %get3A_369 = arith.index_cast %scan3A_91 : i32 to index
        %get3A_370 = arith.constant 368 : index
        %get3A_371 = tpu.vector_load %arg10[%get3A_369, %get3A_370] {strides = array<i32>} : memref<16x1024xf32, #tpu.memory_space<vmem>>, vector<16xf32>,
        %get3A_372 = arith.index_cast %scan3A_91 : i32 to index
        %get3A_373 = arith.constant 368 : index
        %get3A_374 = tpu.vector_load %arg12[%get3A_372, %get3A_373] {strides = array<i32>} : memref<16x1024xf32, #tpu.memory_space<vmem>>, vector<16xf32>,
        %mul3A_375 = arith.mulf %get3A_371, %sub3A_94 : vector<16xf32>
        %mul3A_376 = arith.mulf %get3A_374, %gather3A : vector<16xf32>
        %add3A_377 = arith.addf %mul3A_375, %mul3A_376 : vector<16xf32>
        %swap3A_378 = arith.index_cast %scan3A_91 : i32 to index
        %swap3A_379 = arith.constant 368 : index
        %swap3A_380 = tpu.vector_load %arg14[%swap3A_378, %swap3A_379] {strides = array<i32>} : memref<16x1024xf32, #tpu.memory_space<vmem>>, vector<16xf32>,
        tpu.vector_store %arg14[%swap3A_378, %swap3A_379], %add3A_377 {strides = array<i32>} : memref<16x1024xf32, #tpu.memory_space<vmem>>, vector<16xf32>,
        %get3A_381 = arith.index_cast %scan3A_91 : i32 to index
        %get3A_382 = arith.constant 384 : index
        %get3A_383 = tpu.vector_load %arg10[%get3A_381, %get3A_382] {strides = array<i32>} : memref<16x1024xf32, #tpu.memory_space<vmem>>, vector<16xf32>,
        %get3A_384 = arith.index_cast %scan3A_91 : i32 to index
        %get3A_385 = arith.constant 384 : index
        %get3A_386 = tpu.vector_load %arg12[%get3A_384, %get3A_385] {strides = array<i32>} : memref<16x1024xf32, #tpu.memory_space<vmem>>, vector<16xf32>,
        %mul3A_387 = arith.mulf %get3A_383, %sub3A_94 : vector<16xf32>
        %mul3A_388 = arith.mulf %get3A_386, %gather3A : vector<16xf32>
        %add3A_389 = arith.addf %mul3A_387, %mul3A_388 : vector<16xf32>
        %swap3A_390 = arith.index_cast %scan3A_91 : i32 to index
        %swap3A_391 = arith.constant 384 : index
        %swap3A_392 = tpu.vector_load %arg14[%swap3A_390, %swap3A_391] {strides = array<i32>} : memref<16x1024xf32, #tpu.memory_space<vmem>>, vector<16xf32>,
        tpu.vector_store %arg14[%swap3A_390, %swap3A_391], %add3A_389 {strides = array<i32>} : memref<16x1024xf32, #tpu.memory_space<vmem>>, vector<16xf32>,
        %get3A_393 = arith.index_cast %scan3A_91 : i32 to index
        %get3A_394 = arith.constant 400 : index
        %get3A_395 = tpu.vector_load %arg10[%get3A_393, %get3A_394] {strides = array<i32>} : memref<16x1024xf32, #tpu.memory_space<vmem>>, vector<16xf32>,
        %get3A_396 = arith.index_cast %scan3A_91 : i32 to index
        %get3A_397 = arith.constant 400 : index
        %get3A_398 = tpu.vector_load %arg12[%get3A_396, %get3A_397] {strides = array<i32>} : memref<16x1024xf32, #tpu.memory_space<vmem>>, vector<16xf32>,
        %mul3A_399 = arith.mulf %get3A_395, %sub3A_94 : vector<16xf32>
        %mul3A_400 = arith.mulf %get3A_398, %gather3A : vector<16xf32>
        %add3A_401 = arith.addf %mul3A_399, %mul3A_400 : vector<16xf32>
        %swap3A_402 = arith.index_cast %scan3A_91 : i32 to index
        %swap3A_403 = arith.constant 400 : index
        %swap3A_404 = tpu.vector_load %arg14[%swap3A_402, %swap3A_403] {strides = array<i32>} : memref<16x1024xf32, #tpu.memory_space<vmem>>, vector<16xf32>,
        tpu.vector_store %arg14[%swap3A_402, %swap3A_403], %add3A_401 {strides = array<i32>} : memref<16x1024xf32, #tpu.memory_space<vmem>>, vector<16xf32>,
        %get3A_405 = arith.index_cast %scan3A_91 : i32 to index
        %get3A_406 = arith.constant 416 : index
        %get3A_407 = tpu.vector_load %arg10[%get3A_405, %get3A_406] {strides = array<i32>} : memref<16x1024xf32, #tpu.memory_space<vmem>>, vector<16xf32>,
        %get3A_408 = arith.index_cast %scan3A_91 : i32 to index
        %get3A_409 = arith.constant 416 : index
        %get3A_410 = tpu.vector_load %arg12[%get3A_408, %get3A_409] {strides = array<i32>} : memref<16x1024xf32, #tpu.memory_space<vmem>>, vector<16xf32>,
        %mul3A_411 = arith.mulf %get3A_407, %sub3A_94 : vector<16xf32>
        %mul3A_412 = arith.mulf %get3A_410, %gather3A : vector<16xf32>
        %add3A_413 = arith.addf %mul3A_411, %mul3A_412 : vector<16xf32>
        %swap3A_414 = arith.index_cast %scan3A_91 : i32 to index
        %swap3A_415 = arith.constant 416 : index
        %swap3A_416 = tpu.vector_load %arg14[%swap3A_414, %swap3A_415] {strides = array<i32>} : memref<16x1024xf32, #tpu.memory_space<vmem>>, vector<16xf32>,
        tpu.vector_store %arg14[%swap3A_414, %swap3A_415], %add3A_413 {strides = array<i32>} : memref<16x1024xf32, #tpu.memory_space<vmem>>, vector<16xf32>,
        %get3A_417 = arith.index_cast %scan3A_91 : i32 to index
        %get3A_418 = arith.constant 432 : index
        %get3A_419 = tpu.vector_load %arg10[%get3A_417, %get3A_418] {strides = array<i32>} : memref<16x1024xf32, #tpu.memory_space<vmem>>, vector<16xf32>,
        %get3A_420 = arith.index_cast %scan3A_91 : i32 to index
        %get3A_421 = arith.constant 432 : index
        %get3A_422 = tpu.vector_load %arg12[%get3A_420, %get3A_421] {strides = array<i32>} : memref<16x1024xf32, #tpu.memory_space<vmem>>, vector<16xf32>,
        %mul3A_423 = arith.mulf %get3A_419, %sub3A_94 : vector<16xf32>
        %mul3A_424 = arith.mulf %get3A_422, %gather3A : vector<16xf32>
        %add3A_425 = arith.addf %mul3A_423, %mul3A_424 : vector<16xf32>
        %swap3A_426 = arith.index_cast %scan3A_91 : i32 to index
        %swap3A_427 = arith.constant 432 : index
        %swap3A_428 = tpu.vector_load %arg14[%swap3A_426, %swap3A_427] {strides = array<i32>} : memref<16x1024xf32, #tpu.memory_space<vmem>>, vector<16xf32>,
        tpu.vector_store %arg14[%swap3A_426, %swap3A_427], %add3A_425 {strides = array<i32>} : memref<16x1024xf32, #tpu.memory_space<vmem>>, vector<16xf32>,
        %get3A_429 = arith.index_cast %scan3A_91 : i32 to index
        %get3A_430 = arith.constant 448 : index
        %get3A_431 = tpu.vector_load %arg10[%get3A_429, %get3A_430] {strides = array<i32>} : memref<16x1024xf32, #tpu.memory_space<vmem>>, vector<16xf32>,
        %get3A_432 = arith.index_cast %scan3A_91 : i32 to index
        %get3A_433 = arith.constant 448 : index
        %get3A_434 = tpu.vector_load %arg12[%get3A_432, %get3A_433] {strides = array<i32>} : memref<16x1024xf32, #tpu.memory_space<vmem>>, vector<16xf32>,
        %mul3A_435 = arith.mulf %get3A_431, %sub3A_94 : vector<16xf32>
        %mul3A_436 = arith.mulf %get3A_434, %gather3A : vector<16xf32>
        %add3A_437 = arith.addf %mul3A_435, %mul3A_436 : vector<16xf32>
        %swap3A_438 = arith.index_cast %scan3A_91 : i32 to index
        %swap3A_439 = arith.constant 448 : index
        %swap3A_440 = tpu.vector_load %arg14[%swap3A_438, %swap3A_439] {strides = array<i32>} : memref<16x1024xf32, #tpu.memory_space<vmem>>, vector<16xf32>,
        tpu.vector_store %arg14[%swap3A_438, %swap3A_439], %add3A_437 {strides = array<i32>} : memref<16x1024xf32, #tpu.memory_space<vmem>>, vector<16xf32>,
        %get3A_441 = arith.index_cast %scan3A_91 : i32 to index
        %get3A_442 = arith.constant 464 : index
        %get3A_443 = tpu.vector_load %arg10[%get3A_441, %get3A_442] {strides = array<i32>} : memref<16x1024xf32, #tpu.memory_space<vmem>>, vector<16xf32>,
        %get3A_444 = arith.index_cast %scan3A_91 : i32 to index
        %get3A_445 = arith.constant 464 : index
        %get3A_446 = tpu.vector_load %arg12[%get3A_444, %get3A_445] {strides = array<i32>} : memref<16x1024xf32, #tpu.memory_space<vmem>>, vector<16xf32>,
        %mul3A_447 = arith.mulf %get3A_443, %sub3A_94 : vector<16xf32>
        %mul3A_448 = arith.mulf %get3A_446, %gather3A : vector<16xf32>
        %add3A_449 = arith.addf %mul3A_447, %mul3A_448 : vector<16xf32>
        %swap3A_450 = arith.index_cast %scan3A_91 : i32 to index
        %swap3A_451 = arith.constant 464 : index
        %swap3A_452 = tpu.vector_load %arg14[%swap3A_450, %swap3A_451] {strides = array<i32>} : memref<16x1024xf32, #tpu.memory_space<vmem>>, vector<16xf32>,
        tpu.vector_store %arg14[%swap3A_450, %swap3A_451], %add3A_449 {strides = array<i32>} : memref<16x1024xf32, #tpu.memory_space<vmem>>, vector<16xf32>,
        %get3A_453 = arith.index_cast %scan3A_91 : i32 to index
        %get3A_454 = arith.constant 480 : index
        %get3A_455 = tpu.vector_load %arg10[%get3A_453, %get3A_454] {strides = array<i32>} : memref<16x1024xf32, #tpu.memory_space<vmem>>, vector<16xf32>,
        %get3A_456 = arith.index_cast %scan3A_91 : i32 to index
        %get3A_457 = arith.constant 480 : index
        %get3A_458 = tpu.vector_load %arg12[%get3A_456, %get3A_457] {strides = array<i32>} : memref<16x1024xf32, #tpu.memory_space<vmem>>, vector<16xf32>,
        %mul3A_459 = arith.mulf %get3A_455, %sub3A_94 : vector<16xf32>
        %mul3A_460 = arith.mulf %get3A_458, %gather3A : vector<16xf32>
        %add3A_461 = arith.addf %mul3A_459, %mul3A_460 : vector<16xf32>
        %swap3A_462 = arith.index_cast %scan3A_91 : i32 to index
        %swap3A_463 = arith.constant 480 : index
        %swap3A_464 = tpu.vector_load %arg14[%swap3A_462, %swap3A_463] {strides = array<i32>} : memref<16x1024xf32, #tpu.memory_space<vmem>>, vector<16xf32>,
        tpu.vector_store %arg14[%swap3A_462, %swap3A_463], %add3A_461 {strides = array<i32>} : memref<16x1024xf32, #tpu.memory_space<vmem>>, vector<16xf32>,
        %get3A_465 = arith.index_cast %scan3A_91 : i32 to index
        %get3A_466 = arith.constant 496 : index
        %get3A_467 = tpu.vector_load %arg10[%get3A_465, %get3A_466] {strides = array<i32>} : memref<16x1024xf32, #tpu.memory_space<vmem>>, vector<16xf32>,
        %get3A_468 = arith.index_cast %scan3A_91 : i32 to index
        %get3A_469 = arith.constant 496 : index
        %get3A_470 = tpu.vector_load %arg12[%get3A_468, %get3A_469] {strides = array<i32>} : memref<16x1024xf32, #tpu.memory_space<vmem>>, vector<16xf32>,
        %mul3A_471 = arith.mulf %get3A_467, %sub3A_94 : vector<16xf32>
        %mul3A_472 = arith.mulf %get3A_470, %gather3A : vector<16xf32>
        %add3A_473 = arith.addf %mul3A_471, %mul3A_472 : vector<16xf32>
        %swap3A_474 = arith.index_cast %scan3A_91 : i32 to index
        %swap3A_475 = arith.constant 496 : index
        %swap3A_476 = tpu.vector_load %arg14[%swap3A_474, %swap3A_475] {strides = array<i32>} : memref<16x1024xf32, #tpu.memory_space<vmem>>, vector<16xf32>,
        tpu.vector_store %arg14[%swap3A_474, %swap3A_475], %add3A_473 {strides = array<i32>} : memref<16x1024xf32, #tpu.memory_space<vmem>>, vector<16xf32>,
        %get3A_477 = arith.index_cast %scan3A_91 : i32 to index
        %get3A_478 = arith.constant 512 : index
        %get3A_479 = tpu.vector_load %arg10[%get3A_477, %get3A_478] {strides = array<i32>} : memref<16x1024xf32, #tpu.memory_space<vmem>>, vector<16xf32>,
        %get3A_480 = arith.index_cast %scan3A_91 : i32 to index
        %get3A_481 = arith.constant 512 : index
        %get3A_482 = tpu.vector_load %arg12[%get3A_480, %get3A_481] {strides = array<i32>} : memref<16x1024xf32, #tpu.memory_space<vmem>>, vector<16xf32>,
        %mul3A_483 = arith.mulf %get3A_479, %sub3A_94 : vector<16xf32>
        %mul3A_484 = arith.mulf %get3A_482, %gather3A : vector<16xf32>
        %add3A_485 = arith.addf %mul3A_483, %mul3A_484 : vector<16xf32>
        %swap3A_486 = arith.index_cast %scan3A_91 : i32 to index
        %swap3A_487 = arith.constant 512 : index
        %swap3A_488 = tpu.vector_load %arg14[%swap3A_486, %swap3A_487] {strides = array<i32>} : memref<16x1024xf32, #tpu.memory_space<vmem>>, vector<16xf32>,
        tpu.vector_store %arg14[%swap3A_486, %swap3A_487], %add3A_485 {strides = array<i32>} : memref<16x1024xf32, #tpu.memory_space<vmem>>, vector<16xf32>,
        %get3A_489 = arith.index_cast %scan3A_91 : i32 to index
        %get3A_490 = arith.constant 528 : index
        %get3A_491 = tpu.vector_load %arg10[%get3A_489, %get3A_490] {strides = array<i32>} : memref<16x1024xf32, #tpu.memory_space<vmem>>, vector<16xf32>,
        %get3A_492 = arith.index_cast %scan3A_91 : i32 to index
        %get3A_493 = arith.constant 528 : index
        %get3A_494 = tpu.vector_load %arg12[%get3A_492, %get3A_493] {strides = array<i32>} : memref<16x1024xf32, #tpu.memory_space<vmem>>, vector<16xf32>,
        %mul3A_495 = arith.mulf %get3A_491, %sub3A_94 : vector<16xf32>
        %mul3A_496 = arith.mulf %get3A_494, %gather3A : vector<16xf32>
        %add3A_497 = arith.addf %mul3A_495, %mul3A_496 : vector<16xf32>
        %swap3A_498 = arith.index_cast %scan3A_91 : i32 to index
        %swap3A_499 = arith.constant 528 : index
        %swap3A_500 = tpu.vector_load %arg14[%swap3A_498, %swap3A_499] {strides = array<i32>} : memref<16x1024xf32, #tpu.memory_space<vmem>>, vector<16xf32>,
        tpu.vector_store %arg14[%swap3A_498, %swap3A_499], %add3A_497 {strides = array<i32>} : memref<16x1024xf32, #tpu.memory_space<vmem>>, vector<16xf32>,
        %get3A_501 = arith.index_cast %scan3A_91 : i32 to index
        %get3A_502 = arith.constant 544 : index
        %get3A_503 = tpu.vector_load %arg10[%get3A_501, %get3A_502] {strides = array<i32>} : memref<16x1024xf32, #tpu.memory_space<vmem>>, vector<16xf32>,
        %get3A_504 = arith.index_cast %scan3A_91 : i32 to index
        %get3A_505 = arith.constant 544 : index
        %get3A_506 = tpu.vector_load %arg12[%get3A_504, %get3A_505] {strides = array<i32>} : memref<16x1024xf32, #tpu.memory_space<vmem>>, vector<16xf32>,
        %mul3A_507 = arith.mulf %get3A_503, %sub3A_94 : vector<16xf32>
        %mul3A_508 = arith.mulf %get3A_506, %gather3A : vector<16xf32>
        %add3A_509 = arith.addf %mul3A_507, %mul3A_508 : vector<16xf32>
        %swap3A_510 = arith.index_cast %scan3A_91 : i32 to index
        %swap3A_511 = arith.constant 544 : index
        %swap3A_512 = tpu.vector_load %arg14[%swap3A_510, %swap3A_511] {strides = array<i32>} : memref<16x1024xf32, #tpu.memory_space<vmem>>, vector<16xf32>,
        tpu.vector_store %arg14[%swap3A_510, %swap3A_511], %add3A_509 {strides = array<i32>} : memref<16x1024xf32, #tpu.memory_space<vmem>>, vector<16xf32>,
        %get3A_513 = arith.index_cast %scan3A_91 : i32 to index
        %get3A_514 = arith.constant 560 : index
        %get3A_515 = tpu.vector_load %arg10[%get3A_513, %get3A_514] {strides = array<i32>} : memref<16x1024xf32, #tpu.memory_space<vmem>>, vector<16xf32>,
        %get3A_516 = arith.index_cast %scan3A_91 : i32 to index
        %get3A_517 = arith.constant 560 : index
        %get3A_518 = tpu.vector_load %arg12[%get3A_516, %get3A_517] {strides = array<i32>} : memref<16x1024xf32, #tpu.memory_space<vmem>>, vector<16xf32>,
        %mul3A_519 = arith.mulf %get3A_515, %sub3A_94 : vector<16xf32>
        %mul3A_520 = arith.mulf %get3A_518, %gather3A : vector<16xf32>
        %add3A_521 = arith.addf %mul3A_519, %mul3A_520 : vector<16xf32>
        %swap3A_522 = arith.index_cast %scan3A_91 : i32 to index
        %swap3A_523 = arith.constant 560 : index
        %swap3A_524 = tpu.vector_load %arg14[%swap3A_522, %swap3A_523] {strides = array<i32>} : memref<16x1024xf32, #tpu.memory_space<vmem>>, vector<16xf32>,
        tpu.vector_store %arg14[%swap3A_522, %swap3A_523], %add3A_521 {strides = array<i32>} : memref<16x1024xf32, #tpu.memory_space<vmem>>, vector<16xf32>,
        %get3A_525 = arith.index_cast %scan3A_91 : i32 to index
        %get3A_526 = arith.constant 576 : index
        %get3A_527 = tpu.vector_load %arg10[%get3A_525, %get3A_526] {strides = array<i32>} : memref<16x1024xf32, #tpu.memory_space<vmem>>, vector<16xf32>,
        %get3A_528 = arith.index_cast %scan3A_91 : i32 to index
        %get3A_529 = arith.constant 576 : index
        %get3A_530 = tpu.vector_load %arg12[%get3A_528, %get3A_529] {strides = array<i32>} : memref<16x1024xf32, #tpu.memory_space<vmem>>, vector<16xf32>,
        %mul3A_531 = arith.mulf %get3A_527, %sub3A_94 : vector<16xf32>
        %mul3A_532 = arith.mulf %get3A_530, %gather3A : vector<16xf32>
        %add3A_533 = arith.addf %mul3A_531, %mul3A_532 : vector<16xf32>
        %swap3A_534 = arith.index_cast %scan3A_91 : i32 to index
        %swap3A_535 = arith.constant 576 : index
        %swap3A_536 = tpu.vector_load %arg14[%swap3A_534, %swap3A_535] {strides = array<i32>} : memref<16x1024xf32, #tpu.memory_space<vmem>>, vector<16xf32>,
        tpu.vector_store %arg14[%swap3A_534, %swap3A_535], %add3A_533 {strides = array<i32>} : memref<16x1024xf32, #tpu.memory_space<vmem>>, vector<16xf32>,
        %get3A_537 = arith.index_cast %scan3A_91 : i32 to index
        %get3A_538 = arith.constant 592 : index
        %get3A_539 = tpu.vector_load %arg10[%get3A_537, %get3A_538] {strides = array<i32>} : memref<16x1024xf32, #tpu.memory_space<vmem>>, vector<16xf32>,
        %get3A_540 = arith.index_cast %scan3A_91 : i32 to index
        %get3A_541 = arith.constant 592 : index
        %get3A_542 = tpu.vector_load %arg12[%get3A_540, %get3A_541] {strides = array<i32>} : memref<16x1024xf32, #tpu.memory_space<vmem>>, vector<16xf32>,
        %mul3A_543 = arith.mulf %get3A_539, %sub3A_94 : vector<16xf32>
        %mul3A_544 = arith.mulf %get3A_542, %gather3A : vector<16xf32>
        %add3A_545 = arith.addf %mul3A_543, %mul3A_544 : vector<16xf32>
        %swap3A_546 = arith.index_cast %scan3A_91 : i32 to index
        %swap3A_547 = arith.constant 592 : index
        %swap3A_548 = tpu.vector_load %arg14[%swap3A_546, %swap3A_547] {strides = array<i32>} : memref<16x1024xf32, #tpu.memory_space<vmem>>, vector<16xf32>,
        tpu.vector_store %arg14[%swap3A_546, %swap3A_547], %add3A_545 {strides = array<i32>} : memref<16x1024xf32, #tpu.memory_space<vmem>>, vector<16xf32>,
        %get3A_549 = arith.index_cast %scan3A_91 : i32 to index
        %get3A_550 = arith.constant 608 : index
        %get3A_551 = tpu.vector_load %arg10[%get3A_549, %get3A_550] {strides = array<i32>} : memref<16x1024xf32, #tpu.memory_space<vmem>>, vector<16xf32>,
        %get3A_552 = arith.index_cast %scan3A_91 : i32 to index
        %get3A_553 = arith.constant 608 : index
        %get3A_554 = tpu.vector_load %arg12[%get3A_552, %get3A_553] {strides = array<i32>} : memref<16x1024xf32, #tpu.memory_space<vmem>>, vector<16xf32>,
        %mul3A_555 = arith.mulf %get3A_551, %sub3A_94 : vector<16xf32>
        %mul3A_556 = arith.mulf %get3A_554, %gather3A : vector<16xf32>
        %add3A_557 = arith.addf %mul3A_555, %mul3A_556 : vector<16xf32>
        %swap3A_558 = arith.index_cast %scan3A_91 : i32 to index
        %swap3A_559 = arith.constant 608 : index
        %swap3A_560 = tpu.vector_load %arg14[%swap3A_558, %swap3A_559] {strides = array<i32>} : memref<16x1024xf32, #tpu.memory_space<vmem>>, vector<16xf32>,
        tpu.vector_store %arg14[%swap3A_558, %swap3A_559], %add3A_557 {strides = array<i32>} : memref<16x1024xf32, #tpu.memory_space<vmem>>, vector<16xf32>,
        %get3A_561 = arith.index_cast %scan3A_91 : i32 to index
        %get3A_562 = arith.constant 624 : index
        %get3A_563 = tpu.vector_load %arg10[%get3A_561, %get3A_562] {strides = array<i32>} : memref<16x1024xf32, #tpu.memory_space<vmem>>, vector<16xf32>,
        %get3A_564 = arith.index_cast %scan3A_91 : i32 to index
        %get3A_565 = arith.constant 624 : index
        %get3A_566 = tpu.vector_load %arg12[%get3A_564, %get3A_565] {strides = array<i32>} : memref<16x1024xf32, #tpu.memory_space<vmem>>, vector<16xf32>,
        %mul3A_567 = arith.mulf %get3A_563, %sub3A_94 : vector<16xf32>
        %mul3A_568 = arith.mulf %get3A_566, %gather3A : vector<16xf32>
        %add3A_569 = arith.addf %mul3A_567, %mul3A_568 : vector<16xf32>
        %swap3A_570 = arith.index_cast %scan3A_91 : i32 to index
        %swap3A_571 = arith.constant 624 : index
        %swap3A_572 = tpu.vector_load %arg14[%swap3A_570, %swap3A_571] {strides = array<i32>} : memref<16x1024xf32, #tpu.memory_space<vmem>>, vector<16xf32>,
        tpu.vector_store %arg14[%swap3A_570, %swap3A_571], %add3A_569 {strides = array<i32>} : memref<16x1024xf32, #tpu.memory_space<vmem>>, vector<16xf32>,
        %get3A_573 = arith.index_cast %scan3A_91 : i32 to index
        %get3A_574 = arith.constant 640 : index
        %get3A_575 = tpu.vector_load %arg10[%get3A_573, %get3A_574] {strides = array<i32>} : memref<16x1024xf32, #tpu.memory_space<vmem>>, vector<16xf32>,
        %get3A_576 = arith.index_cast %scan3A_91 : i32 to index
        %get3A_577 = arith.constant 640 : index
        %get3A_578 = tpu.vector_load %arg12[%get3A_576, %get3A_577] {strides = array<i32>} : memref<16x1024xf32, #tpu.memory_space<vmem>>, vector<16xf32>,
        %mul3A_579 = arith.mulf %get3A_575, %sub3A_94 : vector<16xf32>
        %mul3A_580 = arith.mulf %get3A_578, %gather3A : vector<16xf32>
        %add3A_581 = arith.addf %mul3A_579, %mul3A_580 : vector<16xf32>
        %swap3A_582 = arith.index_cast %scan3A_91 : i32 to index
        %swap3A_583 = arith.constant 640 : index
        %swap3A_584 = tpu.vector_load %arg14[%swap3A_582, %swap3A_583] {strides = array<i32>} : memref<16x1024xf32, #tpu.memory_space<vmem>>, vector<16xf32>,
        tpu.vector_store %arg14[%swap3A_582, %swap3A_583], %add3A_581 {strides = array<i32>} : memref<16x1024xf32, #tpu.memory_space<vmem>>, vector<16xf32>,
        %get3A_585 = arith.index_cast %scan3A_91 : i32 to index
        %get3A_586 = arith.constant 656 : index
        %get3A_587 = tpu.vector_load %arg10[%get3A_585, %get3A_586] {strides = array<i32>} : memref<16x1024xf32, #tpu.memory_space<vmem>>, vector<16xf32>,
        %get3A_588 = arith.index_cast %scan3A_91 : i32 to index
        %get3A_589 = arith.constant 656 : index
        %get3A_590 = tpu.vector_load %arg12[%get3A_588, %get3A_589] {strides = array<i32>} : memref<16x1024xf32, #tpu.memory_space<vmem>>, vector<16xf32>,
        %mul3A_591 = arith.mulf %get3A_587, %sub3A_94 : vector<16xf32>
        %mul3A_592 = arith.mulf %get3A_590, %gather3A : vector<16xf32>
        %add3A_593 = arith.addf %mul3A_591, %mul3A_592 : vector<16xf32>
        %swap3A_594 = arith.index_cast %scan3A_91 : i32 to index
        %swap3A_595 = arith.constant 656 : index
        %swap3A_596 = tpu.vector_load %arg14[%swap3A_594, %swap3A_595] {strides = array<i32>} : memref<16x1024xf32, #tpu.memory_space<vmem>>, vector<16xf32>,
        tpu.vector_store %arg14[%swap3A_594, %swap3A_595], %add3A_593 {strides = array<i32>} : memref<16x1024xf32, #tpu.memory_space<vmem>>, vector<16xf32>,
        %get3A_597 = arith.index_cast %scan3A_91 : i32 to index
        %get3A_598 = arith.constant 672 : index
        %get3A_599 = tpu.vector_load %arg10[%get3A_597, %get3A_598] {strides = array<i32>} : memref<16x1024xf32, #tpu.memory_space<vmem>>, vector<16xf32>,
        %get3A_600 = arith.index_cast %scan3A_91 : i32 to index
        %get3A_601 = arith.constant 672 : index
        %get3A_602 = tpu.vector_load %arg12[%get3A_600, %get3A_601] {strides = array<i32>} : memref<16x1024xf32, #tpu.memory_space<vmem>>, vector<16xf32>,
        %mul3A_603 = arith.mulf %get3A_599, %sub3A_94 : vector<16xf32>
        %mul3A_604 = arith.mulf %get3A_602, %gather3A : vector<16xf32>
        %add3A_605 = arith.addf %mul3A_603, %mul3A_604 : vector<16xf32>
        %swap3A_606 = arith.index_cast %scan3A_91 : i32 to index
        %swap3A_607 = arith.constant 672 : index
        %swap3A_608 = tpu.vector_load %arg14[%swap3A_606, %swap3A_607] {strides = array<i32>} : memref<16x1024xf32, #tpu.memory_space<vmem>>, vector<16xf32>,
        tpu.vector_store %arg14[%swap3A_606, %swap3A_607], %add3A_605 {strides = array<i32>} : memref<16x1024xf32, #tpu.memory_space<vmem>>, vector<16xf32>,
        %get3A_609 = arith.index_cast %scan3A_91 : i32 to index
        %get3A_610 = arith.constant 688 : index
        %get3A_611 = tpu.vector_load %arg10[%get3A_609, %get3A_610] {strides = array<i32>} : memref<16x1024xf32, #tpu.memory_space<vmem>>, vector<16xf32>,
        %get3A_612 = arith.index_cast %scan3A_91 : i32 to index
        %get3A_613 = arith.constant 688 : index
        %get3A_614 = tpu.vector_load %arg12[%get3A_612, %get3A_613] {strides = array<i32>} : memref<16x1024xf32, #tpu.memory_space<vmem>>, vector<16xf32>,
        %mul3A_615 = arith.mulf %get3A_611, %sub3A_94 : vector<16xf32>
        %mul3A_616 = arith.mulf %get3A_614, %gather3A : vector<16xf32>
        %add3A_617 = arith.addf %mul3A_615, %mul3A_616 : vector<16xf32>
        %swap3A_618 = arith.index_cast %scan3A_91 : i32 to index
        %swap3A_619 = arith.constant 688 : index
        %swap3A_620 = tpu.vector_load %arg14[%swap3A_618, %swap3A_619] {strides = array<i32>} : memref<16x1024xf32, #tpu.memory_space<vmem>>, vector<16xf32>,
        tpu.vector_store %arg14[%swap3A_618, %swap3A_619], %add3A_617 {strides = array<i32>} : memref<16x1024xf32, #tpu.memory_space<vmem>>, vector<16xf32>,
        %get3A_621 = arith.index_cast %scan3A_91 : i32 to index
        %get3A_622 = arith.constant 704 : index
        %get3A_623 = tpu.vector_load %arg10[%get3A_621, %get3A_622] {strides = array<i32>} : memref<16x1024xf32, #tpu.memory_space<vmem>>, vector<16xf32>,
        %get3A_624 = arith.index_cast %scan3A_91 : i32 to index
        %get3A_625 = arith.constant 704 : index
        %get3A_626 = tpu.vector_load %arg12[%get3A_624, %get3A_625] {strides = array<i32>} : memref<16x1024xf32, #tpu.memory_space<vmem>>, vector<16xf32>,
        %mul3A_627 = arith.mulf %get3A_623, %sub3A_94 : vector<16xf32>
        %mul3A_628 = arith.mulf %get3A_626, %gather3A : vector<16xf32>
        %add3A_629 = arith.addf %mul3A_627, %mul3A_628 : vector<16xf32>
        %swap3A_630 = arith.index_cast %scan3A_91 : i32 to index
        %swap3A_631 = arith.constant 704 : index
        %swap3A_632 = tpu.vector_load %arg14[%swap3A_630, %swap3A_631] {strides = array<i32>} : memref<16x1024xf32, #tpu.memory_space<vmem>>, vector<16xf32>,
        tpu.vector_store %arg14[%swap3A_630, %swap3A_631], %add3A_629 {strides = array<i32>} : memref<16x1024xf32, #tpu.memory_space<vmem>>, vector<16xf32>,
        %get3A_633 = arith.index_cast %scan3A_91 : i32 to index
        %get3A_634 = arith.constant 720 : index
        %get3A_635 = tpu.vector_load %arg10[%get3A_633, %get3A_634] {strides = array<i32>} : memref<16x1024xf32, #tpu.memory_space<vmem>>, vector<16xf32>,
        %get3A_636 = arith.index_cast %scan3A_91 : i32 to index
        %get3A_637 = arith.constant 720 : index
        %get3A_638 = tpu.vector_load %arg12[%get3A_636, %get3A_637] {strides = array<i32>} : memref<16x1024xf32, #tpu.memory_space<vmem>>, vector<16xf32>,
        %mul3A_639 = arith.mulf %get3A_635, %sub3A_94 : vector<16xf32>
        %mul3A_640 = arith.mulf %get3A_638, %gather3A : vector<16xf32>
        %add3A_641 = arith.addf %mul3A_639, %mul3A_640 : vector<16xf32>
        %swap3A_642 = arith.index_cast %scan3A_91 : i32 to index
        %swap3A_643 = arith.constant 720 : index
        %swap3A_644 = tpu.vector_load %arg14[%swap3A_642, %swap3A_643] {strides = array<i32>} : memref<16x1024xf32, #tpu.memory_space<vmem>>, vector<16xf32>,
        tpu.vector_store %arg14[%swap3A_642, %swap3A_643], %add3A_641 {strides = array<i32>} : memref<16x1024xf32, #tpu.memory_space<vmem>>, vector<16xf32>,
        %get3A_645 = arith.index_cast %scan3A_91 : i32 to index
        %get3A_646 = arith.constant 736 : index
        %get3A_647 = tpu.vector_load %arg10[%get3A_645, %get3A_646] {strides = array<i32>} : memref<16x1024xf32, #tpu.memory_space<vmem>>, vector<16xf32>,
        %get3A_648 = arith.index_cast %scan3A_91 : i32 to index
        %get3A_649 = arith.constant 736 : index
        %get3A_650 = tpu.vector_load %arg12[%get3A_648, %get3A_649] {strides = array<i32>} : memref<16x1024xf32, #tpu.memory_space<vmem>>, vector<16xf32>,
        %mul3A_651 = arith.mulf %get3A_647, %sub3A_94 : vector<16xf32>
        %mul3A_652 = arith.mulf %get3A_650, %gather3A : vector<16xf32>
        %add3A_653 = arith.addf %mul3A_651, %mul3A_652 : vector<16xf32>
        %swap3A_654 = arith.index_cast %scan3A_91 : i32 to index
        %swap3A_655 = arith.constant 736 : index
        %swap3A_656 = tpu.vector_load %arg14[%swap3A_654, %swap3A_655] {strides = array<i32>} : memref<16x1024xf32, #tpu.memory_space<vmem>>, vector<16xf32>,
        tpu.vector_store %arg14[%swap3A_654, %swap3A_655], %add3A_653 {strides = array<i32>} : memref<16x1024xf32, #tpu.memory_space<vmem>>, vector<16xf32>,
        %get3A_657 = arith.index_cast %scan3A_91 : i32 to index
        %get3A_658 = arith.constant 752 : index
        %get3A_659 = tpu.vector_load %arg10[%get3A_657, %get3A_658] {strides = array<i32>} : memref<16x1024xf32, #tpu.memory_space<vmem>>, vector<16xf32>,
        %get3A_660 = arith.index_cast %scan3A_91 : i32 to index
        %get3A_661 = arith.constant 752 : index
        %get3A_662 = tpu.vector_load %arg12[%get3A_660, %get3A_661] {strides = array<i32>} : memref<16x1024xf32, #tpu.memory_space<vmem>>, vector<16xf32>,
        %mul3A_663 = arith.mulf %get3A_659, %sub3A_94 : vector<16xf32>
        %mul3A_664 = arith.mulf %get3A_662, %gather3A : vector<16xf32>
        %add3A_665 = arith.addf %mul3A_663, %mul3A_664 : vector<16xf32>
        %swap3A_666 = arith.index_cast %scan3A_91 : i32 to index
        %swap3A_667 = arith.constant 752 : index
        %swap3A_668 = tpu.vector_load %arg14[%swap3A_666, %swap3A_667] {strides = array<i32>} : memref<16x1024xf32, #tpu.memory_space<vmem>>, vector<16xf32>,
        tpu.vector_store %arg14[%swap3A_666, %swap3A_667], %add3A_665 {strides = array<i32>} : memref<16x1024xf32, #tpu.memory_space<vmem>>, vector<16xf32>,
        %get3A_669 = arith.index_cast %scan3A_91 : i32 to index
        %get3A_670 = arith.constant 768 : index
        %get3A_671 = tpu.vector_load %arg10[%get3A_669, %get3A_670] {strides = array<i32>} : memref<16x1024xf32, #tpu.memory_space<vmem>>, vector<16xf32>,
        %get3A_672 = arith.index_cast %scan3A_91 : i32 to index
        %get3A_673 = arith.constant 768 : index
        %get3A_674 = tpu.vector_load %arg12[%get3A_672, %get3A_673] {strides = array<i32>} : memref<16x1024xf32, #tpu.memory_space<vmem>>, vector<16xf32>,
        %mul3A_675 = arith.mulf %get3A_671, %sub3A_94 : vector<16xf32>
        %mul3A_676 = arith.mulf %get3A_674, %gather3A : vector<16xf32>
        %add3A_677 = arith.addf %mul3A_675, %mul3A_676 : vector<16xf32>
        %swap3A_678 = arith.index_cast %scan3A_91 : i32 to index
        %swap3A_679 = arith.constant 768 : index
        %swap3A_680 = tpu.vector_load %arg14[%swap3A_678, %swap3A_679] {strides = array<i32>} : memref<16x1024xf32, #tpu.memory_space<vmem>>, vector<16xf32>,
        tpu.vector_store %arg14[%swap3A_678, %swap3A_679], %add3A_677 {strides = array<i32>} : memref<16x1024xf32, #tpu.memory_space<vmem>>, vector<16xf32>,
        %get3A_681 = arith.index_cast %scan3A_91 : i32 to index
        %get3A_682 = arith.constant 784 : index
        %get3A_683 = tpu.vector_load %arg10[%get3A_681, %get3A_682] {strides = array<i32>} : memref<16x1024xf32, #tpu.memory_space<vmem>>, vector<16xf32>,
        %get3A_684 = arith.index_cast %scan3A_91 : i32 to index
        %get3A_685 = arith.constant 784 : index
        %get3A_686 = tpu.vector_load %arg12[%get3A_684, %get3A_685] {strides = array<i32>} : memref<16x1024xf32, #tpu.memory_space<vmem>>, vector<16xf32>,
        %mul3A_687 = arith.mulf %get3A_683, %sub3A_94 : vector<16xf32>
        %mul3A_688 = arith.mulf %get3A_686, %gather3A : vector<16xf32>
        %add3A_689 = arith.addf %mul3A_687, %mul3A_688 : vector<16xf32>
        %swap3A_690 = arith.index_cast %scan3A_91 : i32 to index
        %swap3A_691 = arith.constant 784 : index
        %swap3A_692 = tpu.vector_load %arg14[%swap3A_690, %swap3A_691] {strides = array<i32>} : memref<16x1024xf32, #tpu.memory_space<vmem>>, vector<16xf32>,
        tpu.vector_store %arg14[%swap3A_690, %swap3A_691], %add3A_689 {strides = array<i32>} : memref<16x1024xf32, #tpu.memory_space<vmem>>, vector<16xf32>,
        %get3A_693 = arith.index_cast %scan3A_91 : i32 to index
        %get3A_694 = arith.constant 800 : index
        %get3A_695 = tpu.vector_load %arg10[%get3A_693, %get3A_694] {strides = array<i32>} : memref<16x1024xf32, #tpu.memory_space<vmem>>, vector<16xf32>,
        %get3A_696 = arith.index_cast %scan3A_91 : i32 to index
        %get3A_697 = arith.constant 800 : index
        %get3A_698 = tpu.vector_load %arg12[%get3A_696, %get3A_697] {strides = array<i32>} : memref<16x1024xf32, #tpu.memory_space<vmem>>, vector<16xf32>,
        %mul3A_699 = arith.mulf %get3A_695, %sub3A_94 : vector<16xf32>
        %mul3A_700 = arith.mulf %get3A_698, %gather3A : vector<16xf32>
        %add3A_701 = arith.addf %mul3A_699, %mul3A_700 : vector<16xf32>
        %swap3A_702 = arith.index_cast %scan3A_91 : i32 to index
        %swap3A_703 = arith.constant 800 : index
        %swap3A_704 = tpu.vector_load %arg14[%swap3A_702, %swap3A_703] {strides = array<i32>} : memref<16x1024xf32, #tpu.memory_space<vmem>>, vector<16xf32>,
        tpu.vector_store %arg14[%swap3A_702, %swap3A_703], %add3A_701 {strides = array<i32>} : memref<16x1024xf32, #tpu.memory_space<vmem>>, vector<16xf32>,
        %get3A_705 = arith.index_cast %scan3A_91 : i32 to index
        %get3A_706 = arith.constant 816 : index
        %get3A_707 = tpu.vector_load %arg10[%get3A_705, %get3A_706] {strides = array<i32>} : memref<16x1024xf32, #tpu.memory_space<vmem>>, vector<16xf32>,
        %get3A_708 = arith.index_cast %scan3A_91 : i32 to index
        %get3A_709 = arith.constant 816 : index
        %get3A_710 = tpu.vector_load %arg12[%get3A_708, %get3A_709] {strides = array<i32>} : memref<16x1024xf32, #tpu.memory_space<vmem>>, vector<16xf32>,
        %mul3A_711 = arith.mulf %get3A_707, %sub3A_94 : vector<16xf32>
        %mul3A_712 = arith.mulf %get3A_710, %gather3A : vector<16xf32>
        %add3A_713 = arith.addf %mul3A_711, %mul3A_712 : vector<16xf32>
        %swap3A_714 = arith.index_cast %scan3A_91 : i32 to index
        %swap3A_715 = arith.constant 816 : index
        %swap3A_716 = tpu.vector_load %arg14[%swap3A_714, %swap3A_715] {strides = array<i32>} : memref<16x1024xf32, #tpu.memory_space<vmem>>, vector<16xf32>,
        tpu.vector_store %arg14[%swap3A_714, %swap3A_715], %add3A_713 {strides = array<i32>} : memref<16x1024xf32, #tpu.memory_space<vmem>>, vector<16xf32>,
        %get3A_717 = arith.index_cast %scan3A_91 : i32 to index
        %get3A_718 = arith.constant 832 : index
        %get3A_719 = tpu.vector_load %arg10[%get3A_717, %get3A_718] {strides = array<i32>} : memref<16x1024xf32, #tpu.memory_space<vmem>>, vector<16xf32>,
        %get3A_720 = arith.index_cast %scan3A_91 : i32 to index
        %get3A_721 = arith.constant 832 : index
        %get3A_722 = tpu.vector_load %arg12[%get3A_720, %get3A_721] {strides = array<i32>} : memref<16x1024xf32, #tpu.memory_space<vmem>>, vector<16xf32>,
        %mul3A_723 = arith.mulf %get3A_719, %sub3A_94 : vector<16xf32>
        %mul3A_724 = arith.mulf %get3A_722, %gather3A : vector<16xf32>
        %add3A_725 = arith.addf %mul3A_723, %mul3A_724 : vector<16xf32>
        %swap3A_726 = arith.index_cast %scan3A_91 : i32 to index
        %swap3A_727 = arith.constant 832 : index
        %swap3A_728 = tpu.vector_load %arg14[%swap3A_726, %swap3A_727] {strides = array<i32>} : memref<16x1024xf32, #tpu.memory_space<vmem>>, vector<16xf32>,
        tpu.vector_store %arg14[%swap3A_726, %swap3A_727], %add3A_725 {strides = array<i32>} : memref<16x1024xf32, #tpu.memory_space<vmem>>, vector<16xf32>,
        %get3A_729 = arith.index_cast %scan3A_91 : i32 to index
        %get3A_730 = arith.constant 848 : index
        %get3A_731 = tpu.vector_load %arg10[%get3A_729, %get3A_730] {strides = array<i32>} : memref<16x1024xf32, #tpu.memory_space<vmem>>, vector<16xf32>,
        %get3A_732 = arith.index_cast %scan3A_91 : i32 to index
        %get3A_733 = arith.constant 848 : index
        %get3A_734 = tpu.vector_load %arg12[%get3A_732, %get3A_733] {strides = array<i32>} : memref<16x1024xf32, #tpu.memory_space<vmem>>, vector<16xf32>,
        %mul3A_735 = arith.mulf %get3A_731, %sub3A_94 : vector<16xf32>
        %mul3A_736 = arith.mulf %get3A_734, %gather3A : vector<16xf32>
        %add3A_737 = arith.addf %mul3A_735, %mul3A_736 : vector<16xf32>
        %swap3A_738 = arith.index_cast %scan3A_91 : i32 to index
        %swap3A_739 = arith.constant 848 : index
        %swap3A_740 = tpu.vector_load %arg14[%swap3A_738, %swap3A_739] {strides = array<i32>} : memref<16x1024xf32, #tpu.memory_space<vmem>>, vector<16xf32>,
        tpu.vector_store %arg14[%swap3A_738, %swap3A_739], %add3A_737 {strides = array<i32>} : memref<16x1024xf32, #tpu.memory_space<vmem>>, vector<16xf32>,
        %get3A_741 = arith.index_cast %scan3A_91 : i32 to index
        %get3A_742 = arith.constant 864 : index
        %get3A_743 = tpu.vector_load %arg10[%get3A_741, %get3A_742] {strides = array<i32>} : memref<16x1024xf32, #tpu.memory_space<vmem>>, vector<16xf32>,
        %get3A_744 = arith.index_cast %scan3A_91 : i32 to index
        %get3A_745 = arith.constant 864 : index
        %get3A_746 = tpu.vector_load %arg12[%get3A_744, %get3A_745] {strides = array<i32>} : memref<16x1024xf32, #tpu.memory_space<vmem>>, vector<16xf32>,
        %mul3A_747 = arith.mulf %get3A_743, %sub3A_94 : vector<16xf32>
        %mul3A_748 = arith.mulf %get3A_746, %gather3A : vector<16xf32>
        %add3A_749 = arith.addf %mul3A_747, %mul3A_748 : vector<16xf32>
        %swap3A_750 = arith.index_cast %scan3A_91 : i32 to index
        %swap3A_751 = arith.constant 864 : index
        %swap3A_752 = tpu.vector_load %arg14[%swap3A_750, %swap3A_751] {strides = array<i32>} : memref<16x1024xf32, #tpu.memory_space<vmem>>, vector<16xf32>,
        tpu.vector_store %arg14[%swap3A_750, %swap3A_751], %add3A_749 {strides = array<i32>} : memref<16x1024xf32, #tpu.memory_space<vmem>>, vector<16xf32>,
        %get3A_753 = arith.index_cast %scan3A_91 : i32 to index
        %get3A_754 = arith.constant 880 : index
        %get3A_755 = tpu.vector_load %arg10[%get3A_753, %get3A_754] {strides = array<i32>} : memref<16x1024xf32, #tpu.memory_space<vmem>>, vector<16xf32>,
        %get3A_756 = arith.index_cast %scan3A_91 : i32 to index
        %get3A_757 = arith.constant 880 : index
        %get3A_758 = tpu.vector_load %arg12[%get3A_756, %get3A_757] {strides = array<i32>} : memref<16x1024xf32, #tpu.memory_space<vmem>>, vector<16xf32>,
        %mul3A_759 = arith.mulf %get3A_755, %sub3A_94 : vector<16xf32>
        %mul3A_760 = arith.mulf %get3A_758, %gather3A : vector<16xf32>
        %add3A_761 = arith.addf %mul3A_759, %mul3A_760 : vector<16xf32>
        %swap3A_762 = arith.index_cast %scan3A_91 : i32 to index
        %swap3A_763 = arith.constant 880 : index
        %swap3A_764 = tpu.vector_load %arg14[%swap3A_762, %swap3A_763] {strides = array<i32>} : memref<16x1024xf32, #tpu.memory_space<vmem>>, vector<16xf32>,
        tpu.vector_store %arg14[%swap3A_762, %swap3A_763], %add3A_761 {strides = array<i32>} : memref<16x1024xf32, #tpu.memory_space<vmem>>, vector<16xf32>,
        %get3A_765 = arith.index_cast %scan3A_91 : i32 to index
        %get3A_766 = arith.constant 896 : index
        %get3A_767 = tpu.vector_load %arg10[%get3A_765, %get3A_766] {strides = array<i32>} : memref<16x1024xf32, #tpu.memory_space<vmem>>, vector<16xf32>,
        %get3A_768 = arith.index_cast %scan3A_91 : i32 to index
        %get3A_769 = arith.constant 896 : index
        %get3A_770 = tpu.vector_load %arg12[%get3A_768, %get3A_769] {strides = array<i32>} : memref<16x1024xf32, #tpu.memory_space<vmem>>, vector<16xf32>,
        %mul3A_771 = arith.mulf %get3A_767, %sub3A_94 : vector<16xf32>
        %mul3A_772 = arith.mulf %get3A_770, %gather3A : vector<16xf32>
        %add3A_773 = arith.addf %mul3A_771, %mul3A_772 : vector<16xf32>
        %swap3A_774 = arith.index_cast %scan3A_91 : i32 to index
        %swap3A_775 = arith.constant 896 : index
        %swap3A_776 = tpu.vector_load %arg14[%swap3A_774, %swap3A_775] {strides = array<i32>} : memref<16x1024xf32, #tpu.memory_space<vmem>>, vector<16xf32>,
        tpu.vector_store %arg14[%swap3A_774, %swap3A_775], %add3A_773 {strides = array<i32>} : memref<16x1024xf32, #tpu.memory_space<vmem>>, vector<16xf32>,
        %get3A_777 = arith.index_cast %scan3A_91 : i32 to index
        %get3A_778 = arith.constant 912 : index
        %get3A_779 = tpu.vector_load %arg10[%get3A_777, %get3A_778] {strides = array<i32>} : memref<16x1024xf32, #tpu.memory_space<vmem>>, vector<16xf32>,
        %get3A_780 = arith.index_cast %scan3A_91 : i32 to index
        %get3A_781 = arith.constant 912 : index
        %get3A_782 = tpu.vector_load %arg12[%get3A_780, %get3A_781] {strides = array<i32>} : memref<16x1024xf32, #tpu.memory_space<vmem>>, vector<16xf32>,
        %mul3A_783 = arith.mulf %get3A_779, %sub3A_94 : vector<16xf32>
        %mul3A_784 = arith.mulf %get3A_782, %gather3A : vector<16xf32>
        %add3A_785 = arith.addf %mul3A_783, %mul3A_784 : vector<16xf32>
        %swap3A_786 = arith.index_cast %scan3A_91 : i32 to index
        %swap3A_787 = arith.constant 912 : index
        %swap3A_788 = tpu.vector_load %arg14[%swap3A_786, %swap3A_787] {strides = array<i32>} : memref<16x1024xf32, #tpu.memory_space<vmem>>, vector<16xf32>,
        tpu.vector_store %arg14[%swap3A_786, %swap3A_787], %add3A_785 {strides = array<i32>} : memref<16x1024xf32, #tpu.memory_space<vmem>>, vector<16xf32>,
        %get3A_789 = arith.index_cast %scan3A_91 : i32 to index
        %get3A_790 = arith.constant 928 : index
        %get3A_791 = tpu.vector_load %arg10[%get3A_789, %get3A_790] {strides = array<i32>} : memref<16x1024xf32, #tpu.memory_space<vmem>>, vector<16xf32>,
        %get3A_792 = arith.index_cast %scan3A_91 : i32 to index
        %get3A_793 = arith.constant 928 : index
        %get3A_794 = tpu.vector_load %arg12[%get3A_792, %get3A_793] {strides = array<i32>} : memref<16x1024xf32, #tpu.memory_space<vmem>>, vector<16xf32>,
        %mul3A_795 = arith.mulf %get3A_791, %sub3A_94 : vector<16xf32>
        %mul3A_796 = arith.mulf %get3A_794, %gather3A : vector<16xf32>
        %add3A_797 = arith.addf %mul3A_795, %mul3A_796 : vector<16xf32>
        %swap3A_798 = arith.index_cast %scan3A_91 : i32 to index
        %swap3A_799 = arith.constant 928 : index
        %swap3A_800 = tpu.vector_load %arg14[%swap3A_798, %swap3A_799] {strides = array<i32>} : memref<16x1024xf32, #tpu.memory_space<vmem>>, vector<16xf32>,
        tpu.vector_store %arg14[%swap3A_798, %swap3A_799], %add3A_797 {strides = array<i32>} : memref<16x1024xf32, #tpu.memory_space<vmem>>, vector<16xf32>,
        %get3A_801 = arith.index_cast %scan3A_91 : i32 to index
        %get3A_802 = arith.constant 944 : index
        %get3A_803 = tpu.vector_load %arg10[%get3A_801, %get3A_802] {strides = array<i32>} : memref<16x1024xf32, #tpu.memory_space<vmem>>, vector<16xf32>,
        %get3A_804 = arith.index_cast %scan3A_91 : i32 to index
        %get3A_805 = arith.constant 944 : index
        %get3A_806 = tpu.vector_load %arg12[%get3A_804, %get3A_805] {strides = array<i32>} : memref<16x1024xf32, #tpu.memory_space<vmem>>, vector<16xf32>,
        %mul3A_807 = arith.mulf %get3A_803, %sub3A_94 : vector<16xf32>
        %mul3A_808 = arith.mulf %get3A_806, %gather3A : vector<16xf32>
        %add3A_809 = arith.addf %mul3A_807, %mul3A_808 : vector<16xf32>
        %swap3A_810 = arith.index_cast %scan3A_91 : i32 to index
        %swap3A_811 = arith.constant 944 : index
        %swap3A_812 = tpu.vector_load %arg14[%swap3A_810, %swap3A_811] {strides = array<i32>} : memref<16x1024xf32, #tpu.memory_space<vmem>>, vector<16xf32>,
        tpu.vector_store %arg14[%swap3A_810, %swap3A_811], %add3A_809 {strides = array<i32>} : memref<16x1024xf32, #tpu.memory_space<vmem>>, vector<16xf32>,
        %get3A_813 = arith.index_cast %scan3A_91 : i32 to index
        %get3A_814 = arith.constant 960 : index
        %get3A_815 = tpu.vector_load %arg10[%get3A_813, %get3A_814] {strides = array<i32>} : memref<16x1024xf32, #tpu.memory_space<vmem>>, vector<16xf32>,
        %get3A_816 = arith.index_cast %scan3A_91 : i32 to index
        %get3A_817 = arith.constant 960 : index
        %get3A_818 = tpu.vector_load %arg12[%get3A_816, %get3A_817] {strides = array<i32>} : memref<16x1024xf32, #tpu.memory_space<vmem>>, vector<16xf32>,
        %mul3A_819 = arith.mulf %get3A_815, %sub3A_94 : vector<16xf32>
        %mul3A_820 = arith.mulf %get3A_818, %gather3A : vector<16xf32>
        %add3A_821 = arith.addf %mul3A_819, %mul3A_820 : vector<16xf32>
        %swap3A_822 = arith.index_cast %scan3A_91 : i32 to index
        %swap3A_823 = arith.constant 960 : index
        %swap3A_824 = tpu.vector_load %arg14[%swap3A_822, %swap3A_823] {strides = array<i32>} : memref<16x1024xf32, #tpu.memory_space<vmem>>, vector<16xf32>,
        tpu.vector_store %arg14[%swap3A_822, %swap3A_823], %add3A_821 {strides = array<i32>} : memref<16x1024xf32, #tpu.memory_space<vmem>>, vector<16xf32>,
        %get3A_825 = arith.index_cast %scan3A_91 : i32 to index
        %get3A_826 = arith.constant 976 : index
        %get3A_827 = tpu.vector_load %arg10[%get3A_825, %get3A_826] {strides = array<i32>} : memref<16x1024xf32, #tpu.memory_space<vmem>>, vector<16xf32>,
        %get3A_828 = arith.index_cast %scan3A_91 : i32 to index
        %get3A_829 = arith.constant 976 : index
        %get3A_830 = tpu.vector_load %arg12[%get3A_828, %get3A_829] {strides = array<i32>} : memref<16x1024xf32, #tpu.memory_space<vmem>>, vector<16xf32>,
        %mul3A_831 = arith.mulf %get3A_827, %sub3A_94 : vector<16xf32>
        %mul3A_832 = arith.mulf %get3A_830, %gather3A : vector<16xf32>
        %add3A_833 = arith.addf %mul3A_831, %mul3A_832 : vector<16xf32>
        %swap3A_834 = arith.index_cast %scan3A_91 : i32 to index
        %swap3A_835 = arith.constant 976 : index
        %swap3A_836 = tpu.vector_load %arg14[%swap3A_834, %swap3A_835] {strides = array<i32>} : memref<16x1024xf32, #tpu.memory_space<vmem>>, vector<16xf32>,
        tpu.vector_store %arg14[%swap3A_834, %swap3A_835], %add3A_833 {strides = array<i32>} : memref<16x1024xf32, #tpu.memory_space<vmem>>, vector<16xf32>,
        %get3A_837 = arith.index_cast %scan3A_91 : i32 to index
        %get3A_838 = arith.constant 992 : index
        %get3A_839 = tpu.vector_load %arg10[%get3A_837, %get3A_838] {strides = array<i32>} : memref<16x1024xf32, #tpu.memory_space<vmem>>, vector<16xf32>,
        %get3A_840 = arith.index_cast %scan3A_91 : i32 to index
        %get3A_841 = arith.constant 992 : index
        %get3A_842 = tpu.vector_load %arg12[%get3A_840, %get3A_841] {strides = array<i32>} : memref<16x1024xf32, #tpu.memory_space<vmem>>, vector<16xf32>,
        %mul3A_843 = arith.mulf %get3A_839, %sub3A_94 : vector<16xf32>
        %mul3A_844 = arith.mulf %get3A_842, %gather3A : vector<16xf32>
        %add3A_845 = arith.addf %mul3A_843, %mul3A_844 : vector<16xf32>
        %swap3A_846 = arith.index_cast %scan3A_91 : i32 to index
        %swap3A_847 = arith.constant 992 : index
        %swap3A_848 = tpu.vector_load %arg14[%swap3A_846, %swap3A_847] {strides = array<i32>} : memref<16x1024xf32, #tpu.memory_space<vmem>>, vector<16xf32>,
        tpu.vector_store %arg14[%swap3A_846, %swap3A_847], %add3A_845 {strides = array<i32>} : memref<16x1024xf32, #tpu.memory_space<vmem>>, vector<16xf32>,
        %get3A_849 = arith.index_cast %scan3A_91 : i32 to index
        %get3A_850 = arith.constant 1008 : index
        %get3A_851 = tpu.vector_load %arg10[%get3A_849, %get3A_850] {strides = array<i32>} : memref<16x1024xf32, #tpu.memory_space<vmem>>, vector<16xf32>,
        %get3A_852 = arith.index_cast %scan3A_91 : i32 to index
        %get3A_853 = arith.constant 1008 : index
        %get3A_854 = tpu.vector_load %arg12[%get3A_852, %get3A_853] {strides = array<i32>} : memref<16x1024xf32, #tpu.memory_space<vmem>>, vector<16xf32>,
        %mul3A_855 = arith.mulf %get3A_851, %sub3A_94 : vector<16xf32>
        %mul3A_856 = arith.mulf %get3A_854, %gather3A : vector<16xf32>
        %add3A_857 = arith.addf %mul3A_855, %mul3A_856 : vector<16xf32>
        %swap3A_858 = arith.index_cast %scan3A_91 : i32 to index
        %swap3A_859 = arith.constant 1008 : index
        %swap3A_860 = tpu.vector_load %arg14[%swap3A_858, %swap3A_859] {strides = array<i32>} : memref<16x1024xf32, #tpu.memory_space<vmem>>, vector<16xf32>,
        tpu.vector_store %arg14[%swap3A_858, %swap3A_859], %add3A_857 {strides = array<i32>} : memref<16x1024xf32, #tpu.memory_space<vmem>>, vector<16xf32>,
      }
      %scan3A_50 = arith.constant 16 : i32
      %add3A_51 = arith.addi %mul3A_2, %mul3A_30 : i32
      %dma_start3A_52 = arith.constant 0 : i32
      %dma_start3A_53 = tpu.memref_slice %arg6[%add3A_51, %dma_start3A_52] : memref<24576x1024xf32, #tpu.memory_space<hbm>> -> memref<16x1024xf32, #tpu.memory_space<hbm>>
      %dma_start3A_54 = arith.constant 0 : i32
      %dma_start3A_55 = tpu.memref_slice %arg6[%add3A_51, %dma_start3A_54] : memref<24576x1024xf32, #tpu.memory_space<hbm>> -> memref<16x1024xf32, #tpu.memory_space<hbm>>
      tpu.enqueue_dma source(%arg14 : memref<16x1024xf32, #tpu.memory_space<vmem>>) target(%dma_start3A_55 : memref<16x1024xf32, #tpu.memory_space<hbm>>) target_semaphore(%arg20 : memref<!tpu.dma_semaphore, #tpu.memory_space<semaphore_mem>>)
      %mul3A_56 = arith.constant 2 : i32
      %mul3A_57 = arith.muli %scan3A_24, %mul3A_56 : i32
      %add3A_58 = arith.constant 1 : i32
      %add3A_59 = arith.addi %mul3A_57, %add3A_58 : i32
      %mul3A_60 = arith.constant 16 : i32
      %mul3A_61 = arith.muli %add3A_59, %mul3A_60 : i32
      %lt3A_62 = arith.constant 47 : i32
      %lt3A_63 = arith.cmpi slt, %add3A_59, %lt3A_62 : i32
      %convert_element_type3A_64 = arith.extui %lt3A_63 : i1 to i32
      %cond3A_65 = arith.constant 0 : i32
      %cond3A_66 = arith.cmpi ne, %convert_element_type3A_64, %cond3A_65 : i32
      scf.if %cond3A_66 {
        %add3A_91 = arith.constant 1 : i32
        %add3A_92 = arith.addi %add3A_59, %add3A_91 : i32
        %mul3A_93 = arith.constant 16 : i32
        %mul3A_94 = arith.muli %add3A_92, %mul3A_93 : i32
        %dma_start3A_95 = tpu.memref_slice %arg7[%mul3A_94] : memref<768xi32, #tpu.memory_space<vmem>> -> memref<16xi32, #tpu.memory_space<vmem>>
        %dma_start3A_96 = arith.constant 0 : i32
        %dma_start3A_97 = arith.constant 0 : i32
        %dma_start3A_98 = tpu.memref_slice %arg2[%dma_start3A_96, %dma_start3A_97] : memref<32768x1024xf32, #tpu.memory_space<hbm>> -> memref<32768x1024xf32, #tpu.memory_space<hbm>>
        tpu.enqueue_indirect_dma source(%dma_start3A_98 : memref<32768x1024xf32, #tpu.memory_space<hbm>>) target(%arg10 : memref<16x1024xf32, #tpu.memory_space<vmem>>) offsets(%dma_start3A_95 : memref<16xi32, #tpu.memory_space<vmem>>) semaphore(%arg16 : memref<!tpu.dma_semaphore, #tpu.memory_space<semaphore_mem>>)
        %dma_start3A_99 = tpu.memref_slice %arg8[%mul3A_94] : memref<768xi32, #tpu.memory_space<vmem>> -> memref<16xi32, #tpu.memory_space<vmem>>
        %dma_start3A_100 = arith.constant 0 : i32
        %dma_start3A_101 = arith.constant 0 : i32
        %dma_start3A_102 = tpu.memref_slice %arg2[%dma_start3A_100, %dma_start3A_101] : memref<32768x1024xf32, #tpu.memory_space<hbm>> -> memref<32768x1024xf32, #tpu.memory_space<hbm>>
        tpu.enqueue_indirect_dma source(%dma_start3A_102 : memref<32768x1024xf32, #tpu.memory_space<hbm>>) target(%arg12 : memref<16x1024xf32, #tpu.memory_space<vmem>>) offsets(%dma_start3A_99 : memref<16xi32, #tpu.memory_space<vmem>>) semaphore(%arg18 : memref<!tpu.dma_semaphore, #tpu.memory_space<semaphore_mem>>)
      } else {
      }
      %dma_wait3A_67 = tpu.memref_slice %arg7[%mul3A_61] : memref<768xi32, #tpu.memory_space<vmem>> -> memref<16xi32, #tpu.memory_space<vmem>>
      %dma_wait3A_68 = arith.constant 0 : i32
      %dma_wait3A_69 = arith.constant 0 : i32
      %dma_wait3A_70 = tpu.memref_slice %arg2[%dma_wait3A_68, %dma_wait3A_69] : memref<32768x1024xf32, #tpu.memory_space<hbm>> -> memref<32768x1024xf32, #tpu.memory_space<hbm>>
      tpu.wait_indirect_dma semaphore(%arg17 : memref<!tpu.dma_semaphore, #tpu.memory_space<semaphore_mem>>) src(%dma_wait3A_70 : memref<32768x1024xf32, #tpu.memory_space<hbm>>) dst(%arg11 : memref<16x1024xf32, #tpu.memory_space<vmem>>)
      %dma_wait3A_71 = tpu.memref_slice %arg8[%mul3A_61] : memref<768xi32, #tpu.memory_space<vmem>> -> memref<16xi32, #tpu.memory_space<vmem>>
      %dma_wait3A_72 = arith.constant 0 : i32
      %dma_wait3A_73 = arith.constant 0 : i32
      %dma_wait3A_74 = tpu.memref_slice %arg2[%dma_wait3A_72, %dma_wait3A_73] : memref<32768x1024xf32, #tpu.memory_space<hbm>> -> memref<32768x1024xf32, #tpu.memory_space<hbm>>
      tpu.wait_indirect_dma semaphore(%arg19 : memref<!tpu.dma_semaphore, #tpu.memory_space<semaphore_mem>>) src(%dma_wait3A_74 : memref<32768x1024xf32, #tpu.memory_space<hbm>>) dst(%arg13 : memref<16x1024xf32, #tpu.memory_space<vmem>>)
      %gt3A_75 = arith.constant 0 : i32
      %gt3A_76 = arith.cmpi sgt, %scan3A_24, %gt3A_75 : i32
      %convert_element_type3A_77 = arith.extui %gt3A_76 : i1 to i32
      %cond3A_78 = arith.constant 0 : i32
      %cond3A_79 = arith.cmpi ne, %convert_element_type3A_77, %cond3A_78 : i32
      scf.if %cond3A_79 {
        %dma_wait3A_91 = arith.constant 0 : i32
        %dma_wait3A_92 = tpu.memref_slice %arg6[%mul3A_2, %dma_wait3A_91] : memref<24576x1024xf32, #tpu.memory_space<hbm>> -> memref<16x1024xf32, #tpu.memory_space<hbm>>
        %dma_wait3A_93 = arith.constant 0 : i32
        %dma_wait3A_94 = tpu.memref_slice %arg6[%mul3A_2, %dma_wait3A_93] : memref<24576x1024xf32, #tpu.memory_space<hbm>> -> memref<16x1024xf32, #tpu.memory_space<hbm>>
        tpu.wait_dma2 semaphore(%arg21 : memref<!tpu.dma_semaphore, #tpu.memory_space<semaphore_mem>>) src(%arg15 : memref<16x1024xf32, #tpu.memory_space<vmem>>) dst(%dma_wait3A_94 : memref<16x1024xf32, #tpu.memory_space<hbm>>)
      } else {
      }
      %scan3A_80 = arith.constant 0 : i32
      %scan3A_81 = arith.constant 0 : i32
      %scan3A_82 = arith.constant 16 : i32
      %scan3A_83 = arith.addi %scan3A_81, %scan3A_82 : i32
      %scan3A_84 = arith.constant 1 : i32
      scf.for %scan3A_91 = %scan3A_81 to %scan3A_83 step %scan3A_84  : i32 {
        %add3A_92 = arith.addi %mul3A_61, %scan3A_91 : i32
        %broadcast_in_dim3A = vector.broadcast %add3A_92 : i32 to vector<16xi32>
        %gather3A = tpu.vector_load_idx %arg9[%broadcast_in_dim3A] : memref<768xf32, #tpu.memory_space<vmem>>[vector<16xi32>], vector<16xf32>,
        %sub3A = arith.constant 1.000000e+00 : f32
        %sub3A_93 = vector.broadcast %sub3A : f32 to vector<16xf32>
        %sub3A_94 = arith.subf %sub3A_93, %gather3A : vector<16xf32>
        %get3A = arith.index_cast %scan3A_91 : i32 to index
        %get3A_95 = arith.constant 0 : index
        %get3A_96 = tpu.vector_load %arg11[%get3A, %get3A_95] {strides = array<i32>} : memref<16x1024xf32, #tpu.memory_space<vmem>>, vector<16xf32>,
        %get3A_97 = arith.index_cast %scan3A_91 : i32 to index
        %get3A_98 = arith.constant 0 : index
        %get3A_99 = tpu.vector_load %arg13[%get3A_97, %get3A_98] {strides = array<i32>} : memref<16x1024xf32, #tpu.memory_space<vmem>>, vector<16xf32>,
        %mul3A_100 = arith.mulf %get3A_96, %sub3A_94 : vector<16xf32>
        %mul3A_101 = arith.mulf %get3A_99, %gather3A : vector<16xf32>
        %add3A_102 = arith.addf %mul3A_100, %mul3A_101 : vector<16xf32>
        %swap3A = arith.index_cast %scan3A_91 : i32 to index
        %swap3A_103 = arith.constant 0 : index
        %swap3A_104 = tpu.vector_load %arg15[%swap3A, %swap3A_103] {strides = array<i32>} : memref<16x1024xf32, #tpu.memory_space<vmem>>, vector<16xf32>,
        tpu.vector_store %arg15[%swap3A, %swap3A_103], %add3A_102 {strides = array<i32>} : memref<16x1024xf32, #tpu.memory_space<vmem>>, vector<16xf32>,
        %get3A_105 = arith.index_cast %scan3A_91 : i32 to index
        %get3A_106 = arith.constant 16 : index
        %get3A_107 = tpu.vector_load %arg11[%get3A_105, %get3A_106] {strides = array<i32>} : memref<16x1024xf32, #tpu.memory_space<vmem>>, vector<16xf32>,
        %get3A_108 = arith.index_cast %scan3A_91 : i32 to index
        %get3A_109 = arith.constant 16 : index
        %get3A_110 = tpu.vector_load %arg13[%get3A_108, %get3A_109] {strides = array<i32>} : memref<16x1024xf32, #tpu.memory_space<vmem>>, vector<16xf32>,
        %mul3A_111 = arith.mulf %get3A_107, %sub3A_94 : vector<16xf32>
        %mul3A_112 = arith.mulf %get3A_110, %gather3A : vector<16xf32>
        %add3A_113 = arith.addf %mul3A_111, %mul3A_112 : vector<16xf32>
        %swap3A_114 = arith.index_cast %scan3A_91 : i32 to index
        %swap3A_115 = arith.constant 16 : index
        %swap3A_116 = tpu.vector_load %arg15[%swap3A_114, %swap3A_115] {strides = array<i32>} : memref<16x1024xf32, #tpu.memory_space<vmem>>, vector<16xf32>,
        tpu.vector_store %arg15[%swap3A_114, %swap3A_115], %add3A_113 {strides = array<i32>} : memref<16x1024xf32, #tpu.memory_space<vmem>>, vector<16xf32>,
        %get3A_117 = arith.index_cast %scan3A_91 : i32 to index
        %get3A_118 = arith.constant 32 : index
        %get3A_119 = tpu.vector_load %arg11[%get3A_117, %get3A_118] {strides = array<i32>} : memref<16x1024xf32, #tpu.memory_space<vmem>>, vector<16xf32>,
        %get3A_120 = arith.index_cast %scan3A_91 : i32 to index
        %get3A_121 = arith.constant 32 : index
        %get3A_122 = tpu.vector_load %arg13[%get3A_120, %get3A_121] {strides = array<i32>} : memref<16x1024xf32, #tpu.memory_space<vmem>>, vector<16xf32>,
        %mul3A_123 = arith.mulf %get3A_119, %sub3A_94 : vector<16xf32>
        %mul3A_124 = arith.mulf %get3A_122, %gather3A : vector<16xf32>
        %add3A_125 = arith.addf %mul3A_123, %mul3A_124 : vector<16xf32>
        %swap3A_126 = arith.index_cast %scan3A_91 : i32 to index
        %swap3A_127 = arith.constant 32 : index
        %swap3A_128 = tpu.vector_load %arg15[%swap3A_126, %swap3A_127] {strides = array<i32>} : memref<16x1024xf32, #tpu.memory_space<vmem>>, vector<16xf32>,
        tpu.vector_store %arg15[%swap3A_126, %swap3A_127], %add3A_125 {strides = array<i32>} : memref<16x1024xf32, #tpu.memory_space<vmem>>, vector<16xf32>,
        %get3A_129 = arith.index_cast %scan3A_91 : i32 to index
        %get3A_130 = arith.constant 48 : index
        %get3A_131 = tpu.vector_load %arg11[%get3A_129, %get3A_130] {strides = array<i32>} : memref<16x1024xf32, #tpu.memory_space<vmem>>, vector<16xf32>,
        %get3A_132 = arith.index_cast %scan3A_91 : i32 to index
        %get3A_133 = arith.constant 48 : index
        %get3A_134 = tpu.vector_load %arg13[%get3A_132, %get3A_133] {strides = array<i32>} : memref<16x1024xf32, #tpu.memory_space<vmem>>, vector<16xf32>,
        %mul3A_135 = arith.mulf %get3A_131, %sub3A_94 : vector<16xf32>
        %mul3A_136 = arith.mulf %get3A_134, %gather3A : vector<16xf32>
        %add3A_137 = arith.addf %mul3A_135, %mul3A_136 : vector<16xf32>
        %swap3A_138 = arith.index_cast %scan3A_91 : i32 to index
        %swap3A_139 = arith.constant 48 : index
        %swap3A_140 = tpu.vector_load %arg15[%swap3A_138, %swap3A_139] {strides = array<i32>} : memref<16x1024xf32, #tpu.memory_space<vmem>>, vector<16xf32>,
        tpu.vector_store %arg15[%swap3A_138, %swap3A_139], %add3A_137 {strides = array<i32>} : memref<16x1024xf32, #tpu.memory_space<vmem>>, vector<16xf32>,
        %get3A_141 = arith.index_cast %scan3A_91 : i32 to index
        %get3A_142 = arith.constant 64 : index
        %get3A_143 = tpu.vector_load %arg11[%get3A_141, %get3A_142] {strides = array<i32>} : memref<16x1024xf32, #tpu.memory_space<vmem>>, vector<16xf32>,
        %get3A_144 = arith.index_cast %scan3A_91 : i32 to index
        %get3A_145 = arith.constant 64 : index
        %get3A_146 = tpu.vector_load %arg13[%get3A_144, %get3A_145] {strides = array<i32>} : memref<16x1024xf32, #tpu.memory_space<vmem>>, vector<16xf32>,
        %mul3A_147 = arith.mulf %get3A_143, %sub3A_94 : vector<16xf32>
        %mul3A_148 = arith.mulf %get3A_146, %gather3A : vector<16xf32>
        %add3A_149 = arith.addf %mul3A_147, %mul3A_148 : vector<16xf32>
        %swap3A_150 = arith.index_cast %scan3A_91 : i32 to index
        %swap3A_151 = arith.constant 64 : index
        %swap3A_152 = tpu.vector_load %arg15[%swap3A_150, %swap3A_151] {strides = array<i32>} : memref<16x1024xf32, #tpu.memory_space<vmem>>, vector<16xf32>,
        tpu.vector_store %arg15[%swap3A_150, %swap3A_151], %add3A_149 {strides = array<i32>} : memref<16x1024xf32, #tpu.memory_space<vmem>>, vector<16xf32>,
        %get3A_153 = arith.index_cast %scan3A_91 : i32 to index
        %get3A_154 = arith.constant 80 : index
        %get3A_155 = tpu.vector_load %arg11[%get3A_153, %get3A_154] {strides = array<i32>} : memref<16x1024xf32, #tpu.memory_space<vmem>>, vector<16xf32>,
        %get3A_156 = arith.index_cast %scan3A_91 : i32 to index
        %get3A_157 = arith.constant 80 : index
        %get3A_158 = tpu.vector_load %arg13[%get3A_156, %get3A_157] {strides = array<i32>} : memref<16x1024xf32, #tpu.memory_space<vmem>>, vector<16xf32>,
        %mul3A_159 = arith.mulf %get3A_155, %sub3A_94 : vector<16xf32>
        %mul3A_160 = arith.mulf %get3A_158, %gather3A : vector<16xf32>
        %add3A_161 = arith.addf %mul3A_159, %mul3A_160 : vector<16xf32>
        %swap3A_162 = arith.index_cast %scan3A_91 : i32 to index
        %swap3A_163 = arith.constant 80 : index
        %swap3A_164 = tpu.vector_load %arg15[%swap3A_162, %swap3A_163] {strides = array<i32>} : memref<16x1024xf32, #tpu.memory_space<vmem>>, vector<16xf32>,
        tpu.vector_store %arg15[%swap3A_162, %swap3A_163], %add3A_161 {strides = array<i32>} : memref<16x1024xf32, #tpu.memory_space<vmem>>, vector<16xf32>,
        %get3A_165 = arith.index_cast %scan3A_91 : i32 to index
        %get3A_166 = arith.constant 96 : index
        %get3A_167 = tpu.vector_load %arg11[%get3A_165, %get3A_166] {strides = array<i32>} : memref<16x1024xf32, #tpu.memory_space<vmem>>, vector<16xf32>,
        %get3A_168 = arith.index_cast %scan3A_91 : i32 to index
        %get3A_169 = arith.constant 96 : index
        %get3A_170 = tpu.vector_load %arg13[%get3A_168, %get3A_169] {strides = array<i32>} : memref<16x1024xf32, #tpu.memory_space<vmem>>, vector<16xf32>,
        %mul3A_171 = arith.mulf %get3A_167, %sub3A_94 : vector<16xf32>
        %mul3A_172 = arith.mulf %get3A_170, %gather3A : vector<16xf32>
        %add3A_173 = arith.addf %mul3A_171, %mul3A_172 : vector<16xf32>
        %swap3A_174 = arith.index_cast %scan3A_91 : i32 to index
        %swap3A_175 = arith.constant 96 : index
        %swap3A_176 = tpu.vector_load %arg15[%swap3A_174, %swap3A_175] {strides = array<i32>} : memref<16x1024xf32, #tpu.memory_space<vmem>>, vector<16xf32>,
        tpu.vector_store %arg15[%swap3A_174, %swap3A_175], %add3A_173 {strides = array<i32>} : memref<16x1024xf32, #tpu.memory_space<vmem>>, vector<16xf32>,
        %get3A_177 = arith.index_cast %scan3A_91 : i32 to index
        %get3A_178 = arith.constant 112 : index
        %get3A_179 = tpu.vector_load %arg11[%get3A_177, %get3A_178] {strides = array<i32>} : memref<16x1024xf32, #tpu.memory_space<vmem>>, vector<16xf32>,
        %get3A_180 = arith.index_cast %scan3A_91 : i32 to index
        %get3A_181 = arith.constant 112 : index
        %get3A_182 = tpu.vector_load %arg13[%get3A_180, %get3A_181] {strides = array<i32>} : memref<16x1024xf32, #tpu.memory_space<vmem>>, vector<16xf32>,
        %mul3A_183 = arith.mulf %get3A_179, %sub3A_94 : vector<16xf32>
        %mul3A_184 = arith.mulf %get3A_182, %gather3A : vector<16xf32>
        %add3A_185 = arith.addf %mul3A_183, %mul3A_184 : vector<16xf32>
        %swap3A_186 = arith.index_cast %scan3A_91 : i32 to index
        %swap3A_187 = arith.constant 112 : index
        %swap3A_188 = tpu.vector_load %arg15[%swap3A_186, %swap3A_187] {strides = array<i32>} : memref<16x1024xf32, #tpu.memory_space<vmem>>, vector<16xf32>,
        tpu.vector_store %arg15[%swap3A_186, %swap3A_187], %add3A_185 {strides = array<i32>} : memref<16x1024xf32, #tpu.memory_space<vmem>>, vector<16xf32>,
        %get3A_189 = arith.index_cast %scan3A_91 : i32 to index
        %get3A_190 = arith.constant 128 : index
        %get3A_191 = tpu.vector_load %arg11[%get3A_189, %get3A_190] {strides = array<i32>} : memref<16x1024xf32, #tpu.memory_space<vmem>>, vector<16xf32>,
        %get3A_192 = arith.index_cast %scan3A_91 : i32 to index
        %get3A_193 = arith.constant 128 : index
        %get3A_194 = tpu.vector_load %arg13[%get3A_192, %get3A_193] {strides = array<i32>} : memref<16x1024xf32, #tpu.memory_space<vmem>>, vector<16xf32>,
        %mul3A_195 = arith.mulf %get3A_191, %sub3A_94 : vector<16xf32>
        %mul3A_196 = arith.mulf %get3A_194, %gather3A : vector<16xf32>
        %add3A_197 = arith.addf %mul3A_195, %mul3A_196 : vector<16xf32>
        %swap3A_198 = arith.index_cast %scan3A_91 : i32 to index
        %swap3A_199 = arith.constant 128 : index
        %swap3A_200 = tpu.vector_load %arg15[%swap3A_198, %swap3A_199] {strides = array<i32>} : memref<16x1024xf32, #tpu.memory_space<vmem>>, vector<16xf32>,
        tpu.vector_store %arg15[%swap3A_198, %swap3A_199], %add3A_197 {strides = array<i32>} : memref<16x1024xf32, #tpu.memory_space<vmem>>, vector<16xf32>,
        %get3A_201 = arith.index_cast %scan3A_91 : i32 to index
        %get3A_202 = arith.constant 144 : index
        %get3A_203 = tpu.vector_load %arg11[%get3A_201, %get3A_202] {strides = array<i32>} : memref<16x1024xf32, #tpu.memory_space<vmem>>, vector<16xf32>,
        %get3A_204 = arith.index_cast %scan3A_91 : i32 to index
        %get3A_205 = arith.constant 144 : index
        %get3A_206 = tpu.vector_load %arg13[%get3A_204, %get3A_205] {strides = array<i32>} : memref<16x1024xf32, #tpu.memory_space<vmem>>, vector<16xf32>,
        %mul3A_207 = arith.mulf %get3A_203, %sub3A_94 : vector<16xf32>
        %mul3A_208 = arith.mulf %get3A_206, %gather3A : vector<16xf32>
        %add3A_209 = arith.addf %mul3A_207, %mul3A_208 : vector<16xf32>
        %swap3A_210 = arith.index_cast %scan3A_91 : i32 to index
        %swap3A_211 = arith.constant 144 : index
        %swap3A_212 = tpu.vector_load %arg15[%swap3A_210, %swap3A_211] {strides = array<i32>} : memref<16x1024xf32, #tpu.memory_space<vmem>>, vector<16xf32>,
        tpu.vector_store %arg15[%swap3A_210, %swap3A_211], %add3A_209 {strides = array<i32>} : memref<16x1024xf32, #tpu.memory_space<vmem>>, vector<16xf32>,
        %get3A_213 = arith.index_cast %scan3A_91 : i32 to index
        %get3A_214 = arith.constant 160 : index
        %get3A_215 = tpu.vector_load %arg11[%get3A_213, %get3A_214] {strides = array<i32>} : memref<16x1024xf32, #tpu.memory_space<vmem>>, vector<16xf32>,
        %get3A_216 = arith.index_cast %scan3A_91 : i32 to index
        %get3A_217 = arith.constant 160 : index
        %get3A_218 = tpu.vector_load %arg13[%get3A_216, %get3A_217] {strides = array<i32>} : memref<16x1024xf32, #tpu.memory_space<vmem>>, vector<16xf32>,
        %mul3A_219 = arith.mulf %get3A_215, %sub3A_94 : vector<16xf32>
        %mul3A_220 = arith.mulf %get3A_218, %gather3A : vector<16xf32>
        %add3A_221 = arith.addf %mul3A_219, %mul3A_220 : vector<16xf32>
        %swap3A_222 = arith.index_cast %scan3A_91 : i32 to index
        %swap3A_223 = arith.constant 160 : index
        %swap3A_224 = tpu.vector_load %arg15[%swap3A_222, %swap3A_223] {strides = array<i32>} : memref<16x1024xf32, #tpu.memory_space<vmem>>, vector<16xf32>,
        tpu.vector_store %arg15[%swap3A_222, %swap3A_223], %add3A_221 {strides = array<i32>} : memref<16x1024xf32, #tpu.memory_space<vmem>>, vector<16xf32>,
        %get3A_225 = arith.index_cast %scan3A_91 : i32 to index
        %get3A_226 = arith.constant 176 : index
        %get3A_227 = tpu.vector_load %arg11[%get3A_225, %get3A_226] {strides = array<i32>} : memref<16x1024xf32, #tpu.memory_space<vmem>>, vector<16xf32>,
        %get3A_228 = arith.index_cast %scan3A_91 : i32 to index
        %get3A_229 = arith.constant 176 : index
        %get3A_230 = tpu.vector_load %arg13[%get3A_228, %get3A_229] {strides = array<i32>} : memref<16x1024xf32, #tpu.memory_space<vmem>>, vector<16xf32>,
        %mul3A_231 = arith.mulf %get3A_227, %sub3A_94 : vector<16xf32>
        %mul3A_232 = arith.mulf %get3A_230, %gather3A : vector<16xf32>
        %add3A_233 = arith.addf %mul3A_231, %mul3A_232 : vector<16xf32>
        %swap3A_234 = arith.index_cast %scan3A_91 : i32 to index
        %swap3A_235 = arith.constant 176 : index
        %swap3A_236 = tpu.vector_load %arg15[%swap3A_234, %swap3A_235] {strides = array<i32>} : memref<16x1024xf32, #tpu.memory_space<vmem>>, vector<16xf32>,
        tpu.vector_store %arg15[%swap3A_234, %swap3A_235], %add3A_233 {strides = array<i32>} : memref<16x1024xf32, #tpu.memory_space<vmem>>, vector<16xf32>,
        %get3A_237 = arith.index_cast %scan3A_91 : i32 to index
        %get3A_238 = arith.constant 192 : index
        %get3A_239 = tpu.vector_load %arg11[%get3A_237, %get3A_238] {strides = array<i32>} : memref<16x1024xf32, #tpu.memory_space<vmem>>, vector<16xf32>,
        %get3A_240 = arith.index_cast %scan3A_91 : i32 to index
        %get3A_241 = arith.constant 192 : index
        %get3A_242 = tpu.vector_load %arg13[%get3A_240, %get3A_241] {strides = array<i32>} : memref<16x1024xf32, #tpu.memory_space<vmem>>, vector<16xf32>,
        %mul3A_243 = arith.mulf %get3A_239, %sub3A_94 : vector<16xf32>
        %mul3A_244 = arith.mulf %get3A_242, %gather3A : vector<16xf32>
        %add3A_245 = arith.addf %mul3A_243, %mul3A_244 : vector<16xf32>
        %swap3A_246 = arith.index_cast %scan3A_91 : i32 to index
        %swap3A_247 = arith.constant 192 : index
        %swap3A_248 = tpu.vector_load %arg15[%swap3A_246, %swap3A_247] {strides = array<i32>} : memref<16x1024xf32, #tpu.memory_space<vmem>>, vector<16xf32>,
        tpu.vector_store %arg15[%swap3A_246, %swap3A_247], %add3A_245 {strides = array<i32>} : memref<16x1024xf32, #tpu.memory_space<vmem>>, vector<16xf32>,
        %get3A_249 = arith.index_cast %scan3A_91 : i32 to index
        %get3A_250 = arith.constant 208 : index
        %get3A_251 = tpu.vector_load %arg11[%get3A_249, %get3A_250] {strides = array<i32>} : memref<16x1024xf32, #tpu.memory_space<vmem>>, vector<16xf32>,
        %get3A_252 = arith.index_cast %scan3A_91 : i32 to index
        %get3A_253 = arith.constant 208 : index
        %get3A_254 = tpu.vector_load %arg13[%get3A_252, %get3A_253] {strides = array<i32>} : memref<16x1024xf32, #tpu.memory_space<vmem>>, vector<16xf32>,
        %mul3A_255 = arith.mulf %get3A_251, %sub3A_94 : vector<16xf32>
        %mul3A_256 = arith.mulf %get3A_254, %gather3A : vector<16xf32>
        %add3A_257 = arith.addf %mul3A_255, %mul3A_256 : vector<16xf32>
        %swap3A_258 = arith.index_cast %scan3A_91 : i32 to index
        %swap3A_259 = arith.constant 208 : index
        %swap3A_260 = tpu.vector_load %arg15[%swap3A_258, %swap3A_259] {strides = array<i32>} : memref<16x1024xf32, #tpu.memory_space<vmem>>, vector<16xf32>,
        tpu.vector_store %arg15[%swap3A_258, %swap3A_259], %add3A_257 {strides = array<i32>} : memref<16x1024xf32, #tpu.memory_space<vmem>>, vector<16xf32>,
        %get3A_261 = arith.index_cast %scan3A_91 : i32 to index
        %get3A_262 = arith.constant 224 : index
        %get3A_263 = tpu.vector_load %arg11[%get3A_261, %get3A_262] {strides = array<i32>} : memref<16x1024xf32, #tpu.memory_space<vmem>>, vector<16xf32>,
        %get3A_264 = arith.index_cast %scan3A_91 : i32 to index
        %get3A_265 = arith.constant 224 : index
        %get3A_266 = tpu.vector_load %arg13[%get3A_264, %get3A_265] {strides = array<i32>} : memref<16x1024xf32, #tpu.memory_space<vmem>>, vector<16xf32>,
        %mul3A_267 = arith.mulf %get3A_263, %sub3A_94 : vector<16xf32>
        %mul3A_268 = arith.mulf %get3A_266, %gather3A : vector<16xf32>
        %add3A_269 = arith.addf %mul3A_267, %mul3A_268 : vector<16xf32>
        %swap3A_270 = arith.index_cast %scan3A_91 : i32 to index
        %swap3A_271 = arith.constant 224 : index
        %swap3A_272 = tpu.vector_load %arg15[%swap3A_270, %swap3A_271] {strides = array<i32>} : memref<16x1024xf32, #tpu.memory_space<vmem>>, vector<16xf32>,
        tpu.vector_store %arg15[%swap3A_270, %swap3A_271], %add3A_269 {strides = array<i32>} : memref<16x1024xf32, #tpu.memory_space<vmem>>, vector<16xf32>,
        %get3A_273 = arith.index_cast %scan3A_91 : i32 to index
        %get3A_274 = arith.constant 240 : index
        %get3A_275 = tpu.vector_load %arg11[%get3A_273, %get3A_274] {strides = array<i32>} : memref<16x1024xf32, #tpu.memory_space<vmem>>, vector<16xf32>,
        %get3A_276 = arith.index_cast %scan3A_91 : i32 to index
        %get3A_277 = arith.constant 240 : index
        %get3A_278 = tpu.vector_load %arg13[%get3A_276, %get3A_277] {strides = array<i32>} : memref<16x1024xf32, #tpu.memory_space<vmem>>, vector<16xf32>,
        %mul3A_279 = arith.mulf %get3A_275, %sub3A_94 : vector<16xf32>
        %mul3A_280 = arith.mulf %get3A_278, %gather3A : vector<16xf32>
        %add3A_281 = arith.addf %mul3A_279, %mul3A_280 : vector<16xf32>
        %swap3A_282 = arith.index_cast %scan3A_91 : i32 to index
        %swap3A_283 = arith.constant 240 : index
        %swap3A_284 = tpu.vector_load %arg15[%swap3A_282, %swap3A_283] {strides = array<i32>} : memref<16x1024xf32, #tpu.memory_space<vmem>>, vector<16xf32>,
        tpu.vector_store %arg15[%swap3A_282, %swap3A_283], %add3A_281 {strides = array<i32>} : memref<16x1024xf32, #tpu.memory_space<vmem>>, vector<16xf32>,
        %get3A_285 = arith.index_cast %scan3A_91 : i32 to index
        %get3A_286 = arith.constant 256 : index
        %get3A_287 = tpu.vector_load %arg11[%get3A_285, %get3A_286] {strides = array<i32>} : memref<16x1024xf32, #tpu.memory_space<vmem>>, vector<16xf32>,
        %get3A_288 = arith.index_cast %scan3A_91 : i32 to index
        %get3A_289 = arith.constant 256 : index
        %get3A_290 = tpu.vector_load %arg13[%get3A_288, %get3A_289] {strides = array<i32>} : memref<16x1024xf32, #tpu.memory_space<vmem>>, vector<16xf32>,
        %mul3A_291 = arith.mulf %get3A_287, %sub3A_94 : vector<16xf32>
        %mul3A_292 = arith.mulf %get3A_290, %gather3A : vector<16xf32>
        %add3A_293 = arith.addf %mul3A_291, %mul3A_292 : vector<16xf32>
        %swap3A_294 = arith.index_cast %scan3A_91 : i32 to index
        %swap3A_295 = arith.constant 256 : index
        %swap3A_296 = tpu.vector_load %arg15[%swap3A_294, %swap3A_295] {strides = array<i32>} : memref<16x1024xf32, #tpu.memory_space<vmem>>, vector<16xf32>,
        tpu.vector_store %arg15[%swap3A_294, %swap3A_295], %add3A_293 {strides = array<i32>} : memref<16x1024xf32, #tpu.memory_space<vmem>>, vector<16xf32>,
        %get3A_297 = arith.index_cast %scan3A_91 : i32 to index
        %get3A_298 = arith.constant 272 : index
        %get3A_299 = tpu.vector_load %arg11[%get3A_297, %get3A_298] {strides = array<i32>} : memref<16x1024xf32, #tpu.memory_space<vmem>>, vector<16xf32>,
        %get3A_300 = arith.index_cast %scan3A_91 : i32 to index
        %get3A_301 = arith.constant 272 : index
        %get3A_302 = tpu.vector_load %arg13[%get3A_300, %get3A_301] {strides = array<i32>} : memref<16x1024xf32, #tpu.memory_space<vmem>>, vector<16xf32>,
        %mul3A_303 = arith.mulf %get3A_299, %sub3A_94 : vector<16xf32>
        %mul3A_304 = arith.mulf %get3A_302, %gather3A : vector<16xf32>
        %add3A_305 = arith.addf %mul3A_303, %mul3A_304 : vector<16xf32>
        %swap3A_306 = arith.index_cast %scan3A_91 : i32 to index
        %swap3A_307 = arith.constant 272 : index
        %swap3A_308 = tpu.vector_load %arg15[%swap3A_306, %swap3A_307] {strides = array<i32>} : memref<16x1024xf32, #tpu.memory_space<vmem>>, vector<16xf32>,
        tpu.vector_store %arg15[%swap3A_306, %swap3A_307], %add3A_305 {strides = array<i32>} : memref<16x1024xf32, #tpu.memory_space<vmem>>, vector<16xf32>,
        %get3A_309 = arith.index_cast %scan3A_91 : i32 to index
        %get3A_310 = arith.constant 288 : index
        %get3A_311 = tpu.vector_load %arg11[%get3A_309, %get3A_310] {strides = array<i32>} : memref<16x1024xf32, #tpu.memory_space<vmem>>, vector<16xf32>,
        %get3A_312 = arith.index_cast %scan3A_91 : i32 to index
        %get3A_313 = arith.constant 288 : index
        %get3A_314 = tpu.vector_load %arg13[%get3A_312, %get3A_313] {strides = array<i32>} : memref<16x1024xf32, #tpu.memory_space<vmem>>, vector<16xf32>,
        %mul3A_315 = arith.mulf %get3A_311, %sub3A_94 : vector<16xf32>
        %mul3A_316 = arith.mulf %get3A_314, %gather3A : vector<16xf32>
        %add3A_317 = arith.addf %mul3A_315, %mul3A_316 : vector<16xf32>
        %swap3A_318 = arith.index_cast %scan3A_91 : i32 to index
        %swap3A_319 = arith.constant 288 : index
        %swap3A_320 = tpu.vector_load %arg15[%swap3A_318, %swap3A_319] {strides = array<i32>} : memref<16x1024xf32, #tpu.memory_space<vmem>>, vector<16xf32>,
        tpu.vector_store %arg15[%swap3A_318, %swap3A_319], %add3A_317 {strides = array<i32>} : memref<16x1024xf32, #tpu.memory_space<vmem>>, vector<16xf32>,
        %get3A_321 = arith.index_cast %scan3A_91 : i32 to index
        %get3A_322 = arith.constant 304 : index
        %get3A_323 = tpu.vector_load %arg11[%get3A_321, %get3A_322] {strides = array<i32>} : memref<16x1024xf32, #tpu.memory_space<vmem>>, vector<16xf32>,
        %get3A_324 = arith.index_cast %scan3A_91 : i32 to index
        %get3A_325 = arith.constant 304 : index
        %get3A_326 = tpu.vector_load %arg13[%get3A_324, %get3A_325] {strides = array<i32>} : memref<16x1024xf32, #tpu.memory_space<vmem>>, vector<16xf32>,
        %mul3A_327 = arith.mulf %get3A_323, %sub3A_94 : vector<16xf32>
        %mul3A_328 = arith.mulf %get3A_326, %gather3A : vector<16xf32>
        %add3A_329 = arith.addf %mul3A_327, %mul3A_328 : vector<16xf32>
        %swap3A_330 = arith.index_cast %scan3A_91 : i32 to index
        %swap3A_331 = arith.constant 304 : index
        %swap3A_332 = tpu.vector_load %arg15[%swap3A_330, %swap3A_331] {strides = array<i32>} : memref<16x1024xf32, #tpu.memory_space<vmem>>, vector<16xf32>,
        tpu.vector_store %arg15[%swap3A_330, %swap3A_331], %add3A_329 {strides = array<i32>} : memref<16x1024xf32, #tpu.memory_space<vmem>>, vector<16xf32>,
        %get3A_333 = arith.index_cast %scan3A_91 : i32 to index
        %get3A_334 = arith.constant 320 : index
        %get3A_335 = tpu.vector_load %arg11[%get3A_333, %get3A_334] {strides = array<i32>} : memref<16x1024xf32, #tpu.memory_space<vmem>>, vector<16xf32>,
        %get3A_336 = arith.index_cast %scan3A_91 : i32 to index
        %get3A_337 = arith.constant 320 : index
        %get3A_338 = tpu.vector_load %arg13[%get3A_336, %get3A_337] {strides = array<i32>} : memref<16x1024xf32, #tpu.memory_space<vmem>>, vector<16xf32>,
        %mul3A_339 = arith.mulf %get3A_335, %sub3A_94 : vector<16xf32>
        %mul3A_340 = arith.mulf %get3A_338, %gather3A : vector<16xf32>
        %add3A_341 = arith.addf %mul3A_339, %mul3A_340 : vector<16xf32>
        %swap3A_342 = arith.index_cast %scan3A_91 : i32 to index
        %swap3A_343 = arith.constant 320 : index
        %swap3A_344 = tpu.vector_load %arg15[%swap3A_342, %swap3A_343] {strides = array<i32>} : memref<16x1024xf32, #tpu.memory_space<vmem>>, vector<16xf32>,
        tpu.vector_store %arg15[%swap3A_342, %swap3A_343], %add3A_341 {strides = array<i32>} : memref<16x1024xf32, #tpu.memory_space<vmem>>, vector<16xf32>,
        %get3A_345 = arith.index_cast %scan3A_91 : i32 to index
        %get3A_346 = arith.constant 336 : index
        %get3A_347 = tpu.vector_load %arg11[%get3A_345, %get3A_346] {strides = array<i32>} : memref<16x1024xf32, #tpu.memory_space<vmem>>, vector<16xf32>,
        %get3A_348 = arith.index_cast %scan3A_91 : i32 to index
        %get3A_349 = arith.constant 336 : index
        %get3A_350 = tpu.vector_load %arg13[%get3A_348, %get3A_349] {strides = array<i32>} : memref<16x1024xf32, #tpu.memory_space<vmem>>, vector<16xf32>,
        %mul3A_351 = arith.mulf %get3A_347, %sub3A_94 : vector<16xf32>
        %mul3A_352 = arith.mulf %get3A_350, %gather3A : vector<16xf32>
        %add3A_353 = arith.addf %mul3A_351, %mul3A_352 : vector<16xf32>
        %swap3A_354 = arith.index_cast %scan3A_91 : i32 to index
        %swap3A_355 = arith.constant 336 : index
        %swap3A_356 = tpu.vector_load %arg15[%swap3A_354, %swap3A_355] {strides = array<i32>} : memref<16x1024xf32, #tpu.memory_space<vmem>>, vector<16xf32>,
        tpu.vector_store %arg15[%swap3A_354, %swap3A_355], %add3A_353 {strides = array<i32>} : memref<16x1024xf32, #tpu.memory_space<vmem>>, vector<16xf32>,
        %get3A_357 = arith.index_cast %scan3A_91 : i32 to index
        %get3A_358 = arith.constant 352 : index
        %get3A_359 = tpu.vector_load %arg11[%get3A_357, %get3A_358] {strides = array<i32>} : memref<16x1024xf32, #tpu.memory_space<vmem>>, vector<16xf32>,
        %get3A_360 = arith.index_cast %scan3A_91 : i32 to index
        %get3A_361 = arith.constant 352 : index
        %get3A_362 = tpu.vector_load %arg13[%get3A_360, %get3A_361] {strides = array<i32>} : memref<16x1024xf32, #tpu.memory_space<vmem>>, vector<16xf32>,
        %mul3A_363 = arith.mulf %get3A_359, %sub3A_94 : vector<16xf32>
        %mul3A_364 = arith.mulf %get3A_362, %gather3A : vector<16xf32>
        %add3A_365 = arith.addf %mul3A_363, %mul3A_364 : vector<16xf32>
        %swap3A_366 = arith.index_cast %scan3A_91 : i32 to index
        %swap3A_367 = arith.constant 352 : index
        %swap3A_368 = tpu.vector_load %arg15[%swap3A_366, %swap3A_367] {strides = array<i32>} : memref<16x1024xf32, #tpu.memory_space<vmem>>, vector<16xf32>,
        tpu.vector_store %arg15[%swap3A_366, %swap3A_367], %add3A_365 {strides = array<i32>} : memref<16x1024xf32, #tpu.memory_space<vmem>>, vector<16xf32>,
        %get3A_369 = arith.index_cast %scan3A_91 : i32 to index
        %get3A_370 = arith.constant 368 : index
        %get3A_371 = tpu.vector_load %arg11[%get3A_369, %get3A_370] {strides = array<i32>} : memref<16x1024xf32, #tpu.memory_space<vmem>>, vector<16xf32>,
        %get3A_372 = arith.index_cast %scan3A_91 : i32 to index
        %get3A_373 = arith.constant 368 : index
        %get3A_374 = tpu.vector_load %arg13[%get3A_372, %get3A_373] {strides = array<i32>} : memref<16x1024xf32, #tpu.memory_space<vmem>>, vector<16xf32>,
        %mul3A_375 = arith.mulf %get3A_371, %sub3A_94 : vector<16xf32>
        %mul3A_376 = arith.mulf %get3A_374, %gather3A : vector<16xf32>
        %add3A_377 = arith.addf %mul3A_375, %mul3A_376 : vector<16xf32>
        %swap3A_378 = arith.index_cast %scan3A_91 : i32 to index
        %swap3A_379 = arith.constant 368 : index
        %swap3A_380 = tpu.vector_load %arg15[%swap3A_378, %swap3A_379] {strides = array<i32>} : memref<16x1024xf32, #tpu.memory_space<vmem>>, vector<16xf32>,
        tpu.vector_store %arg15[%swap3A_378, %swap3A_379], %add3A_377 {strides = array<i32>} : memref<16x1024xf32, #tpu.memory_space<vmem>>, vector<16xf32>,
        %get3A_381 = arith.index_cast %scan3A_91 : i32 to index
        %get3A_382 = arith.constant 384 : index
        %get3A_383 = tpu.vector_load %arg11[%get3A_381, %get3A_382] {strides = array<i32>} : memref<16x1024xf32, #tpu.memory_space<vmem>>, vector<16xf32>,
        %get3A_384 = arith.index_cast %scan3A_91 : i32 to index
        %get3A_385 = arith.constant 384 : index
        %get3A_386 = tpu.vector_load %arg13[%get3A_384, %get3A_385] {strides = array<i32>} : memref<16x1024xf32, #tpu.memory_space<vmem>>, vector<16xf32>,
        %mul3A_387 = arith.mulf %get3A_383, %sub3A_94 : vector<16xf32>
        %mul3A_388 = arith.mulf %get3A_386, %gather3A : vector<16xf32>
        %add3A_389 = arith.addf %mul3A_387, %mul3A_388 : vector<16xf32>
        %swap3A_390 = arith.index_cast %scan3A_91 : i32 to index
        %swap3A_391 = arith.constant 384 : index
        %swap3A_392 = tpu.vector_load %arg15[%swap3A_390, %swap3A_391] {strides = array<i32>} : memref<16x1024xf32, #tpu.memory_space<vmem>>, vector<16xf32>,
        tpu.vector_store %arg15[%swap3A_390, %swap3A_391], %add3A_389 {strides = array<i32>} : memref<16x1024xf32, #tpu.memory_space<vmem>>, vector<16xf32>,
        %get3A_393 = arith.index_cast %scan3A_91 : i32 to index
        %get3A_394 = arith.constant 400 : index
        %get3A_395 = tpu.vector_load %arg11[%get3A_393, %get3A_394] {strides = array<i32>} : memref<16x1024xf32, #tpu.memory_space<vmem>>, vector<16xf32>,
        %get3A_396 = arith.index_cast %scan3A_91 : i32 to index
        %get3A_397 = arith.constant 400 : index
        %get3A_398 = tpu.vector_load %arg13[%get3A_396, %get3A_397] {strides = array<i32>} : memref<16x1024xf32, #tpu.memory_space<vmem>>, vector<16xf32>,
        %mul3A_399 = arith.mulf %get3A_395, %sub3A_94 : vector<16xf32>
        %mul3A_400 = arith.mulf %get3A_398, %gather3A : vector<16xf32>
        %add3A_401 = arith.addf %mul3A_399, %mul3A_400 : vector<16xf32>
        %swap3A_402 = arith.index_cast %scan3A_91 : i32 to index
        %swap3A_403 = arith.constant 400 : index
        %swap3A_404 = tpu.vector_load %arg15[%swap3A_402, %swap3A_403] {strides = array<i32>} : memref<16x1024xf32, #tpu.memory_space<vmem>>, vector<16xf32>,
        tpu.vector_store %arg15[%swap3A_402, %swap3A_403], %add3A_401 {strides = array<i32>} : memref<16x1024xf32, #tpu.memory_space<vmem>>, vector<16xf32>,
        %get3A_405 = arith.index_cast %scan3A_91 : i32 to index
        %get3A_406 = arith.constant 416 : index
        %get3A_407 = tpu.vector_load %arg11[%get3A_405, %get3A_406] {strides = array<i32>} : memref<16x1024xf32, #tpu.memory_space<vmem>>, vector<16xf32>,
        %get3A_408 = arith.index_cast %scan3A_91 : i32 to index
        %get3A_409 = arith.constant 416 : index
        %get3A_410 = tpu.vector_load %arg13[%get3A_408, %get3A_409] {strides = array<i32>} : memref<16x1024xf32, #tpu.memory_space<vmem>>, vector<16xf32>,
        %mul3A_411 = arith.mulf %get3A_407, %sub3A_94 : vector<16xf32>
        %mul3A_412 = arith.mulf %get3A_410, %gather3A : vector<16xf32>
        %add3A_413 = arith.addf %mul3A_411, %mul3A_412 : vector<16xf32>
        %swap3A_414 = arith.index_cast %scan3A_91 : i32 to index
        %swap3A_415 = arith.constant 416 : index
        %swap3A_416 = tpu.vector_load %arg15[%swap3A_414, %swap3A_415] {strides = array<i32>} : memref<16x1024xf32, #tpu.memory_space<vmem>>, vector<16xf32>,
        tpu.vector_store %arg15[%swap3A_414, %swap3A_415], %add3A_413 {strides = array<i32>} : memref<16x1024xf32, #tpu.memory_space<vmem>>, vector<16xf32>,
        %get3A_417 = arith.index_cast %scan3A_91 : i32 to index
        %get3A_418 = arith.constant 432 : index
        %get3A_419 = tpu.vector_load %arg11[%get3A_417, %get3A_418] {strides = array<i32>} : memref<16x1024xf32, #tpu.memory_space<vmem>>, vector<16xf32>,
        %get3A_420 = arith.index_cast %scan3A_91 : i32 to index
        %get3A_421 = arith.constant 432 : index
        %get3A_422 = tpu.vector_load %arg13[%get3A_420, %get3A_421] {strides = array<i32>} : memref<16x1024xf32, #tpu.memory_space<vmem>>, vector<16xf32>,
        %mul3A_423 = arith.mulf %get3A_419, %sub3A_94 : vector<16xf32>
        %mul3A_424 = arith.mulf %get3A_422, %gather3A : vector<16xf32>
        %add3A_425 = arith.addf %mul3A_423, %mul3A_424 : vector<16xf32>
        %swap3A_426 = arith.index_cast %scan3A_91 : i32 to index
        %swap3A_427 = arith.constant 432 : index
        %swap3A_428 = tpu.vector_load %arg15[%swap3A_426, %swap3A_427] {strides = array<i32>} : memref<16x1024xf32, #tpu.memory_space<vmem>>, vector<16xf32>,
        tpu.vector_store %arg15[%swap3A_426, %swap3A_427], %add3A_425 {strides = array<i32>} : memref<16x1024xf32, #tpu.memory_space<vmem>>, vector<16xf32>,
        %get3A_429 = arith.index_cast %scan3A_91 : i32 to index
        %get3A_430 = arith.constant 448 : index
        %get3A_431 = tpu.vector_load %arg11[%get3A_429, %get3A_430] {strides = array<i32>} : memref<16x1024xf32, #tpu.memory_space<vmem>>, vector<16xf32>,
        %get3A_432 = arith.index_cast %scan3A_91 : i32 to index
        %get3A_433 = arith.constant 448 : index
        %get3A_434 = tpu.vector_load %arg13[%get3A_432, %get3A_433] {strides = array<i32>} : memref<16x1024xf32, #tpu.memory_space<vmem>>, vector<16xf32>,
        %mul3A_435 = arith.mulf %get3A_431, %sub3A_94 : vector<16xf32>
        %mul3A_436 = arith.mulf %get3A_434, %gather3A : vector<16xf32>
        %add3A_437 = arith.addf %mul3A_435, %mul3A_436 : vector<16xf32>
        %swap3A_438 = arith.index_cast %scan3A_91 : i32 to index
        %swap3A_439 = arith.constant 448 : index
        %swap3A_440 = tpu.vector_load %arg15[%swap3A_438, %swap3A_439] {strides = array<i32>} : memref<16x1024xf32, #tpu.memory_space<vmem>>, vector<16xf32>,
        tpu.vector_store %arg15[%swap3A_438, %swap3A_439], %add3A_437 {strides = array<i32>} : memref<16x1024xf32, #tpu.memory_space<vmem>>, vector<16xf32>,
        %get3A_441 = arith.index_cast %scan3A_91 : i32 to index
        %get3A_442 = arith.constant 464 : index
        %get3A_443 = tpu.vector_load %arg11[%get3A_441, %get3A_442] {strides = array<i32>} : memref<16x1024xf32, #tpu.memory_space<vmem>>, vector<16xf32>,
        %get3A_444 = arith.index_cast %scan3A_91 : i32 to index
        %get3A_445 = arith.constant 464 : index
        %get3A_446 = tpu.vector_load %arg13[%get3A_444, %get3A_445] {strides = array<i32>} : memref<16x1024xf32, #tpu.memory_space<vmem>>, vector<16xf32>,
        %mul3A_447 = arith.mulf %get3A_443, %sub3A_94 : vector<16xf32>
        %mul3A_448 = arith.mulf %get3A_446, %gather3A : vector<16xf32>
        %add3A_449 = arith.addf %mul3A_447, %mul3A_448 : vector<16xf32>
        %swap3A_450 = arith.index_cast %scan3A_91 : i32 to index
        %swap3A_451 = arith.constant 464 : index
        %swap3A_452 = tpu.vector_load %arg15[%swap3A_450, %swap3A_451] {strides = array<i32>} : memref<16x1024xf32, #tpu.memory_space<vmem>>, vector<16xf32>,
        tpu.vector_store %arg15[%swap3A_450, %swap3A_451], %add3A_449 {strides = array<i32>} : memref<16x1024xf32, #tpu.memory_space<vmem>>, vector<16xf32>,
        %get3A_453 = arith.index_cast %scan3A_91 : i32 to index
        %get3A_454 = arith.constant 480 : index
        %get3A_455 = tpu.vector_load %arg11[%get3A_453, %get3A_454] {strides = array<i32>} : memref<16x1024xf32, #tpu.memory_space<vmem>>, vector<16xf32>,
        %get3A_456 = arith.index_cast %scan3A_91 : i32 to index
        %get3A_457 = arith.constant 480 : index
        %get3A_458 = tpu.vector_load %arg13[%get3A_456, %get3A_457] {strides = array<i32>} : memref<16x1024xf32, #tpu.memory_space<vmem>>, vector<16xf32>,
        %mul3A_459 = arith.mulf %get3A_455, %sub3A_94 : vector<16xf32>
        %mul3A_460 = arith.mulf %get3A_458, %gather3A : vector<16xf32>
        %add3A_461 = arith.addf %mul3A_459, %mul3A_460 : vector<16xf32>
        %swap3A_462 = arith.index_cast %scan3A_91 : i32 to index
        %swap3A_463 = arith.constant 480 : index
        %swap3A_464 = tpu.vector_load %arg15[%swap3A_462, %swap3A_463] {strides = array<i32>} : memref<16x1024xf32, #tpu.memory_space<vmem>>, vector<16xf32>,
        tpu.vector_store %arg15[%swap3A_462, %swap3A_463], %add3A_461 {strides = array<i32>} : memref<16x1024xf32, #tpu.memory_space<vmem>>, vector<16xf32>,
        %get3A_465 = arith.index_cast %scan3A_91 : i32 to index
        %get3A_466 = arith.constant 496 : index
        %get3A_467 = tpu.vector_load %arg11[%get3A_465, %get3A_466] {strides = array<i32>} : memref<16x1024xf32, #tpu.memory_space<vmem>>, vector<16xf32>,
        %get3A_468 = arith.index_cast %scan3A_91 : i32 to index
        %get3A_469 = arith.constant 496 : index
        %get3A_470 = tpu.vector_load %arg13[%get3A_468, %get3A_469] {strides = array<i32>} : memref<16x1024xf32, #tpu.memory_space<vmem>>, vector<16xf32>,
        %mul3A_471 = arith.mulf %get3A_467, %sub3A_94 : vector<16xf32>
        %mul3A_472 = arith.mulf %get3A_470, %gather3A : vector<16xf32>
        %add3A_473 = arith.addf %mul3A_471, %mul3A_472 : vector<16xf32>
        %swap3A_474 = arith.index_cast %scan3A_91 : i32 to index
        %swap3A_475 = arith.constant 496 : index
        %swap3A_476 = tpu.vector_load %arg15[%swap3A_474, %swap3A_475] {strides = array<i32>} : memref<16x1024xf32, #tpu.memory_space<vmem>>, vector<16xf32>,
        tpu.vector_store %arg15[%swap3A_474, %swap3A_475], %add3A_473 {strides = array<i32>} : memref<16x1024xf32, #tpu.memory_space<vmem>>, vector<16xf32>,
        %get3A_477 = arith.index_cast %scan3A_91 : i32 to index
        %get3A_478 = arith.constant 512 : index
        %get3A_479 = tpu.vector_load %arg11[%get3A_477, %get3A_478] {strides = array<i32>} : memref<16x1024xf32, #tpu.memory_space<vmem>>, vector<16xf32>,
        %get3A_480 = arith.index_cast %scan3A_91 : i32 to index
        %get3A_481 = arith.constant 512 : index
        %get3A_482 = tpu.vector_load %arg13[%get3A_480, %get3A_481] {strides = array<i32>} : memref<16x1024xf32, #tpu.memory_space<vmem>>, vector<16xf32>,
        %mul3A_483 = arith.mulf %get3A_479, %sub3A_94 : vector<16xf32>
        %mul3A_484 = arith.mulf %get3A_482, %gather3A : vector<16xf32>
        %add3A_485 = arith.addf %mul3A_483, %mul3A_484 : vector<16xf32>
        %swap3A_486 = arith.index_cast %scan3A_91 : i32 to index
        %swap3A_487 = arith.constant 512 : index
        %swap3A_488 = tpu.vector_load %arg15[%swap3A_486, %swap3A_487] {strides = array<i32>} : memref<16x1024xf32, #tpu.memory_space<vmem>>, vector<16xf32>,
        tpu.vector_store %arg15[%swap3A_486, %swap3A_487], %add3A_485 {strides = array<i32>} : memref<16x1024xf32, #tpu.memory_space<vmem>>, vector<16xf32>,
        %get3A_489 = arith.index_cast %scan3A_91 : i32 to index
        %get3A_490 = arith.constant 528 : index
        %get3A_491 = tpu.vector_load %arg11[%get3A_489, %get3A_490] {strides = array<i32>} : memref<16x1024xf32, #tpu.memory_space<vmem>>, vector<16xf32>,
        %get3A_492 = arith.index_cast %scan3A_91 : i32 to index
        %get3A_493 = arith.constant 528 : index
        %get3A_494 = tpu.vector_load %arg13[%get3A_492, %get3A_493] {strides = array<i32>} : memref<16x1024xf32, #tpu.memory_space<vmem>>, vector<16xf32>,
        %mul3A_495 = arith.mulf %get3A_491, %sub3A_94 : vector<16xf32>
        %mul3A_496 = arith.mulf %get3A_494, %gather3A : vector<16xf32>
        %add3A_497 = arith.addf %mul3A_495, %mul3A_496 : vector<16xf32>
        %swap3A_498 = arith.index_cast %scan3A_91 : i32 to index
        %swap3A_499 = arith.constant 528 : index
        %swap3A_500 = tpu.vector_load %arg15[%swap3A_498, %swap3A_499] {strides = array<i32>} : memref<16x1024xf32, #tpu.memory_space<vmem>>, vector<16xf32>,
        tpu.vector_store %arg15[%swap3A_498, %swap3A_499], %add3A_497 {strides = array<i32>} : memref<16x1024xf32, #tpu.memory_space<vmem>>, vector<16xf32>,
        %get3A_501 = arith.index_cast %scan3A_91 : i32 to index
        %get3A_502 = arith.constant 544 : index
        %get3A_503 = tpu.vector_load %arg11[%get3A_501, %get3A_502] {strides = array<i32>} : memref<16x1024xf32, #tpu.memory_space<vmem>>, vector<16xf32>,
        %get3A_504 = arith.index_cast %scan3A_91 : i32 to index
        %get3A_505 = arith.constant 544 : index
        %get3A_506 = tpu.vector_load %arg13[%get3A_504, %get3A_505] {strides = array<i32>} : memref<16x1024xf32, #tpu.memory_space<vmem>>, vector<16xf32>,
        %mul3A_507 = arith.mulf %get3A_503, %sub3A_94 : vector<16xf32>
        %mul3A_508 = arith.mulf %get3A_506, %gather3A : vector<16xf32>
        %add3A_509 = arith.addf %mul3A_507, %mul3A_508 : vector<16xf32>
        %swap3A_510 = arith.index_cast %scan3A_91 : i32 to index
        %swap3A_511 = arith.constant 544 : index
        %swap3A_512 = tpu.vector_load %arg15[%swap3A_510, %swap3A_511] {strides = array<i32>} : memref<16x1024xf32, #tpu.memory_space<vmem>>, vector<16xf32>,
        tpu.vector_store %arg15[%swap3A_510, %swap3A_511], %add3A_509 {strides = array<i32>} : memref<16x1024xf32, #tpu.memory_space<vmem>>, vector<16xf32>,
        %get3A_513 = arith.index_cast %scan3A_91 : i32 to index
        %get3A_514 = arith.constant 560 : index
        %get3A_515 = tpu.vector_load %arg11[%get3A_513, %get3A_514] {strides = array<i32>} : memref<16x1024xf32, #tpu.memory_space<vmem>>, vector<16xf32>,
        %get3A_516 = arith.index_cast %scan3A_91 : i32 to index
        %get3A_517 = arith.constant 560 : index
        %get3A_518 = tpu.vector_load %arg13[%get3A_516, %get3A_517] {strides = array<i32>} : memref<16x1024xf32, #tpu.memory_space<vmem>>, vector<16xf32>,
        %mul3A_519 = arith.mulf %get3A_515, %sub3A_94 : vector<16xf32>
        %mul3A_520 = arith.mulf %get3A_518, %gather3A : vector<16xf32>
        %add3A_521 = arith.addf %mul3A_519, %mul3A_520 : vector<16xf32>
        %swap3A_522 = arith.index_cast %scan3A_91 : i32 to index
        %swap3A_523 = arith.constant 560 : index
        %swap3A_524 = tpu.vector_load %arg15[%swap3A_522, %swap3A_523] {strides = array<i32>} : memref<16x1024xf32, #tpu.memory_space<vmem>>, vector<16xf32>,
        tpu.vector_store %arg15[%swap3A_522, %swap3A_523], %add3A_521 {strides = array<i32>} : memref<16x1024xf32, #tpu.memory_space<vmem>>, vector<16xf32>,
        %get3A_525 = arith.index_cast %scan3A_91 : i32 to index
        %get3A_526 = arith.constant 576 : index
        %get3A_527 = tpu.vector_load %arg11[%get3A_525, %get3A_526] {strides = array<i32>} : memref<16x1024xf32, #tpu.memory_space<vmem>>, vector<16xf32>,
        %get3A_528 = arith.index_cast %scan3A_91 : i32 to index
        %get3A_529 = arith.constant 576 : index
        %get3A_530 = tpu.vector_load %arg13[%get3A_528, %get3A_529] {strides = array<i32>} : memref<16x1024xf32, #tpu.memory_space<vmem>>, vector<16xf32>,
        %mul3A_531 = arith.mulf %get3A_527, %sub3A_94 : vector<16xf32>
        %mul3A_532 = arith.mulf %get3A_530, %gather3A : vector<16xf32>
        %add3A_533 = arith.addf %mul3A_531, %mul3A_532 : vector<16xf32>
        %swap3A_534 = arith.index_cast %scan3A_91 : i32 to index
        %swap3A_535 = arith.constant 576 : index
        %swap3A_536 = tpu.vector_load %arg15[%swap3A_534, %swap3A_535] {strides = array<i32>} : memref<16x1024xf32, #tpu.memory_space<vmem>>, vector<16xf32>,
        tpu.vector_store %arg15[%swap3A_534, %swap3A_535], %add3A_533 {strides = array<i32>} : memref<16x1024xf32, #tpu.memory_space<vmem>>, vector<16xf32>,
        %get3A_537 = arith.index_cast %scan3A_91 : i32 to index
        %get3A_538 = arith.constant 592 : index
        %get3A_539 = tpu.vector_load %arg11[%get3A_537, %get3A_538] {strides = array<i32>} : memref<16x1024xf32, #tpu.memory_space<vmem>>, vector<16xf32>,
        %get3A_540 = arith.index_cast %scan3A_91 : i32 to index
        %get3A_541 = arith.constant 592 : index
        %get3A_542 = tpu.vector_load %arg13[%get3A_540, %get3A_541] {strides = array<i32>} : memref<16x1024xf32, #tpu.memory_space<vmem>>, vector<16xf32>,
        %mul3A_543 = arith.mulf %get3A_539, %sub3A_94 : vector<16xf32>
        %mul3A_544 = arith.mulf %get3A_542, %gather3A : vector<16xf32>
        %add3A_545 = arith.addf %mul3A_543, %mul3A_544 : vector<16xf32>
        %swap3A_546 = arith.index_cast %scan3A_91 : i32 to index
        %swap3A_547 = arith.constant 592 : index
        %swap3A_548 = tpu.vector_load %arg15[%swap3A_546, %swap3A_547] {strides = array<i32>} : memref<16x1024xf32, #tpu.memory_space<vmem>>, vector<16xf32>,
        tpu.vector_store %arg15[%swap3A_546, %swap3A_547], %add3A_545 {strides = array<i32>} : memref<16x1024xf32, #tpu.memory_space<vmem>>, vector<16xf32>,
        %get3A_549 = arith.index_cast %scan3A_91 : i32 to index
        %get3A_550 = arith.constant 608 : index
        %get3A_551 = tpu.vector_load %arg11[%get3A_549, %get3A_550] {strides = array<i32>} : memref<16x1024xf32, #tpu.memory_space<vmem>>, vector<16xf32>,
        %get3A_552 = arith.index_cast %scan3A_91 : i32 to index
        %get3A_553 = arith.constant 608 : index
        %get3A_554 = tpu.vector_load %arg13[%get3A_552, %get3A_553] {strides = array<i32>} : memref<16x1024xf32, #tpu.memory_space<vmem>>, vector<16xf32>,
        %mul3A_555 = arith.mulf %get3A_551, %sub3A_94 : vector<16xf32>
        %mul3A_556 = arith.mulf %get3A_554, %gather3A : vector<16xf32>
        %add3A_557 = arith.addf %mul3A_555, %mul3A_556 : vector<16xf32>
        %swap3A_558 = arith.index_cast %scan3A_91 : i32 to index
        %swap3A_559 = arith.constant 608 : index
        %swap3A_560 = tpu.vector_load %arg15[%swap3A_558, %swap3A_559] {strides = array<i32>} : memref<16x1024xf32, #tpu.memory_space<vmem>>, vector<16xf32>,
        tpu.vector_store %arg15[%swap3A_558, %swap3A_559], %add3A_557 {strides = array<i32>} : memref<16x1024xf32, #tpu.memory_space<vmem>>, vector<16xf32>,
        %get3A_561 = arith.index_cast %scan3A_91 : i32 to index
        %get3A_562 = arith.constant 624 : index
        %get3A_563 = tpu.vector_load %arg11[%get3A_561, %get3A_562] {strides = array<i32>} : memref<16x1024xf32, #tpu.memory_space<vmem>>, vector<16xf32>,
        %get3A_564 = arith.index_cast %scan3A_91 : i32 to index
        %get3A_565 = arith.constant 624 : index
        %get3A_566 = tpu.vector_load %arg13[%get3A_564, %get3A_565] {strides = array<i32>} : memref<16x1024xf32, #tpu.memory_space<vmem>>, vector<16xf32>,
        %mul3A_567 = arith.mulf %get3A_563, %sub3A_94 : vector<16xf32>
        %mul3A_568 = arith.mulf %get3A_566, %gather3A : vector<16xf32>
        %add3A_569 = arith.addf %mul3A_567, %mul3A_568 : vector<16xf32>
        %swap3A_570 = arith.index_cast %scan3A_91 : i32 to index
        %swap3A_571 = arith.constant 624 : index
        %swap3A_572 = tpu.vector_load %arg15[%swap3A_570, %swap3A_571] {strides = array<i32>} : memref<16x1024xf32, #tpu.memory_space<vmem>>, vector<16xf32>,
        tpu.vector_store %arg15[%swap3A_570, %swap3A_571], %add3A_569 {strides = array<i32>} : memref<16x1024xf32, #tpu.memory_space<vmem>>, vector<16xf32>,
        %get3A_573 = arith.index_cast %scan3A_91 : i32 to index
        %get3A_574 = arith.constant 640 : index
        %get3A_575 = tpu.vector_load %arg11[%get3A_573, %get3A_574] {strides = array<i32>} : memref<16x1024xf32, #tpu.memory_space<vmem>>, vector<16xf32>,
        %get3A_576 = arith.index_cast %scan3A_91 : i32 to index
        %get3A_577 = arith.constant 640 : index
        %get3A_578 = tpu.vector_load %arg13[%get3A_576, %get3A_577] {strides = array<i32>} : memref<16x1024xf32, #tpu.memory_space<vmem>>, vector<16xf32>,
        %mul3A_579 = arith.mulf %get3A_575, %sub3A_94 : vector<16xf32>
        %mul3A_580 = arith.mulf %get3A_578, %gather3A : vector<16xf32>
        %add3A_581 = arith.addf %mul3A_579, %mul3A_580 : vector<16xf32>
        %swap3A_582 = arith.index_cast %scan3A_91 : i32 to index
        %swap3A_583 = arith.constant 640 : index
        %swap3A_584 = tpu.vector_load %arg15[%swap3A_582, %swap3A_583] {strides = array<i32>} : memref<16x1024xf32, #tpu.memory_space<vmem>>, vector<16xf32>,
        tpu.vector_store %arg15[%swap3A_582, %swap3A_583], %add3A_581 {strides = array<i32>} : memref<16x1024xf32, #tpu.memory_space<vmem>>, vector<16xf32>,
        %get3A_585 = arith.index_cast %scan3A_91 : i32 to index
        %get3A_586 = arith.constant 656 : index
        %get3A_587 = tpu.vector_load %arg11[%get3A_585, %get3A_586] {strides = array<i32>} : memref<16x1024xf32, #tpu.memory_space<vmem>>, vector<16xf32>,
        %get3A_588 = arith.index_cast %scan3A_91 : i32 to index
        %get3A_589 = arith.constant 656 : index
        %get3A_590 = tpu.vector_load %arg13[%get3A_588, %get3A_589] {strides = array<i32>} : memref<16x1024xf32, #tpu.memory_space<vmem>>, vector<16xf32>,
        %mul3A_591 = arith.mulf %get3A_587, %sub3A_94 : vector<16xf32>
        %mul3A_592 = arith.mulf %get3A_590, %gather3A : vector<16xf32>
        %add3A_593 = arith.addf %mul3A_591, %mul3A_592 : vector<16xf32>
        %swap3A_594 = arith.index_cast %scan3A_91 : i32 to index
        %swap3A_595 = arith.constant 656 : index
        %swap3A_596 = tpu.vector_load %arg15[%swap3A_594, %swap3A_595] {strides = array<i32>} : memref<16x1024xf32, #tpu.memory_space<vmem>>, vector<16xf32>,
        tpu.vector_store %arg15[%swap3A_594, %swap3A_595], %add3A_593 {strides = array<i32>} : memref<16x1024xf32, #tpu.memory_space<vmem>>, vector<16xf32>,
        %get3A_597 = arith.index_cast %scan3A_91 : i32 to index
        %get3A_598 = arith.constant 672 : index
        %get3A_599 = tpu.vector_load %arg11[%get3A_597, %get3A_598] {strides = array<i32>} : memref<16x1024xf32, #tpu.memory_space<vmem>>, vector<16xf32>,
        %get3A_600 = arith.index_cast %scan3A_91 : i32 to index
        %get3A_601 = arith.constant 672 : index
        %get3A_602 = tpu.vector_load %arg13[%get3A_600, %get3A_601] {strides = array<i32>} : memref<16x1024xf32, #tpu.memory_space<vmem>>, vector<16xf32>,
        %mul3A_603 = arith.mulf %get3A_599, %sub3A_94 : vector<16xf32>
        %mul3A_604 = arith.mulf %get3A_602, %gather3A : vector<16xf32>
        %add3A_605 = arith.addf %mul3A_603, %mul3A_604 : vector<16xf32>
        %swap3A_606 = arith.index_cast %scan3A_91 : i32 to index
        %swap3A_607 = arith.constant 672 : index
        %swap3A_608 = tpu.vector_load %arg15[%swap3A_606, %swap3A_607] {strides = array<i32>} : memref<16x1024xf32, #tpu.memory_space<vmem>>, vector<16xf32>,
        tpu.vector_store %arg15[%swap3A_606, %swap3A_607], %add3A_605 {strides = array<i32>} : memref<16x1024xf32, #tpu.memory_space<vmem>>, vector<16xf32>,
        %get3A_609 = arith.index_cast %scan3A_91 : i32 to index
        %get3A_610 = arith.constant 688 : index
        %get3A_611 = tpu.vector_load %arg11[%get3A_609, %get3A_610] {strides = array<i32>} : memref<16x1024xf32, #tpu.memory_space<vmem>>, vector<16xf32>,
        %get3A_612 = arith.index_cast %scan3A_91 : i32 to index
        %get3A_613 = arith.constant 688 : index
        %get3A_614 = tpu.vector_load %arg13[%get3A_612, %get3A_613] {strides = array<i32>} : memref<16x1024xf32, #tpu.memory_space<vmem>>, vector<16xf32>,
        %mul3A_615 = arith.mulf %get3A_611, %sub3A_94 : vector<16xf32>
        %mul3A_616 = arith.mulf %get3A_614, %gather3A : vector<16xf32>
        %add3A_617 = arith.addf %mul3A_615, %mul3A_616 : vector<16xf32>
        %swap3A_618 = arith.index_cast %scan3A_91 : i32 to index
        %swap3A_619 = arith.constant 688 : index
        %swap3A_620 = tpu.vector_load %arg15[%swap3A_618, %swap3A_619] {strides = array<i32>} : memref<16x1024xf32, #tpu.memory_space<vmem>>, vector<16xf32>,
        tpu.vector_store %arg15[%swap3A_618, %swap3A_619], %add3A_617 {strides = array<i32>} : memref<16x1024xf32, #tpu.memory_space<vmem>>, vector<16xf32>,
        %get3A_621 = arith.index_cast %scan3A_91 : i32 to index
        %get3A_622 = arith.constant 704 : index
        %get3A_623 = tpu.vector_load %arg11[%get3A_621, %get3A_622] {strides = array<i32>} : memref<16x1024xf32, #tpu.memory_space<vmem>>, vector<16xf32>,
        %get3A_624 = arith.index_cast %scan3A_91 : i32 to index
        %get3A_625 = arith.constant 704 : index
        %get3A_626 = tpu.vector_load %arg13[%get3A_624, %get3A_625] {strides = array<i32>} : memref<16x1024xf32, #tpu.memory_space<vmem>>, vector<16xf32>,
        %mul3A_627 = arith.mulf %get3A_623, %sub3A_94 : vector<16xf32>
        %mul3A_628 = arith.mulf %get3A_626, %gather3A : vector<16xf32>
        %add3A_629 = arith.addf %mul3A_627, %mul3A_628 : vector<16xf32>
        %swap3A_630 = arith.index_cast %scan3A_91 : i32 to index
        %swap3A_631 = arith.constant 704 : index
        %swap3A_632 = tpu.vector_load %arg15[%swap3A_630, %swap3A_631] {strides = array<i32>} : memref<16x1024xf32, #tpu.memory_space<vmem>>, vector<16xf32>,
        tpu.vector_store %arg15[%swap3A_630, %swap3A_631], %add3A_629 {strides = array<i32>} : memref<16x1024xf32, #tpu.memory_space<vmem>>, vector<16xf32>,
        %get3A_633 = arith.index_cast %scan3A_91 : i32 to index
        %get3A_634 = arith.constant 720 : index
        %get3A_635 = tpu.vector_load %arg11[%get3A_633, %get3A_634] {strides = array<i32>} : memref<16x1024xf32, #tpu.memory_space<vmem>>, vector<16xf32>,
        %get3A_636 = arith.index_cast %scan3A_91 : i32 to index
        %get3A_637 = arith.constant 720 : index
        %get3A_638 = tpu.vector_load %arg13[%get3A_636, %get3A_637] {strides = array<i32>} : memref<16x1024xf32, #tpu.memory_space<vmem>>, vector<16xf32>,
        %mul3A_639 = arith.mulf %get3A_635, %sub3A_94 : vector<16xf32>
        %mul3A_640 = arith.mulf %get3A_638, %gather3A : vector<16xf32>
        %add3A_641 = arith.addf %mul3A_639, %mul3A_640 : vector<16xf32>
        %swap3A_642 = arith.index_cast %scan3A_91 : i32 to index
        %swap3A_643 = arith.constant 720 : index
        %swap3A_644 = tpu.vector_load %arg15[%swap3A_642, %swap3A_643] {strides = array<i32>} : memref<16x1024xf32, #tpu.memory_space<vmem>>, vector<16xf32>,
        tpu.vector_store %arg15[%swap3A_642, %swap3A_643], %add3A_641 {strides = array<i32>} : memref<16x1024xf32, #tpu.memory_space<vmem>>, vector<16xf32>,
        %get3A_645 = arith.index_cast %scan3A_91 : i32 to index
        %get3A_646 = arith.constant 736 : index
        %get3A_647 = tpu.vector_load %arg11[%get3A_645, %get3A_646] {strides = array<i32>} : memref<16x1024xf32, #tpu.memory_space<vmem>>, vector<16xf32>,
        %get3A_648 = arith.index_cast %scan3A_91 : i32 to index
        %get3A_649 = arith.constant 736 : index
        %get3A_650 = tpu.vector_load %arg13[%get3A_648, %get3A_649] {strides = array<i32>} : memref<16x1024xf32, #tpu.memory_space<vmem>>, vector<16xf32>,
        %mul3A_651 = arith.mulf %get3A_647, %sub3A_94 : vector<16xf32>
        %mul3A_652 = arith.mulf %get3A_650, %gather3A : vector<16xf32>
        %add3A_653 = arith.addf %mul3A_651, %mul3A_652 : vector<16xf32>
        %swap3A_654 = arith.index_cast %scan3A_91 : i32 to index
        %swap3A_655 = arith.constant 736 : index
        %swap3A_656 = tpu.vector_load %arg15[%swap3A_654, %swap3A_655] {strides = array<i32>} : memref<16x1024xf32, #tpu.memory_space<vmem>>, vector<16xf32>,
        tpu.vector_store %arg15[%swap3A_654, %swap3A_655], %add3A_653 {strides = array<i32>} : memref<16x1024xf32, #tpu.memory_space<vmem>>, vector<16xf32>,
        %get3A_657 = arith.index_cast %scan3A_91 : i32 to index
        %get3A_658 = arith.constant 752 : index
        %get3A_659 = tpu.vector_load %arg11[%get3A_657, %get3A_658] {strides = array<i32>} : memref<16x1024xf32, #tpu.memory_space<vmem>>, vector<16xf32>,
        %get3A_660 = arith.index_cast %scan3A_91 : i32 to index
        %get3A_661 = arith.constant 752 : index
        %get3A_662 = tpu.vector_load %arg13[%get3A_660, %get3A_661] {strides = array<i32>} : memref<16x1024xf32, #tpu.memory_space<vmem>>, vector<16xf32>,
        %mul3A_663 = arith.mulf %get3A_659, %sub3A_94 : vector<16xf32>
        %mul3A_664 = arith.mulf %get3A_662, %gather3A : vector<16xf32>
        %add3A_665 = arith.addf %mul3A_663, %mul3A_664 : vector<16xf32>
        %swap3A_666 = arith.index_cast %scan3A_91 : i32 to index
        %swap3A_667 = arith.constant 752 : index
        %swap3A_668 = tpu.vector_load %arg15[%swap3A_666, %swap3A_667] {strides = array<i32>} : memref<16x1024xf32, #tpu.memory_space<vmem>>, vector<16xf32>,
        tpu.vector_store %arg15[%swap3A_666, %swap3A_667], %add3A_665 {strides = array<i32>} : memref<16x1024xf32, #tpu.memory_space<vmem>>, vector<16xf32>,
        %get3A_669 = arith.index_cast %scan3A_91 : i32 to index
        %get3A_670 = arith.constant 768 : index
        %get3A_671 = tpu.vector_load %arg11[%get3A_669, %get3A_670] {strides = array<i32>} : memref<16x1024xf32, #tpu.memory_space<vmem>>, vector<16xf32>,
        %get3A_672 = arith.index_cast %scan3A_91 : i32 to index
        %get3A_673 = arith.constant 768 : index
        %get3A_674 = tpu.vector_load %arg13[%get3A_672, %get3A_673] {strides = array<i32>} : memref<16x1024xf32, #tpu.memory_space<vmem>>, vector<16xf32>,
        %mul3A_675 = arith.mulf %get3A_671, %sub3A_94 : vector<16xf32>
        %mul3A_676 = arith.mulf %get3A_674, %gather3A : vector<16xf32>
        %add3A_677 = arith.addf %mul3A_675, %mul3A_676 : vector<16xf32>
        %swap3A_678 = arith.index_cast %scan3A_91 : i32 to index
        %swap3A_679 = arith.constant 768 : index
        %swap3A_680 = tpu.vector_load %arg15[%swap3A_678, %swap3A_679] {strides = array<i32>} : memref<16x1024xf32, #tpu.memory_space<vmem>>, vector<16xf32>,
        tpu.vector_store %arg15[%swap3A_678, %swap3A_679], %add3A_677 {strides = array<i32>} : memref<16x1024xf32, #tpu.memory_space<vmem>>, vector<16xf32>,
        %get3A_681 = arith.index_cast %scan3A_91 : i32 to index
        %get3A_682 = arith.constant 784 : index
        %get3A_683 = tpu.vector_load %arg11[%get3A_681, %get3A_682] {strides = array<i32>} : memref<16x1024xf32, #tpu.memory_space<vmem>>, vector<16xf32>,
        %get3A_684 = arith.index_cast %scan3A_91 : i32 to index
        %get3A_685 = arith.constant 784 : index
        %get3A_686 = tpu.vector_load %arg13[%get3A_684, %get3A_685] {strides = array<i32>} : memref<16x1024xf32, #tpu.memory_space<vmem>>, vector<16xf32>,
        %mul3A_687 = arith.mulf %get3A_683, %sub3A_94 : vector<16xf32>
        %mul3A_688 = arith.mulf %get3A_686, %gather3A : vector<16xf32>
        %add3A_689 = arith.addf %mul3A_687, %mul3A_688 : vector<16xf32>
        %swap3A_690 = arith.index_cast %scan3A_91 : i32 to index
        %swap3A_691 = arith.constant 784 : index
        %swap3A_692 = tpu.vector_load %arg15[%swap3A_690, %swap3A_691] {strides = array<i32>} : memref<16x1024xf32, #tpu.memory_space<vmem>>, vector<16xf32>,
        tpu.vector_store %arg15[%swap3A_690, %swap3A_691], %add3A_689 {strides = array<i32>} : memref<16x1024xf32, #tpu.memory_space<vmem>>, vector<16xf32>,
        %get3A_693 = arith.index_cast %scan3A_91 : i32 to index
        %get3A_694 = arith.constant 800 : index
        %get3A_695 = tpu.vector_load %arg11[%get3A_693, %get3A_694] {strides = array<i32>} : memref<16x1024xf32, #tpu.memory_space<vmem>>, vector<16xf32>,
        %get3A_696 = arith.index_cast %scan3A_91 : i32 to index
        %get3A_697 = arith.constant 800 : index
        %get3A_698 = tpu.vector_load %arg13[%get3A_696, %get3A_697] {strides = array<i32>} : memref<16x1024xf32, #tpu.memory_space<vmem>>, vector<16xf32>,
        %mul3A_699 = arith.mulf %get3A_695, %sub3A_94 : vector<16xf32>
        %mul3A_700 = arith.mulf %get3A_698, %gather3A : vector<16xf32>
        %add3A_701 = arith.addf %mul3A_699, %mul3A_700 : vector<16xf32>
        %swap3A_702 = arith.index_cast %scan3A_91 : i32 to index
        %swap3A_703 = arith.constant 800 : index
        %swap3A_704 = tpu.vector_load %arg15[%swap3A_702, %swap3A_703] {strides = array<i32>} : memref<16x1024xf32, #tpu.memory_space<vmem>>, vector<16xf32>,
        tpu.vector_store %arg15[%swap3A_702, %swap3A_703], %add3A_701 {strides = array<i32>} : memref<16x1024xf32, #tpu.memory_space<vmem>>, vector<16xf32>,
        %get3A_705 = arith.index_cast %scan3A_91 : i32 to index
        %get3A_706 = arith.constant 816 : index
        %get3A_707 = tpu.vector_load %arg11[%get3A_705, %get3A_706] {strides = array<i32>} : memref<16x1024xf32, #tpu.memory_space<vmem>>, vector<16xf32>,
        %get3A_708 = arith.index_cast %scan3A_91 : i32 to index
        %get3A_709 = arith.constant 816 : index
        %get3A_710 = tpu.vector_load %arg13[%get3A_708, %get3A_709] {strides = array<i32>} : memref<16x1024xf32, #tpu.memory_space<vmem>>, vector<16xf32>,
        %mul3A_711 = arith.mulf %get3A_707, %sub3A_94 : vector<16xf32>
        %mul3A_712 = arith.mulf %get3A_710, %gather3A : vector<16xf32>
        %add3A_713 = arith.addf %mul3A_711, %mul3A_712 : vector<16xf32>
        %swap3A_714 = arith.index_cast %scan3A_91 : i32 to index
        %swap3A_715 = arith.constant 816 : index
        %swap3A_716 = tpu.vector_load %arg15[%swap3A_714, %swap3A_715] {strides = array<i32>} : memref<16x1024xf32, #tpu.memory_space<vmem>>, vector<16xf32>,
        tpu.vector_store %arg15[%swap3A_714, %swap3A_715], %add3A_713 {strides = array<i32>} : memref<16x1024xf32, #tpu.memory_space<vmem>>, vector<16xf32>,
        %get3A_717 = arith.index_cast %scan3A_91 : i32 to index
        %get3A_718 = arith.constant 832 : index
        %get3A_719 = tpu.vector_load %arg11[%get3A_717, %get3A_718] {strides = array<i32>} : memref<16x1024xf32, #tpu.memory_space<vmem>>, vector<16xf32>,
        %get3A_720 = arith.index_cast %scan3A_91 : i32 to index
        %get3A_721 = arith.constant 832 : index
        %get3A_722 = tpu.vector_load %arg13[%get3A_720, %get3A_721] {strides = array<i32>} : memref<16x1024xf32, #tpu.memory_space<vmem>>, vector<16xf32>,
        %mul3A_723 = arith.mulf %get3A_719, %sub3A_94 : vector<16xf32>
        %mul3A_724 = arith.mulf %get3A_722, %gather3A : vector<16xf32>
        %add3A_725 = arith.addf %mul3A_723, %mul3A_724 : vector<16xf32>
        %swap3A_726 = arith.index_cast %scan3A_91 : i32 to index
        %swap3A_727 = arith.constant 832 : index
        %swap3A_728 = tpu.vector_load %arg15[%swap3A_726, %swap3A_727] {strides = array<i32>} : memref<16x1024xf32, #tpu.memory_space<vmem>>, vector<16xf32>,
        tpu.vector_store %arg15[%swap3A_726, %swap3A_727], %add3A_725 {strides = array<i32>} : memref<16x1024xf32, #tpu.memory_space<vmem>>, vector<16xf32>,
        %get3A_729 = arith.index_cast %scan3A_91 : i32 to index
        %get3A_730 = arith.constant 848 : index
        %get3A_731 = tpu.vector_load %arg11[%get3A_729, %get3A_730] {strides = array<i32>} : memref<16x1024xf32, #tpu.memory_space<vmem>>, vector<16xf32>,
        %get3A_732 = arith.index_cast %scan3A_91 : i32 to index
        %get3A_733 = arith.constant 848 : index
        %get3A_734 = tpu.vector_load %arg13[%get3A_732, %get3A_733] {strides = array<i32>} : memref<16x1024xf32, #tpu.memory_space<vmem>>, vector<16xf32>,
        %mul3A_735 = arith.mulf %get3A_731, %sub3A_94 : vector<16xf32>
        %mul3A_736 = arith.mulf %get3A_734, %gather3A : vector<16xf32>
        %add3A_737 = arith.addf %mul3A_735, %mul3A_736 : vector<16xf32>
        %swap3A_738 = arith.index_cast %scan3A_91 : i32 to index
        %swap3A_739 = arith.constant 848 : index
        %swap3A_740 = tpu.vector_load %arg15[%swap3A_738, %swap3A_739] {strides = array<i32>} : memref<16x1024xf32, #tpu.memory_space<vmem>>, vector<16xf32>,
        tpu.vector_store %arg15[%swap3A_738, %swap3A_739], %add3A_737 {strides = array<i32>} : memref<16x1024xf32, #tpu.memory_space<vmem>>, vector<16xf32>,
        %get3A_741 = arith.index_cast %scan3A_91 : i32 to index
        %get3A_742 = arith.constant 864 : index
        %get3A_743 = tpu.vector_load %arg11[%get3A_741, %get3A_742] {strides = array<i32>} : memref<16x1024xf32, #tpu.memory_space<vmem>>, vector<16xf32>,
        %get3A_744 = arith.index_cast %scan3A_91 : i32 to index
        %get3A_745 = arith.constant 864 : index
        %get3A_746 = tpu.vector_load %arg13[%get3A_744, %get3A_745] {strides = array<i32>} : memref<16x1024xf32, #tpu.memory_space<vmem>>, vector<16xf32>,
        %mul3A_747 = arith.mulf %get3A_743, %sub3A_94 : vector<16xf32>
        %mul3A_748 = arith.mulf %get3A_746, %gather3A : vector<16xf32>
        %add3A_749 = arith.addf %mul3A_747, %mul3A_748 : vector<16xf32>
        %swap3A_750 = arith.index_cast %scan3A_91 : i32 to index
        %swap3A_751 = arith.constant 864 : index
        %swap3A_752 = tpu.vector_load %arg15[%swap3A_750, %swap3A_751] {strides = array<i32>} : memref<16x1024xf32, #tpu.memory_space<vmem>>, vector<16xf32>,
        tpu.vector_store %arg15[%swap3A_750, %swap3A_751], %add3A_749 {strides = array<i32>} : memref<16x1024xf32, #tpu.memory_space<vmem>>, vector<16xf32>,
        %get3A_753 = arith.index_cast %scan3A_91 : i32 to index
        %get3A_754 = arith.constant 880 : index
        %get3A_755 = tpu.vector_load %arg11[%get3A_753, %get3A_754] {strides = array<i32>} : memref<16x1024xf32, #tpu.memory_space<vmem>>, vector<16xf32>,
        %get3A_756 = arith.index_cast %scan3A_91 : i32 to index
        %get3A_757 = arith.constant 880 : index
        %get3A_758 = tpu.vector_load %arg13[%get3A_756, %get3A_757] {strides = array<i32>} : memref<16x1024xf32, #tpu.memory_space<vmem>>, vector<16xf32>,
        %mul3A_759 = arith.mulf %get3A_755, %sub3A_94 : vector<16xf32>
        %mul3A_760 = arith.mulf %get3A_758, %gather3A : vector<16xf32>
        %add3A_761 = arith.addf %mul3A_759, %mul3A_760 : vector<16xf32>
        %swap3A_762 = arith.index_cast %scan3A_91 : i32 to index
        %swap3A_763 = arith.constant 880 : index
        %swap3A_764 = tpu.vector_load %arg15[%swap3A_762, %swap3A_763] {strides = array<i32>} : memref<16x1024xf32, #tpu.memory_space<vmem>>, vector<16xf32>,
        tpu.vector_store %arg15[%swap3A_762, %swap3A_763], %add3A_761 {strides = array<i32>} : memref<16x1024xf32, #tpu.memory_space<vmem>>, vector<16xf32>,
        %get3A_765 = arith.index_cast %scan3A_91 : i32 to index
        %get3A_766 = arith.constant 896 : index
        %get3A_767 = tpu.vector_load %arg11[%get3A_765, %get3A_766] {strides = array<i32>} : memref<16x1024xf32, #tpu.memory_space<vmem>>, vector<16xf32>,
        %get3A_768 = arith.index_cast %scan3A_91 : i32 to index
        %get3A_769 = arith.constant 896 : index
        %get3A_770 = tpu.vector_load %arg13[%get3A_768, %get3A_769] {strides = array<i32>} : memref<16x1024xf32, #tpu.memory_space<vmem>>, vector<16xf32>,
        %mul3A_771 = arith.mulf %get3A_767, %sub3A_94 : vector<16xf32>
        %mul3A_772 = arith.mulf %get3A_770, %gather3A : vector<16xf32>
        %add3A_773 = arith.addf %mul3A_771, %mul3A_772 : vector<16xf32>
        %swap3A_774 = arith.index_cast %scan3A_91 : i32 to index
        %swap3A_775 = arith.constant 896 : index
        %swap3A_776 = tpu.vector_load %arg15[%swap3A_774, %swap3A_775] {strides = array<i32>} : memref<16x1024xf32, #tpu.memory_space<vmem>>, vector<16xf32>,
        tpu.vector_store %arg15[%swap3A_774, %swap3A_775], %add3A_773 {strides = array<i32>} : memref<16x1024xf32, #tpu.memory_space<vmem>>, vector<16xf32>,
        %get3A_777 = arith.index_cast %scan3A_91 : i32 to index
        %get3A_778 = arith.constant 912 : index
        %get3A_779 = tpu.vector_load %arg11[%get3A_777, %get3A_778] {strides = array<i32>} : memref<16x1024xf32, #tpu.memory_space<vmem>>, vector<16xf32>,
        %get3A_780 = arith.index_cast %scan3A_91 : i32 to index
        %get3A_781 = arith.constant 912 : index
        %get3A_782 = tpu.vector_load %arg13[%get3A_780, %get3A_781] {strides = array<i32>} : memref<16x1024xf32, #tpu.memory_space<vmem>>, vector<16xf32>,
        %mul3A_783 = arith.mulf %get3A_779, %sub3A_94 : vector<16xf32>
        %mul3A_784 = arith.mulf %get3A_782, %gather3A : vector<16xf32>
        %add3A_785 = arith.addf %mul3A_783, %mul3A_784 : vector<16xf32>
        %swap3A_786 = arith.index_cast %scan3A_91 : i32 to index
        %swap3A_787 = arith.constant 912 : index
        %swap3A_788 = tpu.vector_load %arg15[%swap3A_786, %swap3A_787] {strides = array<i32>} : memref<16x1024xf32, #tpu.memory_space<vmem>>, vector<16xf32>,
        tpu.vector_store %arg15[%swap3A_786, %swap3A_787], %add3A_785 {strides = array<i32>} : memref<16x1024xf32, #tpu.memory_space<vmem>>, vector<16xf32>,
        %get3A_789 = arith.index_cast %scan3A_91 : i32 to index
        %get3A_790 = arith.constant 928 : index
        %get3A_791 = tpu.vector_load %arg11[%get3A_789, %get3A_790] {strides = array<i32>} : memref<16x1024xf32, #tpu.memory_space<vmem>>, vector<16xf32>,
        %get3A_792 = arith.index_cast %scan3A_91 : i32 to index
        %get3A_793 = arith.constant 928 : index
        %get3A_794 = tpu.vector_load %arg13[%get3A_792, %get3A_793] {strides = array<i32>} : memref<16x1024xf32, #tpu.memory_space<vmem>>, vector<16xf32>,
        %mul3A_795 = arith.mulf %get3A_791, %sub3A_94 : vector<16xf32>
        %mul3A_796 = arith.mulf %get3A_794, %gather3A : vector<16xf32>
        %add3A_797 = arith.addf %mul3A_795, %mul3A_796 : vector<16xf32>
        %swap3A_798 = arith.index_cast %scan3A_91 : i32 to index
        %swap3A_799 = arith.constant 928 : index
        %swap3A_800 = tpu.vector_load %arg15[%swap3A_798, %swap3A_799] {strides = array<i32>} : memref<16x1024xf32, #tpu.memory_space<vmem>>, vector<16xf32>,
        tpu.vector_store %arg15[%swap3A_798, %swap3A_799], %add3A_797 {strides = array<i32>} : memref<16x1024xf32, #tpu.memory_space<vmem>>, vector<16xf32>,
        %get3A_801 = arith.index_cast %scan3A_91 : i32 to index
        %get3A_802 = arith.constant 944 : index
        %get3A_803 = tpu.vector_load %arg11[%get3A_801, %get3A_802] {strides = array<i32>} : memref<16x1024xf32, #tpu.memory_space<vmem>>, vector<16xf32>,
        %get3A_804 = arith.index_cast %scan3A_91 : i32 to index
        %get3A_805 = arith.constant 944 : index
        %get3A_806 = tpu.vector_load %arg13[%get3A_804, %get3A_805] {strides = array<i32>} : memref<16x1024xf32, #tpu.memory_space<vmem>>, vector<16xf32>,
        %mul3A_807 = arith.mulf %get3A_803, %sub3A_94 : vector<16xf32>
        %mul3A_808 = arith.mulf %get3A_806, %gather3A : vector<16xf32>
        %add3A_809 = arith.addf %mul3A_807, %mul3A_808 : vector<16xf32>
        %swap3A_810 = arith.index_cast %scan3A_91 : i32 to index
        %swap3A_811 = arith.constant 944 : index
        %swap3A_812 = tpu.vector_load %arg15[%swap3A_810, %swap3A_811] {strides = array<i32>} : memref<16x1024xf32, #tpu.memory_space<vmem>>, vector<16xf32>,
        tpu.vector_store %arg15[%swap3A_810, %swap3A_811], %add3A_809 {strides = array<i32>} : memref<16x1024xf32, #tpu.memory_space<vmem>>, vector<16xf32>,
        %get3A_813 = arith.index_cast %scan3A_91 : i32 to index
        %get3A_814 = arith.constant 960 : index
        %get3A_815 = tpu.vector_load %arg11[%get3A_813, %get3A_814] {strides = array<i32>} : memref<16x1024xf32, #tpu.memory_space<vmem>>, vector<16xf32>,
        %get3A_816 = arith.index_cast %scan3A_91 : i32 to index
        %get3A_817 = arith.constant 960 : index
        %get3A_818 = tpu.vector_load %arg13[%get3A_816, %get3A_817] {strides = array<i32>} : memref<16x1024xf32, #tpu.memory_space<vmem>>, vector<16xf32>,
        %mul3A_819 = arith.mulf %get3A_815, %sub3A_94 : vector<16xf32>
        %mul3A_820 = arith.mulf %get3A_818, %gather3A : vector<16xf32>
        %add3A_821 = arith.addf %mul3A_819, %mul3A_820 : vector<16xf32>
        %swap3A_822 = arith.index_cast %scan3A_91 : i32 to index
        %swap3A_823 = arith.constant 960 : index
        %swap3A_824 = tpu.vector_load %arg15[%swap3A_822, %swap3A_823] {strides = array<i32>} : memref<16x1024xf32, #tpu.memory_space<vmem>>, vector<16xf32>,
        tpu.vector_store %arg15[%swap3A_822, %swap3A_823], %add3A_821 {strides = array<i32>} : memref<16x1024xf32, #tpu.memory_space<vmem>>, vector<16xf32>,
        %get3A_825 = arith.index_cast %scan3A_91 : i32 to index
        %get3A_826 = arith.constant 976 : index
        %get3A_827 = tpu.vector_load %arg11[%get3A_825, %get3A_826] {strides = array<i32>} : memref<16x1024xf32, #tpu.memory_space<vmem>>, vector<16xf32>,
        %get3A_828 = arith.index_cast %scan3A_91 : i32 to index
        %get3A_829 = arith.constant 976 : index
        %get3A_830 = tpu.vector_load %arg13[%get3A_828, %get3A_829] {strides = array<i32>} : memref<16x1024xf32, #tpu.memory_space<vmem>>, vector<16xf32>,
        %mul3A_831 = arith.mulf %get3A_827, %sub3A_94 : vector<16xf32>
        %mul3A_832 = arith.mulf %get3A_830, %gather3A : vector<16xf32>
        %add3A_833 = arith.addf %mul3A_831, %mul3A_832 : vector<16xf32>
        %swap3A_834 = arith.index_cast %scan3A_91 : i32 to index
        %swap3A_835 = arith.constant 976 : index
        %swap3A_836 = tpu.vector_load %arg15[%swap3A_834, %swap3A_835] {strides = array<i32>} : memref<16x1024xf32, #tpu.memory_space<vmem>>, vector<16xf32>,
        tpu.vector_store %arg15[%swap3A_834, %swap3A_835], %add3A_833 {strides = array<i32>} : memref<16x1024xf32, #tpu.memory_space<vmem>>, vector<16xf32>,
        %get3A_837 = arith.index_cast %scan3A_91 : i32 to index
        %get3A_838 = arith.constant 992 : index
        %get3A_839 = tpu.vector_load %arg11[%get3A_837, %get3A_838] {strides = array<i32>} : memref<16x1024xf32, #tpu.memory_space<vmem>>, vector<16xf32>,
        %get3A_840 = arith.index_cast %scan3A_91 : i32 to index
        %get3A_841 = arith.constant 992 : index
        %get3A_842 = tpu.vector_load %arg13[%get3A_840, %get3A_841] {strides = array<i32>} : memref<16x1024xf32, #tpu.memory_space<vmem>>, vector<16xf32>,
        %mul3A_843 = arith.mulf %get3A_839, %sub3A_94 : vector<16xf32>
        %mul3A_844 = arith.mulf %get3A_842, %gather3A : vector<16xf32>
        %add3A_845 = arith.addf %mul3A_843, %mul3A_844 : vector<16xf32>
        %swap3A_846 = arith.index_cast %scan3A_91 : i32 to index
        %swap3A_847 = arith.constant 992 : index
        %swap3A_848 = tpu.vector_load %arg15[%swap3A_846, %swap3A_847] {strides = array<i32>} : memref<16x1024xf32, #tpu.memory_space<vmem>>, vector<16xf32>,
        tpu.vector_store %arg15[%swap3A_846, %swap3A_847], %add3A_845 {strides = array<i32>} : memref<16x1024xf32, #tpu.memory_space<vmem>>, vector<16xf32>,
        %get3A_849 = arith.index_cast %scan3A_91 : i32 to index
        %get3A_850 = arith.constant 1008 : index
        %get3A_851 = tpu.vector_load %arg11[%get3A_849, %get3A_850] {strides = array<i32>} : memref<16x1024xf32, #tpu.memory_space<vmem>>, vector<16xf32>,
        %get3A_852 = arith.index_cast %scan3A_91 : i32 to index
        %get3A_853 = arith.constant 1008 : index
        %get3A_854 = tpu.vector_load %arg13[%get3A_852, %get3A_853] {strides = array<i32>} : memref<16x1024xf32, #tpu.memory_space<vmem>>, vector<16xf32>,
        %mul3A_855 = arith.mulf %get3A_851, %sub3A_94 : vector<16xf32>
        %mul3A_856 = arith.mulf %get3A_854, %gather3A : vector<16xf32>
        %add3A_857 = arith.addf %mul3A_855, %mul3A_856 : vector<16xf32>
        %swap3A_858 = arith.index_cast %scan3A_91 : i32 to index
        %swap3A_859 = arith.constant 1008 : index
        %swap3A_860 = tpu.vector_load %arg15[%swap3A_858, %swap3A_859] {strides = array<i32>} : memref<16x1024xf32, #tpu.memory_space<vmem>>, vector<16xf32>,
        tpu.vector_store %arg15[%swap3A_858, %swap3A_859], %add3A_857 {strides = array<i32>} : memref<16x1024xf32, #tpu.memory_space<vmem>>, vector<16xf32>,
      }
      %scan3A_85 = arith.constant 16 : i32
      %add3A_86 = arith.addi %mul3A_2, %mul3A_61 : i32
      %dma_start3A_87 = arith.constant 0 : i32
      %dma_start3A_88 = tpu.memref_slice %arg6[%add3A_86, %dma_start3A_87] : memref<24576x1024xf32, #tpu.memory_space<hbm>> -> memref<16x1024xf32, #tpu.memory_space<hbm>>
      %dma_start3A_89 = arith.constant 0 : i32
      %dma_start3A_90 = tpu.memref_slice %arg6[%add3A_86, %dma_start3A_89] : memref<24576x1024xf32, #tpu.memory_space<hbm>> -> memref<16x1024xf32, #tpu.memory_space<hbm>>
      tpu.enqueue_dma source(%arg15 : memref<16x1024xf32, #tpu.memory_space<vmem>>) target(%dma_start3A_90 : memref<16x1024xf32, #tpu.memory_space<hbm>>) target_semaphore(%arg21 : memref<!tpu.dma_semaphore, #tpu.memory_space<semaphore_mem>>)
    }
    %scan3A_16 = arith.constant 24 : i32
    %dma_wait3A = arith.constant 0 : i32
    %dma_wait3A_17 = tpu.memref_slice %arg6[%mul3A_2, %dma_wait3A] : memref<24576x1024xf32, #tpu.memory_space<hbm>> -> memref<16x1024xf32, #tpu.memory_space<hbm>>
    %dma_wait3A_18 = arith.constant 0 : i32
    %dma_wait3A_19 = tpu.memref_slice %arg6[%mul3A_2, %dma_wait3A_18] : memref<24576x1024xf32, #tpu.memory_space<hbm>> -> memref<16x1024xf32, #tpu.memory_space<hbm>>
    tpu.wait_dma2 semaphore(%arg20 : memref<!tpu.dma_semaphore, #tpu.memory_space<semaphore_mem>>) src(%arg14 : memref<16x1024xf32, #tpu.memory_space<vmem>>) dst(%dma_wait3A_19 : memref<16x1024xf32, #tpu.memory_space<hbm>>)
    %dma_wait3A_20 = arith.constant 0 : i32
    %dma_wait3A_21 = tpu.memref_slice %arg6[%mul3A_2, %dma_wait3A_20] : memref<24576x1024xf32, #tpu.memory_space<hbm>> -> memref<16x1024xf32, #tpu.memory_space<hbm>>
    %dma_wait3A_22 = arith.constant 0 : i32
    %dma_wait3A_23 = tpu.memref_slice %arg6[%mul3A_2, %dma_wait3A_22] : memref<24576x1024xf32, #tpu.memory_space<hbm>> -> memref<16x1024xf32, #tpu.memory_space<hbm>>
    tpu.wait_dma2 semaphore(%arg21 : memref<!tpu.dma_semaphore, #tpu.memory_space<semaphore_mem>>) src(%arg15 : memref<16x1024xf32, #tpu.memory_space<vmem>>) dst(%dma_wait3A_23 : memref<16x1024xf32, #tpu.memory_space<hbm>>)
    return
  }
}

module attributes {stable_mosaic.version = 14 : i64} {
  func.func @_lambda_(%arg0: memref<10xf32, #tpu.memory_space<smem>>, %arg1: memref<8x3072xi32, #tpu.memory_space<vmem>>, %arg2: memref<8x3072xi32, #tpu.memory_space<vmem>>, %arg3: memref<8x3072xf32, #tpu.memory_space<vmem>>) attributes {dimension_semantics = [], scalar_prefetch = 0 : i64, scratch_operands = 0 : i64, tpu.core_type = #tpu.core_type<tc>} {
    %iota3A = tpu.iota {dimensions = array<i32: 1>} : vector<8x3072xi32>
    %iota3A_0 = tpu.iota {dimensions = array<i32: 0>} : vector<8x3072xi32>
    %convert_element_type3A = arith.sitofp %iota3A : vector<8x3072xi32> to vector<8x3072xf32>
    %mul3A = arith.constant 1.33344185 : f32
    %mul3A_1 = vector.broadcast %mul3A : f32 to vector<8x3072xf32>
    %mul3A_2 = arith.mulf %convert_element_type3A, %mul3A_1 : vector<8x3072xf32>
    %broadcast_in_dim3A = arith.constant 0.000000e+00 : f32
    %broadcast_in_dim3A_3 = vector.broadcast %broadcast_in_dim3A : f32 to vector<8x3072xf32>
    %get3A = arith.constant 0 : index
    %get3A_4 = memref.load %arg0[%get3A] : memref<10xf32, #tpu.memory_space<smem>>
    %mul3A_5 = arith.constant 5.000000e+01 : f32
    %mul3A_6 = arith.mulf %get3A_4, %mul3A_5 : f32
    %get3A_7 = arith.constant 1 : index
    %get3A_8 = memref.load %arg0[%get3A_7] : memref<10xf32, #tpu.memory_space<smem>>
    %mul3A_9 = arith.constant 5.000000e+01 : f32
    %mul3A_10 = arith.mulf %get3A_8, %mul3A_9 : f32
    %sub3A = arith.constant 0.000000e+00 : f32
    %sub3A_11 = vector.broadcast %sub3A : f32 to vector<8x3072xf32>
    %sub3A_12 = arith.subf %convert_element_type3A, %sub3A_11 : vector<8x3072xf32>
    %sub3A_13 = arith.subf %mul3A_10, %mul3A_6 : f32
    %mul3A_14 = arith.constant 0.00294117653 : f32
    %mul3A_15 = arith.mulf %sub3A_13, %mul3A_14 : f32
    %mul3A_16 = vector.broadcast %mul3A_15 : f32 to vector<8x3072xf32>
    %mul3A_17 = arith.mulf %sub3A_12, %mul3A_16 : vector<8x3072xf32>
    %add3A = vector.broadcast %mul3A_6 : f32 to vector<8x3072xf32>
    %add3A_18 = arith.addf %add3A, %mul3A_17 : vector<8x3072xf32>
    %ge3A = arith.constant 0 : i32
    %ge3A_19 = vector.broadcast %ge3A : i32 to vector<8x3072xi32>
    %ge3A_20 = arith.cmpi sge, %iota3A, %ge3A_19 : vector<8x3072xi32>
    %lt3A = arith.constant 341 : i32
    %lt3A_21 = vector.broadcast %lt3A : i32 to vector<8x3072xi32>
    %lt3A_22 = arith.cmpi slt, %iota3A, %lt3A_21 : vector<8x3072xi32>
    %and3A = arith.andi %ge3A_20, %lt3A_22 : vector<8x3072xi1>
    %select_n3A = arith.select %and3A, %add3A_18, %broadcast_in_dim3A_3 : vector<8x3072xi1>, vector<8x3072xf32>
    %get3A_23 = arith.constant 1 : index
    %get3A_24 = memref.load %arg0[%get3A_23] : memref<10xf32, #tpu.memory_space<smem>>
    %mul3A_25 = arith.constant 5.000000e+01 : f32
    %mul3A_26 = arith.mulf %get3A_24, %mul3A_25 : f32
    %get3A_27 = arith.constant 2 : index
    %get3A_28 = memref.load %arg0[%get3A_27] : memref<10xf32, #tpu.memory_space<smem>>
    %mul3A_29 = arith.constant 5.000000e+01 : f32
    %mul3A_30 = arith.mulf %get3A_28, %mul3A_29 : f32
    %sub3A_31 = arith.constant 3.410000e+02 : f32
    %sub3A_32 = vector.broadcast %sub3A_31 : f32 to vector<8x3072xf32>
    %sub3A_33 = arith.subf %convert_element_type3A, %sub3A_32 : vector<8x3072xf32>
    %sub3A_34 = arith.subf %mul3A_30, %mul3A_26 : f32
    %mul3A_35 = arith.constant 0.00294117653 : f32
    %mul3A_36 = arith.mulf %sub3A_34, %mul3A_35 : f32
    %mul3A_37 = vector.broadcast %mul3A_36 : f32 to vector<8x3072xf32>
    %mul3A_38 = arith.mulf %sub3A_33, %mul3A_37 : vector<8x3072xf32>
    %add3A_39 = vector.broadcast %mul3A_26 : f32 to vector<8x3072xf32>
    %add3A_40 = arith.addf %add3A_39, %mul3A_38 : vector<8x3072xf32>
    %ge3A_41 = arith.constant 341 : i32
    %ge3A_42 = vector.broadcast %ge3A_41 : i32 to vector<8x3072xi32>
    %ge3A_43 = arith.cmpi sge, %iota3A, %ge3A_42 : vector<8x3072xi32>
    %lt3A_44 = arith.constant 682 : i32
    %lt3A_45 = vector.broadcast %lt3A_44 : i32 to vector<8x3072xi32>
    %lt3A_46 = arith.cmpi slt, %iota3A, %lt3A_45 : vector<8x3072xi32>
    %and3A_47 = arith.andi %ge3A_43, %lt3A_46 : vector<8x3072xi1>
    %select_n3A_48 = arith.select %and3A_47, %add3A_40, %select_n3A : vector<8x3072xi1>, vector<8x3072xf32>
    %get3A_49 = arith.constant 2 : index
    %get3A_50 = memref.load %arg0[%get3A_49] : memref<10xf32, #tpu.memory_space<smem>>
    %mul3A_51 = arith.constant 5.000000e+01 : f32
    %mul3A_52 = arith.mulf %get3A_50, %mul3A_51 : f32
    %get3A_53 = arith.constant 3 : index
    %get3A_54 = memref.load %arg0[%get3A_53] : memref<10xf32, #tpu.memory_space<smem>>
    %mul3A_55 = arith.constant 5.000000e+01 : f32
    %mul3A_56 = arith.mulf %get3A_54, %mul3A_55 : f32
    %sub3A_57 = arith.constant 6.820000e+02 : f32
    %sub3A_58 = vector.broadcast %sub3A_57 : f32 to vector<8x3072xf32>
    %sub3A_59 = arith.subf %convert_element_type3A, %sub3A_58 : vector<8x3072xf32>
    %sub3A_60 = arith.subf %mul3A_56, %mul3A_52 : f32
    %mul3A_61 = arith.constant 0.00294117653 : f32
    %mul3A_62 = arith.mulf %sub3A_60, %mul3A_61 : f32
    %mul3A_63 = vector.broadcast %mul3A_62 : f32 to vector<8x3072xf32>
    %mul3A_64 = arith.mulf %sub3A_59, %mul3A_63 : vector<8x3072xf32>
    %add3A_65 = vector.broadcast %mul3A_52 : f32 to vector<8x3072xf32>
    %add3A_66 = arith.addf %add3A_65, %mul3A_64 : vector<8x3072xf32>
    %ge3A_67 = arith.constant 682 : i32
    %ge3A_68 = vector.broadcast %ge3A_67 : i32 to vector<8x3072xi32>
    %ge3A_69 = arith.cmpi sge, %iota3A, %ge3A_68 : vector<8x3072xi32>
    %lt3A_70 = arith.constant 1023 : i32
    %lt3A_71 = vector.broadcast %lt3A_70 : i32 to vector<8x3072xi32>
    %lt3A_72 = arith.cmpi slt, %iota3A, %lt3A_71 : vector<8x3072xi32>
    %and3A_73 = arith.andi %ge3A_69, %lt3A_72 : vector<8x3072xi1>
    %select_n3A_74 = arith.select %and3A_73, %add3A_66, %select_n3A_48 : vector<8x3072xi1>, vector<8x3072xf32>
    %get3A_75 = arith.constant 3 : index
    %get3A_76 = memref.load %arg0[%get3A_75] : memref<10xf32, #tpu.memory_space<smem>>
    %mul3A_77 = arith.constant 5.000000e+01 : f32
    %mul3A_78 = arith.mulf %get3A_76, %mul3A_77 : f32
    %get3A_79 = arith.constant 4 : index
    %get3A_80 = memref.load %arg0[%get3A_79] : memref<10xf32, #tpu.memory_space<smem>>
    %mul3A_81 = arith.constant 5.000000e+01 : f32
    %mul3A_82 = arith.mulf %get3A_80, %mul3A_81 : f32
    %sub3A_83 = arith.constant 1.023000e+03 : f32
    %sub3A_84 = vector.broadcast %sub3A_83 : f32 to vector<8x3072xf32>
    %sub3A_85 = arith.subf %convert_element_type3A, %sub3A_84 : vector<8x3072xf32>
    %sub3A_86 = arith.subf %mul3A_82, %mul3A_78 : f32
    %mul3A_87 = arith.constant 0.00294117653 : f32
    %mul3A_88 = arith.mulf %sub3A_86, %mul3A_87 : f32
    %mul3A_89 = vector.broadcast %mul3A_88 : f32 to vector<8x3072xf32>
    %mul3A_90 = arith.mulf %sub3A_85, %mul3A_89 : vector<8x3072xf32>
    %add3A_91 = vector.broadcast %mul3A_78 : f32 to vector<8x3072xf32>
    %add3A_92 = arith.addf %add3A_91, %mul3A_90 : vector<8x3072xf32>
    %ge3A_93 = arith.constant 1023 : i32
    %ge3A_94 = vector.broadcast %ge3A_93 : i32 to vector<8x3072xi32>
    %ge3A_95 = arith.cmpi sge, %iota3A, %ge3A_94 : vector<8x3072xi32>
    %lt3A_96 = arith.constant 1364 : i32
    %lt3A_97 = vector.broadcast %lt3A_96 : i32 to vector<8x3072xi32>
    %lt3A_98 = arith.cmpi slt, %iota3A, %lt3A_97 : vector<8x3072xi32>
    %and3A_99 = arith.andi %ge3A_95, %lt3A_98 : vector<8x3072xi1>
    %select_n3A_100 = arith.select %and3A_99, %add3A_92, %select_n3A_74 : vector<8x3072xi1>, vector<8x3072xf32>
    %get3A_101 = arith.constant 4 : index
    %get3A_102 = memref.load %arg0[%get3A_101] : memref<10xf32, #tpu.memory_space<smem>>
    %mul3A_103 = arith.constant 5.000000e+01 : f32
    %mul3A_104 = arith.mulf %get3A_102, %mul3A_103 : f32
    %get3A_105 = arith.constant 5 : index
    %get3A_106 = memref.load %arg0[%get3A_105] : memref<10xf32, #tpu.memory_space<smem>>
    %mul3A_107 = arith.constant 5.000000e+01 : f32
    %mul3A_108 = arith.mulf %get3A_106, %mul3A_107 : f32
    %sub3A_109 = arith.constant 1.364000e+03 : f32
    %sub3A_110 = vector.broadcast %sub3A_109 : f32 to vector<8x3072xf32>
    %sub3A_111 = arith.subf %convert_element_type3A, %sub3A_110 : vector<8x3072xf32>
    %sub3A_112 = arith.subf %mul3A_108, %mul3A_104 : f32
    %mul3A_113 = arith.constant 0.00293255132 : f32
    %mul3A_114 = arith.mulf %sub3A_112, %mul3A_113 : f32
    %mul3A_115 = vector.broadcast %mul3A_114 : f32 to vector<8x3072xf32>
    %mul3A_116 = arith.mulf %sub3A_111, %mul3A_115 : vector<8x3072xf32>
    %add3A_117 = vector.broadcast %mul3A_104 : f32 to vector<8x3072xf32>
    %add3A_118 = arith.addf %add3A_117, %mul3A_116 : vector<8x3072xf32>
    %ge3A_119 = arith.constant 1364 : i32
    %ge3A_120 = vector.broadcast %ge3A_119 : i32 to vector<8x3072xi32>
    %ge3A_121 = arith.cmpi sge, %iota3A, %ge3A_120 : vector<8x3072xi32>
    %lt3A_122 = arith.constant 1706 : i32
    %lt3A_123 = vector.broadcast %lt3A_122 : i32 to vector<8x3072xi32>
    %lt3A_124 = arith.cmpi slt, %iota3A, %lt3A_123 : vector<8x3072xi32>
    %and3A_125 = arith.andi %ge3A_121, %lt3A_124 : vector<8x3072xi1>
    %select_n3A_126 = arith.select %and3A_125, %add3A_118, %select_n3A_100 : vector<8x3072xi1>, vector<8x3072xf32>
    %get3A_127 = arith.constant 5 : index
    %get3A_128 = memref.load %arg0[%get3A_127] : memref<10xf32, #tpu.memory_space<smem>>
    %mul3A_129 = arith.constant 5.000000e+01 : f32
    %mul3A_130 = arith.mulf %get3A_128, %mul3A_129 : f32
    %get3A_131 = arith.constant 6 : index
    %get3A_132 = memref.load %arg0[%get3A_131] : memref<10xf32, #tpu.memory_space<smem>>
    %mul3A_133 = arith.constant 5.000000e+01 : f32
    %mul3A_134 = arith.mulf %get3A_132, %mul3A_133 : f32
    %sub3A_135 = arith.constant 1.706000e+03 : f32
    %sub3A_136 = vector.broadcast %sub3A_135 : f32 to vector<8x3072xf32>
    %sub3A_137 = arith.subf %convert_element_type3A, %sub3A_136 : vector<8x3072xf32>
    %sub3A_138 = arith.subf %mul3A_134, %mul3A_130 : f32
    %mul3A_139 = arith.constant 0.00294117653 : f32
    %mul3A_140 = arith.mulf %sub3A_138, %mul3A_139 : f32
    %mul3A_141 = vector.broadcast %mul3A_140 : f32 to vector<8x3072xf32>
    %mul3A_142 = arith.mulf %sub3A_137, %mul3A_141 : vector<8x3072xf32>
    %add3A_143 = vector.broadcast %mul3A_130 : f32 to vector<8x3072xf32>
    %add3A_144 = arith.addf %add3A_143, %mul3A_142 : vector<8x3072xf32>
    %ge3A_145 = arith.constant 1706 : i32
    %ge3A_146 = vector.broadcast %ge3A_145 : i32 to vector<8x3072xi32>
    %ge3A_147 = arith.cmpi sge, %iota3A, %ge3A_146 : vector<8x3072xi32>
    %lt3A_148 = arith.constant 2047 : i32
    %lt3A_149 = vector.broadcast %lt3A_148 : i32 to vector<8x3072xi32>
    %lt3A_150 = arith.cmpi slt, %iota3A, %lt3A_149 : vector<8x3072xi32>
    %and3A_151 = arith.andi %ge3A_147, %lt3A_150 : vector<8x3072xi1>
    %select_n3A_152 = arith.select %and3A_151, %add3A_144, %select_n3A_126 : vector<8x3072xi1>, vector<8x3072xf32>
    %get3A_153 = arith.constant 6 : index
    %get3A_154 = memref.load %arg0[%get3A_153] : memref<10xf32, #tpu.memory_space<smem>>
    %mul3A_155 = arith.constant 5.000000e+01 : f32
    %mul3A_156 = arith.mulf %get3A_154, %mul3A_155 : f32
    %get3A_157 = arith.constant 7 : index
    %get3A_158 = memref.load %arg0[%get3A_157] : memref<10xf32, #tpu.memory_space<smem>>
    %mul3A_159 = arith.constant 5.000000e+01 : f32
    %mul3A_160 = arith.mulf %get3A_158, %mul3A_159 : f32
    %sub3A_161 = arith.constant 2.047000e+03 : f32
    %sub3A_162 = vector.broadcast %sub3A_161 : f32 to vector<8x3072xf32>
    %sub3A_163 = arith.subf %convert_element_type3A, %sub3A_162 : vector<8x3072xf32>
    %sub3A_164 = arith.subf %mul3A_160, %mul3A_156 : f32
    %mul3A_165 = arith.constant 0.00294117653 : f32
    %mul3A_166 = arith.mulf %sub3A_164, %mul3A_165 : f32
    %mul3A_167 = vector.broadcast %mul3A_166 : f32 to vector<8x3072xf32>
    %mul3A_168 = arith.mulf %sub3A_163, %mul3A_167 : vector<8x3072xf32>
    %add3A_169 = vector.broadcast %mul3A_156 : f32 to vector<8x3072xf32>
    %add3A_170 = arith.addf %add3A_169, %mul3A_168 : vector<8x3072xf32>
    %ge3A_171 = arith.constant 2047 : i32
    %ge3A_172 = vector.broadcast %ge3A_171 : i32 to vector<8x3072xi32>
    %ge3A_173 = arith.cmpi sge, %iota3A, %ge3A_172 : vector<8x3072xi32>
    %lt3A_174 = arith.constant 2388 : i32
    %lt3A_175 = vector.broadcast %lt3A_174 : i32 to vector<8x3072xi32>
    %lt3A_176 = arith.cmpi slt, %iota3A, %lt3A_175 : vector<8x3072xi32>
    %and3A_177 = arith.andi %ge3A_173, %lt3A_176 : vector<8x3072xi1>
    %select_n3A_178 = arith.select %and3A_177, %add3A_170, %select_n3A_152 : vector<8x3072xi1>, vector<8x3072xf32>
    %get3A_179 = arith.constant 7 : index
    %get3A_180 = memref.load %arg0[%get3A_179] : memref<10xf32, #tpu.memory_space<smem>>
    %mul3A_181 = arith.constant 5.000000e+01 : f32
    %mul3A_182 = arith.mulf %get3A_180, %mul3A_181 : f32
    %get3A_183 = arith.constant 8 : index
    %get3A_184 = memref.load %arg0[%get3A_183] : memref<10xf32, #tpu.memory_space<smem>>
    %mul3A_185 = arith.constant 5.000000e+01 : f32
    %mul3A_186 = arith.mulf %get3A_184, %mul3A_185 : f32
    %sub3A_187 = arith.constant 2.388000e+03 : f32
    %sub3A_188 = vector.broadcast %sub3A_187 : f32 to vector<8x3072xf32>
    %sub3A_189 = arith.subf %convert_element_type3A, %sub3A_188 : vector<8x3072xf32>
    %sub3A_190 = arith.subf %mul3A_186, %mul3A_182 : f32
    %mul3A_191 = arith.constant 0.00294117653 : f32
    %mul3A_192 = arith.mulf %sub3A_190, %mul3A_191 : f32
    %mul3A_193 = vector.broadcast %mul3A_192 : f32 to vector<8x3072xf32>
    %mul3A_194 = arith.mulf %sub3A_189, %mul3A_193 : vector<8x3072xf32>
    %add3A_195 = vector.broadcast %mul3A_182 : f32 to vector<8x3072xf32>
    %add3A_196 = arith.addf %add3A_195, %mul3A_194 : vector<8x3072xf32>
    %ge3A_197 = arith.constant 2388 : i32
    %ge3A_198 = vector.broadcast %ge3A_197 : i32 to vector<8x3072xi32>
    %ge3A_199 = arith.cmpi sge, %iota3A, %ge3A_198 : vector<8x3072xi32>
    %lt3A_200 = arith.constant 2729 : i32
    %lt3A_201 = vector.broadcast %lt3A_200 : i32 to vector<8x3072xi32>
    %lt3A_202 = arith.cmpi slt, %iota3A, %lt3A_201 : vector<8x3072xi32>
    %and3A_203 = arith.andi %ge3A_199, %lt3A_202 : vector<8x3072xi1>
    %select_n3A_204 = arith.select %and3A_203, %add3A_196, %select_n3A_178 : vector<8x3072xi1>, vector<8x3072xf32>
    %get3A_205 = arith.constant 8 : index
    %get3A_206 = memref.load %arg0[%get3A_205] : memref<10xf32, #tpu.memory_space<smem>>
    %mul3A_207 = arith.constant 5.000000e+01 : f32
    %mul3A_208 = arith.mulf %get3A_206, %mul3A_207 : f32
    %get3A_209 = arith.constant 9 : index
    %get3A_210 = memref.load %arg0[%get3A_209] : memref<10xf32, #tpu.memory_space<smem>>
    %mul3A_211 = arith.constant 5.000000e+01 : f32
    %mul3A_212 = arith.mulf %get3A_210, %mul3A_211 : f32
    %sub3A_213 = arith.constant 2.729000e+03 : f32
    %sub3A_214 = vector.broadcast %sub3A_213 : f32 to vector<8x3072xf32>
    %sub3A_215 = arith.subf %convert_element_type3A, %sub3A_214 : vector<8x3072xf32>
    %sub3A_216 = arith.subf %mul3A_212, %mul3A_208 : f32
    %mul3A_217 = arith.constant 0.00293255132 : f32
    %mul3A_218 = arith.mulf %sub3A_216, %mul3A_217 : f32
    %mul3A_219 = vector.broadcast %mul3A_218 : f32 to vector<8x3072xf32>
    %mul3A_220 = arith.mulf %sub3A_215, %mul3A_219 : vector<8x3072xf32>
    %add3A_221 = vector.broadcast %mul3A_208 : f32 to vector<8x3072xf32>
    %add3A_222 = arith.addf %add3A_221, %mul3A_220 : vector<8x3072xf32>
    %ge3A_223 = arith.constant 2729 : i32
    %ge3A_224 = vector.broadcast %ge3A_223 : i32 to vector<8x3072xi32>
    %ge3A_225 = arith.cmpi sge, %iota3A, %ge3A_224 : vector<8x3072xi32>
    %lt3A_226 = arith.constant 3071 : i32
    %lt3A_227 = vector.broadcast %lt3A_226 : i32 to vector<8x3072xi32>
    %lt3A_228 = arith.cmpi slt, %iota3A, %lt3A_227 : vector<8x3072xi32>
    %and3A_229 = arith.andi %ge3A_225, %lt3A_228 : vector<8x3072xi1>
    %select_n3A_230 = arith.select %and3A_229, %add3A_222, %select_n3A_204 : vector<8x3072xi1>, vector<8x3072xf32>
    %add3A_231 = arith.addf %mul3A_2, %select_n3A_230 : vector<8x3072xf32>
    %jit3A = arith.constant 0.000000e+00 : f32
    %jit3A_232 = arith.constant 4.095000e+03 : f32
    %max3A = vector.broadcast %jit3A : f32 to vector<8x3072xf32>
    %max3A_233 = arith.maximumf %max3A, %add3A_231 : vector<8x3072xf32>
    %min3A = vector.broadcast %jit3A_232 : f32 to vector<8x3072xf32>
    %min3A_234 = arith.minimumf %min3A, %max3A_233 : vector<8x3072xf32>
    %convert_element_type3A_235 = arith.fptosi %min3A_234 : vector<8x3072xf32> to vector<8x3072xi32>
    %convert_element_type3A_236 = arith.sitofp %convert_element_type3A_235 : vector<8x3072xi32> to vector<8x3072xf32>
    %sub3A_237 = arith.subf %min3A_234, %convert_element_type3A_236 : vector<8x3072xf32>
    %swap3A = arith.constant 0 : index
    %swap3A_238 = arith.constant 0 : index
    %swap3A_239 = vector.load %arg3[%swap3A, %swap3A_238] : memref<8x3072xf32, #tpu.memory_space<vmem>>, vector<8x3072xf32>
    tpu.vector_store %arg3[%swap3A, %swap3A_238], %sub3A_237 {strides = array<i32>} : memref<8x3072xf32, #tpu.memory_space<vmem>>, vector<8x3072xf32>,
    %min3A_240 = arith.constant 4094 : i32
    %min3A_241 = vector.broadcast %min3A_240 : i32 to vector<8x3072xi32>
    %min3A_242 = arith.minsi %convert_element_type3A_235, %min3A_241 : vector<8x3072xi32>
    %mul3A_243 = arith.constant 4096 : i32
    %mul3A_244 = vector.broadcast %mul3A_243 : i32 to vector<8x3072xi32>
    %mul3A_245 = arith.muli %iota3A_0, %mul3A_244 : vector<8x3072xi32>
    %add3A_246 = arith.addi %min3A_242, %mul3A_245 : vector<8x3072xi32>
    %swap3A_247 = arith.constant 0 : index
    %swap3A_248 = arith.constant 0 : index
    %swap3A_249 = vector.load %arg1[%swap3A_247, %swap3A_248] : memref<8x3072xi32, #tpu.memory_space<vmem>>, vector<8x3072xi32>
    tpu.vector_store %arg1[%swap3A_247, %swap3A_248], %add3A_246 {strides = array<i32>} : memref<8x3072xi32, #tpu.memory_space<vmem>>, vector<8x3072xi32>,
    %add3A_250 = arith.constant 1 : i32
    %add3A_251 = vector.broadcast %add3A_250 : i32 to vector<8x3072xi32>
    %add3A_252 = arith.addi %add3A_246, %add3A_251 : vector<8x3072xi32>
    %swap3A_253 = arith.constant 0 : index
    %swap3A_254 = arith.constant 0 : index
    %swap3A_255 = vector.load %arg2[%swap3A_253, %swap3A_254] : memref<8x3072xi32, #tpu.memory_space<vmem>>, vector<8x3072xi32>
    tpu.vector_store %arg2[%swap3A_253, %swap3A_254], %add3A_252 {strides = array<i32>} : memref<8x3072xi32, #tpu.memory_space<vmem>>, vector<8x3072xi32>,
    return
  }
}

</mosaic_0001>

<sc_bundles>
// kernel: kernel.4.cloned.1.call-start
scs
__scs_entry_jumppad:
0x0: {  	(pc) =	sbr.rel $0x88, $3  }
0x1: {  	(tag) =	ssettag $0x0;
	lr =	simm.s32 $0x1  }
0x2: {  	[smem:$0x3F9F] =	sst lr;
	_ =	strace $0xD0000000  }
0x3: {  	_ = 	snop  }
0x4: {  	_ = 	snop  }
0x5: {  	_ = 	snop  }
0x6: {  	_ = 	snop  }
0x7: {  	_ = 	snop  }
__scs_overlays_trampoline_lowered:
0x8: {  	[smem:$0x3FAE] =	sst s0  }
0x9: {  	[smem:$0x3FAF] =	sst s1  }
0xa: {  	[smem:$0x3FB0] =	sst s2  }
0xb: {  	[smem:$0x3FB1] =	sst s3  }
0xc: {  	[smem:$0x3FB2] =	sst s4  }
0xd: {  	[smem:$0x3FB3] =	sst s5  }
0xe: {  	[smem:$0x3FB4] =	sst s6  }
0xf: {  	[smem:$0x3FB5] =	sst s7  }
0x10: {  	[smem:$0x3FB6] =	sst s8  }
0x11: {  	[smem:$0x3FB7] =	sst s9;
	s0 =	simm.s32 @!p0 $0x0  }
0x12: {  	s1 =	sld [smem:$0x3F9D];
	s0 =	simm.s32 @p0 $0x1  }
0x13: {  	[smem:$0x3FB8] =	sst s0;
	s0 =	simm.s32 @!p1 $0x0  }
0x14: {  	s2 =	sld [smem:$0x3F9C];
	s0 =	simm.s32 @p1 $0x1  }
0x15: {  	[smem:$0x3FB9] =	sst s0;
	s0 =	simm.s32 @!p2 $0x0  }
0x16: {  	s3 =	sld [smem:$0x3FDB];
	s0 =	simm.s32 @p2 $0x1  }
0x17: {  	s4 =	simm.s32 $0x1BF5;
	[smem:$0x3FBB] =	sst s0  }
0x18: {  	s0 =	sld [smem:$0x3F9E];
	_ =	swait.ge [sflag:s4], $0x0  }
0x19: {  	s7 =	sld [smem:$0x3F9F]  }
0x1a: {  	s8 =	sadd.s32 $0xFFFFE003, lr  }
0x1b: {  	s9 =	sadd.s32 $0xFFFFFEF7, lr;
	s5 =	simm.s32 $0xFFFFFFFF;
	p2 =	slt.u32 s8, $0xFFFFF086  }
0x1c: {  	p1 =	slt.u32 s9, $0xF7A;
	s5 =	simm.s32 @!p2 $0x0  }
0x1d: {  	s5 =	simm.s32 @p1 $0x1;
	p0 =	seq.s32 s7, s2  }
0x1e: {  	s7 =	smul.u32 @!p0 $0xF7A, s2;
	p2 =	seq.s32 @!p0 s5, $0x0  }
0x1f: {  	s9 =	smul.u32 $0xF7A, s1;
	s8 =	simm.s32 @!p0 $0x1BF5;
	p2 =	por !p2, p0  }
0x20: {  	[sflag:s8] =	ssyncset.s32 @!p0 $0xFFFFF086;
	s6 =	sadd.s32 @!p0 s3, s7;
	s7 =	simm.s32 @!p0 $0x108  }
0x21: {  	s3 =	sadd.s32 s3, s9;
	s6 =	sadd.s32 @!p0 $0x88, s6;
	s7 =	simm.s32 @p2 $0x1082  }
0x22: {  	[simem:s7], [sflag:s8] =	dma.local @!p0 [hbm:s6], $0xF7A  }
0x23: {  	s9 =	sor.u32 $0xD0000000, s2;
	s6 =	simm.s32 $0x108;
	_ =	swait.ge @!p0 [sflag:s8], $0x0  }
0x24: {  	s3 =	sadd.s32 $0x88, s3;
	s6 =	simm.s32 @!p1 $0x1082;
	[sflag:s4] =	ssyncset.s32 $0xFFFFF086  }
0x25: {  	[simem:s6], [sflag:s4] =	dma.local [hbm:s3], $0xF7A  }
0x26: {  	[smem:$0x3F9F] =	sst s1;
	(tag) =	ssettag s2;
	_ =	strace s9  }
0x27: {  	s1 =	sld [smem:$0x3FAF]  }
0x28: {  	s2 =	sld [smem:$0x3FB0]  }
0x29: {  	s4 =	sld [smem:$0x3FB2]  }
0x2a: {  	p0 =	seq.s32 s5, $0x0;
	s5 =	sld [smem:$0x3FB3]  }
0x2b: {  	s6 =	sld [smem:$0x3FB4]  }
0x2c: {  	s7 =	sld [smem:$0x3FB5]  }
0x2d: {  	s3 =	simm.s32 $0x108;
	s8 =	sld [smem:$0x3FB6]  }
0x2e: {  	s3 =	simm.s32 @!p0 $0x1082;
	s9 =	sld [smem:$0x3FB7]  }
0x2f: {  	lr =	sadd.s32 s0, s3;
	s0 =	sld [smem:$0x3FAE]  }
0x30: {  	s3 =	sld [smem:$0x3FB1]  }
0x31: {  	[smem:$0x3FBA] =	sst s10  }
0x32: {  	s10 =	sld [smem:$0x3FB8];
	_ =	sdelay $0x3  }
0x33: {  	p0 =	seq.s32 s10, $0x1;
	s10 =	sld [smem:$0x3FBA];
	_ =	sdelay $0x3  }
0x34: {  	[smem:$0x3FBA] =	sst s10  }
0x35: {  	s10 =	sld [smem:$0x3FB9];
	_ =	sdelay $0x3  }
0x36: {  	p1 =	seq.s32 s10, $0x1;
	s10 =	sld [smem:$0x3FBA];
	_ =	sdelay $0x3  }
0x37: {  	[smem:$0x3FBA] =	sst s10  }
0x38: {  	s10 =	sld [smem:$0x3FBB]  }
0x39: {  	_ = 	snop;
	(pc) =	sbr.ind lr, $3  }
0x3a: {  	_ = 	snop  }
0x3b: {  	_ = 	snop  }
0x3c: {  	p2 =	seq.s32 s10, $0x1;
	s10 =	sld [smem:$0x3FBA]  }
0x3d: {  	_ =	shalt  }
0x3e: {  	_ =	shalt  }
0x3f: {  	_ =	shalt  }
0x40: {  	_ =	shalt  }
0x41: {  	_ =	shalt  }
0x42: {  	_ =	shalt  }
0x43: {  	_ =	shalt  }
0x44: {  	_ =	shalt  }
0x45: {  	_ =	shalt  }
0x46: {  	_ =	shalt  }
0x47: {  	_ =	shalt  }
0x48: {  	_ =	shalt  }
0x49: {  	_ =	shalt  }
0x4a: {  	_ =	shalt  }
0x4b: {  	_ =	shalt  }
0x4c: {  	_ =	shalt  }
0x4d: {  	_ =	shalt  }
0x4e: {  	_ =	shalt  }
0x4f: {  	_ =	shalt  }
0x50: {  	_ =	shalt  }
0x51: {  	_ =	shalt  }
0x52: {  	_ =	shalt  }
0x53: {  	_ =	shalt  }
0x54: {  	_ =	shalt  }
0x55: {  	_ =	shalt  }
0x56: {  	_ =	shalt  }
0x57: {  	_ =	shalt  }
0x58: {  	_ =	shalt  }
0x59: {  	_ =	shalt  }
0x5a: {  	_ =	shalt  }
0x5b: {  	_ =	shalt  }
0x5c: {  	_ =	shalt  }
0x5d: {  	_ =	shalt  }
0x5e: {  	_ =	shalt  }
0x5f: {  	_ =	shalt  }
0x60: {  	_ =	shalt  }
0x61: {  	_ =	shalt  }
0x62: {  	_ =	shalt  }
0x63: {  	_ =	shalt  }
0x64: {  	_ =	shalt  }
0x65: {  	_ =	shalt  }
0x66: {  	_ =	shalt  }
0x67: {  	_ =	shalt  }
0x68: {  	_ =	shalt  }
0x69: {  	_ =	shalt  }
0x6a: {  	_ =	shalt  }
0x6b: {  	_ =	shalt  }
0x6c: {  	_ =	shalt  }
0x6d: {  	_ =	shalt  }
0x6e: {  	_ =	shalt  }
0x6f: {  	_ =	shalt  }
0x70: {  	_ =	shalt  }
0x71: {  	_ =	shalt  }
0x72: {  	_ =	shalt  }
0x73: {  	_ =	shalt  }
0x74: {  	_ =	shalt  }
0x75: {  	_ =	shalt  }
0x76: {  	_ =	shalt  }
0x77: {  	_ =	shalt  }
0x78: {  	_ =	shalt  }
0x79: {  	_ =	shalt  }
0x7a: {  	_ =	shalt  }
0x7b: {  	_ =	shalt  }
0x7c: {  	_ =	shalt  }
0x7d: {  	_ =	shalt  }
0x7e: {  	_ =	shalt  }
0x7f: {  	_ =	shalt  }
0x80: {  	_ =	shalt  }
0x81: {  	_ =	shalt  }
0x82: {  	_ =	shalt  }
0x83: {  	_ =	shalt  }
0x84: {  	_ =	shalt  }
0x85: {  	_ =	shalt  }
0x86: {  	_ =	shalt  }
0x87: {  	_ =	shalt  }
.Lfunc_end0:
.L_simem_size_0:
called_computation_lowered:
.L_overlay_start_0:
0x88: {  	s2 =	sld [smem:$0x3FD9]  }
0x89: {  	s3 =	sld [smem:$0x3FFE];
	_ =	sdelay $0x1  }
0x8a: {  	s1 =	srdreg.scid  }
0x8b: {  	s0 =	sand.u32 $0x1, s1  }
0x8c: {  	s17 =	sshll.u32 s0, $0xA;
	s2 =	sadd.s32 s3, s2  }
0x8d: {  	s2 =	sadd.s32 s2, s17  }
0x8e: {  	[smem:$0x3FC6] =	sst s2  }
0x8f: {  	_ = 	snop  }
0x90: {  	s2 =	sld [smem:$0x3FC9]  }
0x91: {  	s18 =	sld [smem:$0x3FD0];
	(tm) =	ssettm $0x1  }
0x92: {  	s4 =	sld [smem:$0x3FFB];
	_ =	sdelay $0x3  }
0x93: {  	_ =	strace s4  }
0x94: {  	s4 =	sld [smem:$0x3FFC];
	_ =	sdelay $0x3  }
0x95: {  	_ =	strace s4  }
0x96: {  	s4 =	sld [smem:$0x3FFD];
	_ =	sdelay $0x3  }
0x97: {  	_ =	strace s4  }
0x98: {  	_ =	strace $0x8FFFFFFF  }
0x99: {  	s19 =	sld [smem:$0x3FDB];
	_ =	sdelay $0x1  }
0x9a: {  	s5 =	simm.s32 $_scs_section_size  }
0x9b: {  	s6 =	simm.s32 $_size__tile_overlayer_lowered;
	s7 =	simm.s32 $_tile_overlayer_lowered  }
0x9c: {  	s22 =	simm.s32 $0x1BFF;
	s21 =	sshll.u32 s7, $0x1;
	s4 =	sadd.s32 s5, s19  }
0x9d: {  	s8 =	simm.s32 $0x0;
	s20 =	sshll.u32 s6, $0x1;
	s6 =	sadd.s32 s21, s4  }
0x9e: {  	[timem:s8], [sflag:s22] =	dma.local [hbm:s6], s20  }
0x9f: {  	_ =	swait.ge [sflag:s22], s20  }
0xa0: {  	s5 =	ssub.s32 $0x0, s20;
	[sflag:s22] =	ssyncset.done $0x0  }
0xa1: {  	[sflag:s22] =	ssyncadd.s32 s5;
	_ =	sdelay $0x1  }
0xa2: {  	s23 =	simm.s32 $0x1B8B  }
0xa3: {  	_ =	swait.ge [sflag:s23], $0x1  }
0xa4: {  	[sflag:s23] =	ssyncset.done $0x0  }
0xa5: {  	s25 =	simm.s32 $0x1B8E;
	s24 =	sld [smem:$0x3FFE];
	[sflag:s23] =	ssyncadd.s32 $0xFFFFFFFF  }
0xa6: {  	s26 =	simm.s32 $execute0_lowered;
	[smem:$0x3FD2] =	sst s25  }
0xa7: {  	s6 =	sshll.u32 s26, $0x1;
	_ =	strace $0x80000046;
	[dreg:$0x1] =	wrdreg $0xFFFFFFFF  }
0xa8: {  	s28 =	simm.s32 $_size_execute0_lowered;
	s4 =	sadd.s32 s4, s6;
	[dreg:$0x0] =	wrdreg $0x0  }
0xa9: {  	s6 =	sshll.u32 s28, $0x1;
	[dreg:$0x2] =	wrdreg s4  }
0xaa: {  	[dreg:$0x3] =	wrdreg s6  }
0xab: {  	[dreg:$0x4] =	wrdreg $0xC0  }
0xac: {  	_ =	task [dreg:s8], $0x5FFFF  }
0xad: {  	[dreg:$0x1] =	wrdreg $0xFFFFFFFF  }
0xae: {  	[dreg:$0x0] =	wrdreg $0x60  }
0xaf: {  	[dreg:$0x2] =	wrdreg s2  }
0xb0: {  	[dreg:$0x3] =	wrdreg s24  }
0xb1: {  	[dreg:$0x4] =	wrdreg s18  }
0xb2: {  	[dreg:$0x5] =	wrdreg $0x9  }
0xb3: {  	_ =	task.clear_ibuf [dreg:s8], $0x6FFFF;
	_ =	strace $0x90000046  }
0xb4: {  	s29 =	simm.s32 $0x9;
	_ =	strace $0x80000048  }
0xb5: {  	_ =	swait.ge [sflag:s29], $0x1  }
0xb6: {  	[sflag:s29] =	ssyncadd.s32 $0xFFFFFFFF  }
0xb7: {  	_ =	strace $0x90000048  }
0xb8: {  	_ =	sfence  }
0xb9: {  	s30 =	sld [smem:$0x0];
	_ =	sdelay $0x2  }
0xba: {  	s31 =	sshll.u32 s1, $0xD;
	s1 =	sshrl.u32 s1, $0x2  }
0xbb: {  	s3 =	sand.u32 $0x4000, s31;
	s1 =	sadd.s32 s1, s30  }
0xbc: {  	s0 =	sor.u32 s3, s0;
	s1 =	sshll.u32 s1, $0x11  }
0xbd: {  	s0 =	sor.u32 s1, s0  }
0xbe: {  	s0 =	sadd.s32 $0x8F2B, s0  }
0xbf: {  	[sflag:s0] =	ssyncadd.remote.s32 $0x1  }
0xc0: {  	_ =	sfence.sel $0xFFFF  }
0xc1: {  	[dreg:$0x0] =	wrdreg $0xFFFFFFFF;
	(pc) =	sbr.abs _section_cstart, $3  }
0xc2: {  	[dreg:$0x1] =	wrdreg $0xFFFFFFFF  }
0xc3: {  	_ =	task.clear_ibuf [dreg:s8], $0x2FFFF;
	_ =	strace $0x9FFFFFFF  }
0xc4: {  	(tm) =	ssettm $0x7FFFFFFF  }
0xc5: {  	_ =	shalt  }
tec
execute0_lowered:
.L_overlay_start_1:
0x0: {  	(tag) =	ssettag $0x1  }
0x1: {  	s1 =	rddreg [dreg:$0x0]  }
0x2: {  	s0 =	srdreg.scid;
	s6 =	rddreg [dreg:$0x1]  }
0x3: {  	s2 =	stileid.u32;
	s3 =	rddreg [dreg:$0x2]  }
0x4: {  	s5 =	simm.s32 $0x0;
	s15 =	simm.s32 $0x600;
	s25 =	simm.s32 $0xE100  }
0x5: {  	s28 =	simm.s32 $0xF100;
	s0 =	sand.u32 $0x1, s0;
	s2 =	sshll.u32 s2, $0x1  }
0x6: {  	s29 =	simm.s32 $0xF900;
	s30 =	simm.s32 $0x10100;
	s2 =	sor.u32 s0, s2  }
0x7: {  	s31 =	simm.s32 $0x1;
	s0 =	ssub.s32 $0x2, s0;
	s4 =	smul.u32 $0x300, s2  }
0x8: {  	s8 =	simm.s32 $0x4;
	s12 =	simm.s32 $0x14900;
	s7 =	sshrl.u32 s0, $0x1  }
0x9: {  	s14 =	simm.s32 $0x0;
	s0 =	ssub.s32 s0, s7;
	s2 =	sshrl.u32 s4, $0x3  }
0xa: {  	[smem:$0x7FF] =	sst s5;
	s0 =	smax.u32 s0, $0x1;
	s2 =	sadd.s32 s2, s6  }
0xb: {  	v2 =	vlaneseq.u32;
	_ =	strace $0x80000047;
	[dreg:$0x7] =	wrdreg s0;
	s6 =	sadd.s32 $0x800, s2  }
0xc: {  	s9 =	sadd.s32 $0x100, s1;
	v0 =	vand.u32 $0x7, v2;
	v1 =	vshrl.u32 v2, $0x3;
	s26 =	sadd.s32 $0x1400, s2;
	[dreg:$0x4] =	wrdreg s6  }
0xd: {  	s10 =	sadd.s32 $0x200, s1;
	v63 =	vor.u32 $0x8, v2;
	[tilespmem:$0x1FFD0] =	vst v0;
	v62 =	vmul.u32 $0x8, v1;
	s2 =	sadd.s32 $0x2000, s2;
	[dreg:$0x5] =	wrdreg s26  }
0xe: {  	s11 =	sadd.s32 $0x300, s1;
	[tilespmem:$0x1FFF0] =	vst v63;
	s7 =	simm.s32 $0x2;
	[dreg:$0x6] =	wrdreg s2  }
0xf: {  	vm0 =	vmmov $0xffff;
	[tilespmem:$0x1FFE0] =	vst v62;
	s26 =	simm.s32 $0xE900;
	s2 =	simm.s32 $0x3;
	s6 =	simm.s32 $0x10900  }
.LBB2_1:
0x10: {  	[dreg:$0x8] =	wrdreg s14  }
0x11: {  	s0 =	rddreg [dreg:$0x4];
	s13 =	simm.s32 $0x7  }
0x12: {  	[tilespmem:s5], [sflag:$0x7] =	stream.linear.gather [hbm4b:s0+s5], $0x300, $0x38;
	[tilespmem:$0x18900] =	vst v63  }
0x13: {  	_ =	swait.ge [sflag:s13], $0x300  }
0x14: {  	[sflag:s13] =	ssyncset.done $0x0  }
0x15: {  	s18 =	simm.s32 $0x300;
	s17 =	rddreg [dreg:$0x5];
	[sflag:s13] =	ssyncadd.s32 $0xFFFFFD00  }
0x16: {  	[tilespmem:s18], [sflag:$0x7] =	stream.linear.gather [hbm4b:s17+s5], $0x300, $0x38;
	[tilespmem:$0x18900] =	vst v63  }
0x17: {  	_ =	swait.ge [sflag:s13], $0x300  }
0x18: {  	[sflag:s13] =	ssyncset.done $0x0  }
0x19: {  	s19 =	rddreg [dreg:$0x6];
	[sflag:s13] =	ssyncadd.s32 $0xFFFFFD00  }
0x1a: {  	[tilespmem:s15], [sflag:$0x7] =	stream.linear.gather [hbm4b:s19+s5], $0x300, $0x38;
	[tilespmem:$0x18900] =	vst v63  }
0x1b: {  	_ =	swait.ge [sflag:s13], $0x300  }
0x1c: {  	[sflag:s13] =	ssyncset.done $0x0  }
0x1d: {  	[sflag:s13] =	ssyncadd.s32 $0xFFFFFD00  }
0x1e: {  	v3 =	vld [tilespmem:$0x0];
	_ =	sdelay $0x2  }
0x1f: {  	v0 =	vld [tilespmem:$0x1FFD0];
	_ =	sdelay $0x1  }
0x20: {  	v1 =	vld [tilespmem:$0x1FFE0];
	v4 =	vshll.u32 v3, $0x3  }
0x21: {  	v3 =	vand.u32 $0x7, v3;
	v4 =	vand.u32 $0xFFFFFFC0, v4  }
0x22: {  	v3 =	vor.u32 v3, v4  }
0x23: {  	v4 =	vperm.xlane v3, v0;
	_ =	sdelay $0x1  }
0x24: {  	v4 =	vadd.s32 v1, v4  }
0x25: {  	v2 =	vld [tilespmem:$0x1FFF0];
	_ =	sdelay $0x2  }
0x26: {  	s20 =	simm.s32 $0x900  }
0x27: {  	[tilespmem:s20], [sflag:$0x1] =	stream.indirect_vreg.gather [hbm4b:s1+s5], $0x80, v4, vm0, $0xb8;
	[tilespmem:$0x18900] =	vst v63  }
0x28: {  	s21 =	simm.s32 $0x1100;
	v3 =	vperm.xlane v3, v2  }
0x29: {  	[tilespmem:s21], [sflag:$0x1] =	stream.indirect_vreg.gather [hbm4b:s9+s5], $0x80, v4, vm0, $0xb8;
	[tilespmem:$0x18900] =	vst v63  }
0x2a: {  	s22 =	simm.s32 $0x1900;
	v3 =	vadd.s32 v1, v3  }
0x2b: {  	[tilespmem:s22], [sflag:$0x1] =	stream.indirect_vreg.gather [hbm4b:s10+s5], $0x80, v4, vm0, $0xb8;
	[tilespmem:$0x18900] =	vst v63  }
0x2c: {  	s23 =	simm.s32 $0x2100  }
0x2d: {  	[tilespmem:s23], [sflag:$0x1] =	stream.indirect_vreg.gather [hbm4b:s11+s5], $0x80, v4, vm0, $0xb8;
	[tilespmem:$0x18900] =	vst v63  }
0x2e: {  	s24 =	simm.s32 $0x2900  }
0x2f: {  	[tilespmem:s24], [sflag:$0x1] =	stream.indirect_vreg.gather [hbm4b:s1+s5], $0x80, v3, vm0, $0xb8;
	[tilespmem:$0x18900] =	vst v63  }
0x30: {  	s13 =	simm.s32 $0x3100  }
0x31: {  	[tilespmem:s13], [sflag:$0x1] =	stream.indirect_vreg.gather [hbm4b:s9+s5], $0x80, v3, vm0, $0xb8;
	[tilespmem:$0x18900] =	vst v63  }
0x32: {  	s14 =	simm.s32 $0x3900  }
0x33: {  	[tilespmem:s14], [sflag:$0x1] =	stream.indirect_vreg.gather [hbm4b:s10+s5], $0x80, v3, vm0, $0xb8;
	[tilespmem:$0x18900] =	vst v63  }
0x34: {  	s16 =	simm.s32 $0x4100  }
0x35: {  	[tilespmem:s16], [sflag:$0x1] =	stream.indirect_vreg.gather [hbm4b:s11+s5], $0x80, v3, vm0, $0xb8;
	[tilespmem:$0x18900] =	vst v63  }
0x36: {  	v3 =	vld [tilespmem:$0x300];
	_ =	sdelay $0x4  }
0x37: {  	v63 =	vshll.u32 v3, $0x3  }
0x38: {  	v3 =	vand.u32 $0x7, v3;
	v4 =	vand.u32 $0xFFFFFFC0, v63  }
0x39: {  	v3 =	vor.u32 v3, v4  }
0x3a: {  	v4 =	vperm.xlane v3, v0;
	_ =	sdelay $0x1  }
0x3b: {  	v4 =	vadd.s32 v1, v4;
	_ =	sdelay $0x3  }
0x3c: {  	s17 =	simm.s32 $0x8900  }
0x3d: {  	[tilespmem:s17], [sflag:$0x3] =	stream.indirect_vreg.gather [hbm4b:s1+s5], $0x80, v4, vm0, $0xb8;
	[tilespmem:$0x18900] =	vst v63  }
0x3e: {  	s18 =	simm.s32 $0x9100;
	v3 =	vperm.xlane v3, v2  }
0x3f: {  	[tilespmem:s18], [sflag:$0x3] =	stream.indirect_vreg.gather [hbm4b:s9+s5], $0x80, v4, vm0, $0xb8;
	[tilespmem:$0x18900] =	vst v63  }
0x40: {  	s19 =	simm.s32 $0x9900;
	v3 =	vadd.s32 v1, v3  }
0x41: {  	[tilespmem:s19], [sflag:$0x3] =	stream.indirect_vreg.gather [hbm4b:s10+s5], $0x80, v4, vm0, $0xb8;
	[tilespmem:$0x18900] =	vst v63  }
0x42: {  	s20 =	simm.s32 $0xA100  }
0x43: {  	[tilespmem:s20], [sflag:$0x3] =	stream.indirect_vreg.gather [hbm4b:s11+s5], $0x80, v4, vm0, $0xb8;
	[tilespmem:$0x18900] =	vst v63  }
0x44: {  	s21 =	simm.s32 $0xA900  }
0x45: {  	[tilespmem:s21], [sflag:$0x3] =	stream.indirect_vreg.gather [hbm4b:s1+s5], $0x80, v3, vm0, $0xb8;
	[tilespmem:$0x18900] =	vst v63  }
0x46: {  	s22 =	simm.s32 $0xB100  }
0x47: {  	[tilespmem:s22], [sflag:$0x3] =	stream.indirect_vreg.gather [hbm4b:s9+s5], $0x80, v3, vm0, $0xb8;
	[tilespmem:$0x18900] =	vst v63  }
0x48: {  	s23 =	simm.s32 $0xB900;
	s24 =	simm.s32 $0xC100  }
0x49: {  	[tilespmem:s23], [sflag:$0x3] =	stream.indirect_vreg.gather [hbm4b:s10+s5], $0x80, v3, vm0, $0xb8;
	[tilespmem:$0x18900] =	vst v63  }
0x4a: {  	s13 =	simm.s32 $0x10;
	s14 =	simm.s32 $0x0;
	s20 =	simm.s32 $0x0  }
0x4b: {  	[tilespmem:s24], [sflag:$0x3] =	stream.indirect_vreg.gather [hbm4b:s11+s5], $0x80, v3, vm0, $0xb8;
	[tilespmem:$0x18900] =	vst v63  }
.LBB2_2:
0x4c: {  	s16 =	sshll.u32 s14, $0x5  }
0x4d: {  	v3 =	vld [tilespmem:s16+$0x10];
	_ =	sdelay $0x2  }
0x4e: {  	v0 =	vld [tilespmem:$0x1FFD0];
	_ =	sdelay $0x1  }
0x4f: {  	v1 =	vld [tilespmem:$0x1FFE0];
	v4 =	vshll.u32 v3, $0x3  }
0x50: {  	v3 =	vand.u32 $0x7, v3;
	v4 =	vand.u32 $0xFFFFFFC0, v4  }
0x51: {  	v3 =	vor.u32 v3, v4  }
0x52: {  	v4 =	vperm.xlane v3, v0;
	_ =	sdelay $0x1  }
0x53: {  	v4 =	vadd.s32 v1, v4  }
0x54: {  	v2 =	vld [tilespmem:$0x1FFF0];
	_ =	sdelay $0x2  }
0x55: {  	s0 =	simm.s32 $0x4900  }
0x56: {  	[tilespmem:s0], [sflag:$0x2] =	stream.indirect_vreg.gather [hbm4b:s1+s5], $0x80, v4, vm0, $0xb8;
	[tilespmem:$0x18900] =	vst v63  }
0x57: {  	s22 =	simm.s32 $0x5100;
	v3 =	vperm.xlane v3, v2  }
0x58: {  	[tilespmem:s22], [sflag:$0x2] =	stream.indirect_vreg.gather [hbm4b:s9+s5], $0x80, v4, vm0, $0xb8;
	[tilespmem:$0x18900] =	vst v63  }
0x59: {  	s23 =	simm.s32 $0x5900;
	v3 =	vadd.s32 v1, v3  }
0x5a: {  	[tilespmem:s23], [sflag:$0x2] =	stream.indirect_vreg.gather [hbm4b:s10+s5], $0x80, v4, vm0, $0xb8;
	[tilespmem:$0x18900] =	vst v63  }
0x5b: {  	s24 =	simm.s32 $0x6100  }
0x5c: {  	[tilespmem:s24], [sflag:$0x2] =	stream.indirect_vreg.gather [hbm4b:s11+s5], $0x80, v4, vm0, $0xb8;
	[tilespmem:$0x18900] =	vst v63  }
0x5d: {  	s17 =	simm.s32 $0x6900  }
0x5e: {  	[tilespmem:s17], [sflag:$0x2] =	stream.indirect_vreg.gather [hbm4b:s1+s5], $0x80, v3, vm0, $0xb8;
	[tilespmem:$0x18900] =	vst v63  }
0x5f: {  	s18 =	simm.s32 $0x7100  }
0x60: {  	[tilespmem:s18], [sflag:$0x2] =	stream.indirect_vreg.gather [hbm4b:s9+s5], $0x80, v3, vm0, $0xb8;
	[tilespmem:$0x18900] =	vst v63  }
0x61: {  	s19 =	simm.s32 $0x7900  }
0x62: {  	[tilespmem:s19], [sflag:$0x2] =	stream.indirect_vreg.gather [hbm4b:s10+s5], $0x80, v3, vm0, $0xb8;
	[tilespmem:$0x18900] =	vst v63  }
0x63: {  	s21 =	simm.s32 $0x8100  }
0x64: {  	[tilespmem:s21], [sflag:$0x2] =	stream.indirect_vreg.gather [hbm4b:s11+s5], $0x80, v3, vm0, $0xb8;
	[tilespmem:$0x18900] =	vst v63  }
0x65: {  	v3 =	vld [tilespmem:s16+$0x310];
	_ =	sdelay $0x4  }
0x66: {  	v63 =	vshll.u32 v3, $0x3  }
0x67: {  	v3 =	vand.u32 $0x7, v3;
	v4 =	vand.u32 $0xFFFFFFC0, v63  }
0x68: {  	v3 =	vor.u32 v3, v4  }
0x69: {  	v4 =	vperm.xlane v3, v0;
	_ =	sdelay $0x1  }
0x6a: {  	v4 =	vadd.s32 v1, v4;
	_ =	sdelay $0x3  }
0x6b: {  	s22 =	simm.s32 $0xC900  }
0x6c: {  	[tilespmem:s22], [sflag:$0x4] =	stream.indirect_vreg.gather [hbm4b:s1+s5], $0x80, v4, vm0, $0xb8;
	[tilespmem:$0x18900] =	vst v63  }
0x6d: {  	s23 =	simm.s32 $0xD100;
	v3 =	vperm.xlane v3, v2  }
0x6e: {  	[tilespmem:s23], [sflag:$0x4] =	stream.indirect_vreg.gather [hbm4b:s9+s5], $0x80, v4, vm0, $0xb8;
	[tilespmem:$0x18900] =	vst v63  }
0x6f: {  	s24 =	simm.s32 $0xD900;
	v3 =	vadd.s32 v1, v3  }
0x70: {  	[tilespmem:s24], [sflag:$0x4] =	stream.indirect_vreg.gather [hbm4b:s10+s5], $0x80, v4, vm0, $0xb8;
	[tilespmem:$0x18900] =	vst v63  }
0x71: {  	_ = 	snop  }
0x72: {  	[tilespmem:s25], [sflag:$0x4] =	stream.indirect_vreg.gather [hbm4b:s11+s5], $0x80, v4, vm0, $0xb8;
	[tilespmem:$0x18900] =	vst v63  }
0x73: {  	_ = 	snop  }
0x74: {  	[tilespmem:s26], [sflag:$0x4] =	stream.indirect_vreg.gather [hbm4b:s1+s5], $0x80, v3, vm0, $0xb8;
	[tilespmem:$0x18900] =	vst v63  }
0x75: {  	_ = 	snop  }
0x76: {  	[tilespmem:s28], [sflag:$0x4] =	stream.indirect_vreg.gather [hbm4b:s9+s5], $0x80, v3, vm0, $0xb8;
	[tilespmem:$0x18900] =	vst v63  }
0x77: {  	_ = 	snop  }
0x78: {  	[tilespmem:s29], [sflag:$0x4] =	stream.indirect_vreg.gather [hbm4b:s10+s5], $0x80, v3, vm0, $0xb8;
	[tilespmem:$0x18900] =	vst v63  }
0x79: {  	_ = 	snop  }
0x7a: {  	[tilespmem:s30], [sflag:$0x4] =	stream.indirect_vreg.gather [hbm4b:s11+s5], $0x80, v3, vm0, $0xb8;
	[tilespmem:$0x18900] =	vst v63  }
0x7b: {  	_ =	swait.ge [sflag:s31], $0x4000  }
0x7c: {  	[sflag:s31] =	ssyncset.done $0x0  }
0x7d: {  	[sflag:s31] =	ssyncadd.s32 $0xFFFFC000  }
0x7e: {  	_ =	swait.ge [sflag:s2], $0x4000  }
0x7f: {  	p0 =	seq.s32 s14, $0x0;
	[sflag:s2] =	ssyncset.done $0x0  }
0x80: {  	s0 =	simm.s32 @!p0 $0x5;
	[sflag:s2] =	ssyncadd.s32 $0xFFFFC000  }
0x81: {  	s17 =	sshll.u32 s14, $0x1;
	s18 =	simm.s32 $0x0;
	_ =	swait.ge @!p0 [sflag:s0], $0x4000  }
0x82: {  	s19 =	simm.s32 $0xFFFFC000;
	s21 =	simm.s32 $0x0;
	[sflag:s0] =	ssyncset.done @!p0 $0x0  }
0x83: {  	s22 =	simm.s32 $0x0;
	[sflag:s0] =	ssyncadd.s32 @!p0 $0xFFFFC000;
	s0 =	smov.u32 s20  }
.LBB2_3:
0x84: {  	s23 =	sadd.s32 $0x4000, s19  }
0x85: {  	s24 =	sand.u32 $0x380, s22;
	s23 =	sand.u32 $0x2000, s23  }
0x86: {  	s23 =	sor.u32 s24, s23  }
0x87: {  	v6 =	vld [tilespmem:s23+$0x900]  }
0x88: {  	v8 =	vld [tilespmem:s23+$0x8900]  }
0x89: {  	v10 =	vld [tilespmem:s23+$0x910]  }
0x8a: {  	v11 =	vld [tilespmem:s23+$0x8910]  }
0x8b: {  	v16 =	vld [tilespmem:s23+$0x920]  }
0x8c: {  	v17 =	vld [tilespmem:s23+$0x8920]  }
0x8d: {  	v20 =	vld [tilespmem:s23+$0x930]  }
0x8e: {  	v23 =	vld [tilespmem:s23+$0x8930]  }
0x8f: {  	v26 =	vld [tilespmem:s23+$0x940]  }
0x90: {  	v27 =	vld [tilespmem:s23+$0x8940]  }
0x91: {  	v28 =	vld [tilespmem:s23+$0x950]  }
0x92: {  	v29 =	vld [tilespmem:s23+$0x8950]  }
0x93: {  	v30 =	vld [tilespmem:s23+$0x960]  }
0x94: {  	v31 =	vld [tilespmem:s23+$0x8960]  }
0x95: {  	v32 =	vld [tilespmem:s23+$0x970]  }
0x96: {  	v33 =	vld [tilespmem:s23+$0x8970]  }
0x97: {  	v34 =	vld [tilespmem:s23+$0xD00]  }
0x98: {  	v35 =	vld [tilespmem:s23+$0x8D00]  }
0x99: {  	v36 =	vld [tilespmem:s23+$0xD10]  }
0x9a: {  	v37 =	vld [tilespmem:s23+$0x8D10]  }
0x9b: {  	v38 =	vld [tilespmem:s23+$0xD20]  }
0x9c: {  	v39 =	vld [tilespmem:s23+$0x8D20]  }
0x9d: {  	v40 =	vld [tilespmem:s23+$0xD30]  }
0x9e: {  	v41 =	vld [tilespmem:s23+$0x8D30]  }
0x9f: {  	v42 =	vld [tilespmem:s23+$0xD40]  }
0xa0: {  	v43 =	vld [tilespmem:s23+$0x8D40]  }
0xa1: {  	v44 =	vld [tilespmem:s23+$0xD50]  }
0xa2: {  	v45 =	vld [tilespmem:s23+$0x8D50]  }
0xa3: {  	v46 =	vld [tilespmem:s23+$0xD60]  }
0xa4: {  	v47 =	vld [tilespmem:s23+$0x8D60]  }
0xa5: {  	v48 =	vld [tilespmem:s23+$0xD70]  }
0xa6: {  	v49 =	vld [tilespmem:s23+$0x8D70]  }
0xa7: {  	v50 =	vld [tilespmem:s23+$0x1100]  }
0xa8: {  	v51 =	vld [tilespmem:s23+$0x9100]  }
0xa9: {  	v52 =	vld [tilespmem:s23+$0x1110]  }
0xaa: {  	v53 =	vld [tilespmem:s23+$0x9110]  }
0xab: {  	v54 =	vld [tilespmem:s23+$0x1120]  }
0xac: {  	v55 =	vld [tilespmem:s23+$0x9120]  }
0xad: {  	v56 =	vld [tilespmem:s23+$0x1130]  }
0xae: {  	v57 =	vld [tilespmem:s23+$0x9130]  }
0xaf: {  	v58 =	vld [tilespmem:s23+$0x1140]  }
0xb0: {  	v59 =	vld [tilespmem:s23+$0x9140]  }
0xb1: {  	v60 =	vld [tilespmem:s23+$0x1150]  }
0xb2: {  	v61 =	vld [tilespmem:s23+$0x9150]  }
0xb3: {  	v62 =	vld [tilespmem:s23+$0x1160]  }
0xb4: {  	v63 =	vld [tilespmem:s23+$0x9160]  }
0xb5: {  	v5 =	vld [tilespmem:s23+$0x1170]  }
0xb6: {  	v2 =	vld [tilespmem:s23+$0x9170]  }
0xb7: {  	v24 =	vld [tilespmem:s23+$0x1500]  }
0xb8: {  	v25 =	vld [tilespmem:s23+$0x9500]  }
0xb9: {  	v3 =	vmov s0;
	v21 =	vld [tilespmem:s23+$0x1510]  }
0xba: {  	v22 =	vld [tilespmem:s23+$0x9510]  }
0xbb: {  	v18 =	vld [tilespmem:s23+$0x1520]  }
0xbc: {  	v19 =	vld [tilespmem:s23+$0x9520]  }
0xbd: {  	v0 =	vld [tilespmem:s23+$0x1560]  }
0xbe: {  	v3 =	vld.idx.msk [tilespmem:v3+s15+$0x0], $0xffff  }
0xbf: {  	v14 =	vld [tilespmem:s23+$0x1530]  }
0xc0: {  	v15 =	vld [tilespmem:s23+$0x9530]  }
0xc1: {  	v12 =	vld [tilespmem:s23+$0x1540]  }
0xc2: {  	v13 =	vld [tilespmem:s23+$0x9540]  }
0xc3: {  	v7 =	vld [tilespmem:s23+$0x1550];
	[tilespmem:$0x1FFC0] =	vst v0;
	v4 =	vsub.f32 $1.000000000e+00, v3;
	v0 =	vmul.f32 v8, v3  }
0xc4: {  	v9 =	vld [tilespmem:s23+$0x9550];
	v11 =	vmul.f32 v11, v3;
	v17 =	vmul.f32 v17, v3  }
0xc5: {  	v8 =	vld [tilespmem:s23+$0x9560];
	v23 =	vmul.f32 v23, v3;
	v1 =	vmul.f32 v4, v6  }
0xc6: {  	v27 =	vmul.f32 v27, v3;
	v10 =	vmul.f32 v10, v4;
	v6 =	vld [tilespmem:s23+$0x1570]  }
0xc7: {  	v2 =	vmul.f32 v2, v3;
	v16 =	vmul.f32 v16, v4;
	v1 =	vadd.f32 v0, v1;
	v0 =	vld [tilespmem:s23+$0x9570]  }
0xc8: {  	v25 =	vmul.f32 v25, v3;
	v20 =	vmul.f32 v20, v4;
	v10 =	vadd.f32 v11, v10;
	v11 =	vld [tilespmem:s23+$0x1900]  }
0xc9: {  	v5 =	vmul.f32 v5, v4;
	v24 =	vmul.f32 v24, v4;
	[tilespmem:s23+$0x10900] =	vst v1;
	v1 =	vadd.f32 v17, v16;
	v16 =	vld [tilespmem:s23+$0x9900]  }
0xca: {  	[tilespmem:s23+$0x10910] =	vst v10;
	v10 =	vadd.f32 v23, v20;
	v23 =	vmul.f32 v28, v4;
	v28 =	vmul.f32 v29, v3;
	v17 =	vld [tilespmem:s23+$0x1910]  }
0xcb: {  	v35 =	vmul.f32 v35, v3;
	v26 =	vmul.f32 v26, v4;
	v2 =	vadd.f32 v2, v5;
	v20 =	vld [tilespmem:s23+$0x9910]  }
0xcc: {  	v39 =	vmul.f32 v39, v3;
	v25 =	vadd.f32 v25, v24;
	[tilespmem:s23+$0x10930] =	vst v10;
	v10 =	vadd.f32 v28, v23;
	v23 =	vld [tilespmem:s23+$0x1920]  }
0xcd: {  	v29 =	vmul.f32 v33, v3;
	[tilespmem:s23+$0x10920] =	vst v1;
	v1 =	vadd.f32 v27, v26;
	v27 =	vmul.f32 v31, v3;
	v31 =	vld [tilespmem:s23+$0x1930]  }
0xce: {  	[tilespmem:s23+$0x11170] =	vst v2;
	v26 =	vmul.f32 v30, v4;
	v28 =	vmul.f32 v32, v4;
	v32 =	vld [tilespmem:s23+$0x9930]  }
0xcf: {  	v34 =	vmul.f32 v34, v4;
	[tilespmem:s23+$0x11500] =	vst v25;
	v30 =	vmul.f32 v14, v4;
	v14 =	vld [tilespmem:s23+$0x1D40]  }
0xd0: {  	v19 =	vmul.f32 v19, v3;
	v33 =	vadd.f32 v27, v26;
	v26 =	vld [tilespmem:s23+$0x9920];
	[tilespmem:s23+$0x10950] =	vst v10;
	v10 =	vadd.f32 v29, v28  }
0xd1: {  	[tilespmem:s23+$0x10940] =	vst v1;
	v28 =	vmul.f32 v36, v4;
	v36 =	vmul.f32 v37, v3;
	v37 =	vadd.f32 v35, v34;
	v34 =	vld [tilespmem:s23+$0x9940]  }
0xd2: {  	v38 =	vmul.f32 v38, v4;
	v40 =	vmul.f32 v40, v4;
	v35 =	vld [tilespmem:s23+$0x1950];
	[tilespmem:s23+$0x10960] =	vst v33  }
0xd3: {  	v52 =	vmul.f32 v52, v4;
	v27 =	vld [tilespmem:s23+$0x9D20];
	[tilespmem:s23+$0x10970] =	vst v10;
	v10 =	vadd.f32 v36, v28;
	v36 =	vmul.f32 v41, v3  }
0xd4: {  	v33 =	vld [tilespmem:s23+$0x1940];
	[tilespmem:s23+$0x10D00] =	vst v37;
	v37 =	vadd.f32 v39, v38;
	v38 =	vmul.f32 v42, v4;
	v39 =	vmul.f32 v43, v3  }
0xd5: {  	v41 =	vmul.f32 v45, v3;
	v28 =	vld [tilespmem:s23+$0x1D20];
	[tilespmem:s23+$0x10D10] =	vst v10;
	v10 =	vadd.f32 v36, v40;
	v40 =	vmul.f32 v44, v4  }
0xd6: {  	v43 =	vmul.f32 v46, v4;
	[tilespmem:s23+$0x10D20] =	vst v37;
	v42 =	vadd.f32 v39, v38;
	v44 =	vmul.f32 v47, v3;
	v36 =	vld [tilespmem:s23+$0x9950]  }
0xd7: {  	v46 =	vmul.f32 v48, v4;
	v47 =	vmul.f32 v49, v3;
	v37 =	vld [tilespmem:s23+$0x1960];
	[tilespmem:s23+$0x10D30] =	vst v10;
	v45 =	vadd.f32 v41, v40  }
0xd8: {  	v49 =	vmul.f32 v50, v4;
	v50 =	vmul.f32 v51, v3;
	v38 =	vld [tilespmem:s23+$0x9960];
	[tilespmem:s23+$0x10D40] =	vst v42;
	v48 =	vadd.f32 v44, v43  }
0xd9: {  	v18 =	vmul.f32 v18, v4;
	v39 =	vld [tilespmem:s23+$0x1970];
	v51 =	vadd.f32 v47, v46;
	v44 =	vmul.f32 v53, v3;
	[tilespmem:s23+$0x10D50] =	vst v45  }
0xda: {  	v46 =	vmul.f32 v54, v4;
	v47 =	vmul.f32 v55, v3;
	v40 =	vld [tilespmem:s23+$0x9970];
	[tilespmem:s23+$0x10D60] =	vst v48;
	v45 =	vadd.f32 v50, v49  }
0xdb: {  	v41 =	vld [tilespmem:s23+$0x1D00];
	v53 =	vmul.f32 v59, v3;
	v55 =	vmul.f32 v60, v4;
	[tilespmem:s23+$0x10D70] =	vst v51;
	v48 =	vadd.f32 v44, v52  }
0xdc: {  	v42 =	vld [tilespmem:s23+$0x9D00];
	v49 =	vmul.f32 v56, v4;
	v50 =	vmul.f32 v57, v3;
	v51 =	vadd.f32 v47, v46;
	[tilespmem:s23+$0x11100] =	vst v45  }
0xdd: {  	v43 =	vld [tilespmem:s23+$0x1D10];
	v59 =	vmul.f32 v63, v3;
	v52 =	vmul.f32 v58, v4;
	v46 =	vadd.f32 v19, v18;
	[tilespmem:s23+$0x11110] =	vst v48  }
0xde: {  	v63 =	vmul.f32 v22, v3;
	v22 =	vld [tilespmem:s23+$0x9D30];
	v56 =	vmul.f32 v61, v3;
	v54 =	vadd.f32 v50, v49;
	[tilespmem:s23+$0x11120] =	vst v51  }
0xdf: {  	v58 =	vmul.f32 v62, v4;
	v44 =	vld [tilespmem:s23+$0x9D10];
	v57 =	vadd.f32 v53, v52;
	[tilespmem:s23+$0x11520] =	vst v46  }
0xe0: {  	v62 =	vmul.f32 v21, v4;
	v21 =	vld [tilespmem:s23+$0x1D30];
	v60 =	vadd.f32 v56, v55;
	[tilespmem:s23+$0x11130] =	vst v54  }
0xe1: {  	v13 =	vmul.f32 v13, v3;
	v12 =	vmul.f32 v12, v4;
	v18 =	vld [tilespmem:s23+$0x2110];
	v61 =	vadd.f32 v59, v58;
	[tilespmem:s23+$0x11140] =	vst v57  }
0xe2: {  	v25 =	vmul.f32 v34, v3;
	v24 =	vmul.f32 v33, v4;
	v19 =	vld [tilespmem:s23+$0xA110];
	v29 =	vadd.f32 v63, v62;
	[tilespmem:s23+$0x11150] =	vst v60  }
0xe3: {  	v45 =	vmul.f32 v15, v3;
	v15 =	vld [tilespmem:s23+$0x9D40];
	v48 =	vmul.f32 v7, v4;
	v50 =	vadd.f32 v13, v12;
	[tilespmem:s23+$0x11160] =	vst v61  }
0xe4: {  	v49 =	vmul.f32 v9, v3;
	v9 =	vld [tilespmem:s23+$0x1D50];
	v63 =	vmul.f32 v31, v4;
	v31 =	vadd.f32 v25, v24;
	[tilespmem:s23+$0x11510] =	vst v29  }
0xe5: {  	v0 =	vmul.f32 v0, v3;
	v51 =	vld [tilespmem:$0x1FFC0];
	v53 =	vmul.f32 v6, v4;
	v47 =	vadd.f32 v45, v30;
	[tilespmem:s23+$0x11540] =	vst v50  }
0xe6: {  	v12 =	vld [tilespmem:s23+$0x9D50];
	v55 =	vmul.f32 v11, v4;
	v56 =	vmul.f32 v16, v3;
	v52 =	vadd.f32 v49, v48;
	[tilespmem:s23+$0x11940] =	vst v31  }
0xe7: {  	v6 =	vld [tilespmem:s23+$0x1D60];
	v58 =	vmul.f32 v20, v3;
	v20 =	vmul.f32 v32, v3;
	v0 =	vadd.f32 v0, v53;
	[tilespmem:s23+$0x11530] =	vst v47  }
0xe8: {  	v33 =	vmul.f32 v38, v3;
	v11 =	vld [tilespmem:s23+$0x1D70];
	v32 =	vmul.f32 v37, v4;
	v59 =	vadd.f32 v56, v55;
	[tilespmem:s23+$0x11550] =	vst v52  }
0xe9: {  	v13 =	vld [tilespmem:s23+$0x9D70];
	v57 =	vmul.f32 v17, v4;
	v61 =	vmul.f32 v26, v3;
	v26 =	vadd.f32 v20, v63;
	[tilespmem:s23+$0x11570] =	vst v0  }
0xea: {  	v8 =	vmul.f32 v8, v3;
	v16 =	vld [tilespmem:s23+$0x2100];
	v60 =	vmul.f32 v23, v4;
	v37 =	vadd.f32 v33, v32;
	[tilespmem:s23+$0x11900] =	vst v59  }
0xeb: {  	v17 =	vld [tilespmem:s23+$0xA100];
	v29 =	vmul.f32 v35, v4;
	v30 =	vmul.f32 v36, v3;
	v62 =	vadd.f32 v58, v57;
	[tilespmem:s23+$0x11930] =	vst v26  }
0xec: {  	v35 =	vmul.f32 v39, v4;
	v36 =	vmul.f32 v40, v3;
	v20 =	vld [tilespmem:s23+$0x2120];
	v23 =	vadd.f32 v61, v60;
	[tilespmem:s23+$0x11960] =	vst v37  }
0xed: {  	v38 =	vmul.f32 v41, v4;
	v39 =	vmul.f32 v42, v3;
	v40 =	vld [tilespmem:s23+$0xA120];
	v34 =	vadd.f32 v30, v29;
	[tilespmem:s23+$0x11910] =	vst v62  }
0xee: {  	v42 =	vmul.f32 v43, v4;
	v48 =	vld [tilespmem:s23+$0xA130];
	v43 =	vmul.f32 v44, v3;
	v41 =	vadd.f32 v36, v35;
	[tilespmem:s23+$0x11920] =	vst v23  }
0xef: {  	v46 =	vmul.f32 v28, v4;
	v56 =	vld [tilespmem:s23+$0xA140];
	v45 =	vadd.f32 v39, v38;
	v47 =	vmul.f32 v27, v3;
	[tilespmem:s23+$0x11950] =	vst v34  }
0xf0: {  	v63 =	vld [tilespmem:s23+$0xA150];
	v50 =	vmul.f32 v21, v4;
	v10 =	vmul.f32 v51, v4;
	v49 =	vadd.f32 v43, v42;
	[tilespmem:s23+$0x11970] =	vst v41  }
0xf1: {  	v31 =	vld [tilespmem:s23+$0xA160];
	v33 =	vmul.f32 v18, v4;
	v51 =	vmul.f32 v22, v3;
	[tilespmem:s23+$0x11D00] =	vst v45;
	v53 =	vadd.f32 v47, v46  }
0xf2: {  	v44 =	vld [tilespmem:s23+$0x2130];
	v58 =	vmul.f32 v9, v4;
	v59 =	vmul.f32 v12, v3;
	v54 =	vadd.f32 v8, v10;
	[tilespmem:s23+$0x11D10] =	vst v49  }
0xf3: {  	v52 =	vld [tilespmem:s23+$0x2140];
	v22 =	vmul.f32 v11, v4;
	v26 =	vmul.f32 v13, v3;
	v57 =	vadd.f32 v51, v50;
	[tilespmem:s23+$0x11D20] =	vst v53  }
0xf4: {  	v60 =	vld [tilespmem:s23+$0x2150];
	v55 =	vmul.f32 v15, v3;
	v34 =	vmul.f32 v19, v3;
	v15 =	vadd.f32 v59, v58;
	[tilespmem:s23+$0x11560] =	vst v54  }
0xf5: {  	v27 =	vld [tilespmem:s23+$0x2160];
	v29 =	vmul.f32 v16, v4;
	v30 =	vmul.f32 v17, v3;
	v32 =	vadd.f32 v26, v22;
	[tilespmem:s23+$0x11D30] =	vst v57  }
0xf6: {  	v35 =	vld [tilespmem:s23+$0x2170];
	v37 =	vmul.f32 v20, v4;
	v38 =	vmul.f32 v40, v3;
	v40 =	vadd.f32 v34, v33;
	[tilespmem:s23+$0x11D50] =	vst v15  }
0xf7: {  	v39 =	vld [tilespmem:s23+$0xA170];
	v42 =	vmul.f32 v48, v3;
	v41 =	vmul.f32 v44, v4;
	v36 =	vadd.f32 v30, v29;
	[tilespmem:s23+$0x11D70] =	vst v32  }
0xf8: {  	v10 =	vld [tilespmem:s23+$0x9D60];
	v54 =	vmul.f32 v14, v4;
	v43 =	vadd.f32 v38, v37;
	[tilespmem:s23+$0x12110] =	vst v40  }
0xf9: {  	v45 =	vmul.f32 v56, v3;
	v44 =	vmul.f32 v52, v4;
	v46 =	vadd.f32 v42, v41;
	[tilespmem:s23+$0x12100] =	vst v36  }
0xfa: {  	v48 =	vmul.f32 v63, v3;
	v47 =	vmul.f32 v60, v4;
	v61 =	vadd.f32 v55, v54;
	[tilespmem:s23+$0x12120] =	vst v43  }
0xfb: {  	v51 =	vmul.f32 v31, v3;
	v50 =	vmul.f32 v27, v4;
	v49 =	vadd.f32 v45, v44;
	[tilespmem:s23+$0x12130] =	vst v46  }
0xfc: {  	v53 =	vmul.f32 v35, v4;
	v52 =	vadd.f32 v48, v47;
	v54 =	vmul.f32 v39, v3;
	[tilespmem:s23+$0x11D40] =	vst v61  }
0xfd: {  	v6 =	vmul.f32 v6, v4;
	v55 =	vadd.f32 v51, v50;
	v62 =	vmul.f32 v10, v3;
	[tilespmem:s23+$0x12140] =	vst v49  }
0xfe: {  	s24 =	sand.u32 $0x7, s18;
	[tilespmem:s23+$0x12150] =	vst v52;
	v56 =	vadd.f32 v54, v53  }
0xff: {  	s24 =	sshll.u32 s24, $0x7;
	[tilespmem:s23+$0x12160] =	vst v55;
	v28 =	vadd.f32 v62, v6  }
0x100: {  	s24 =	sadd.s32 s24, s21;
	[tilespmem:s23+$0x12170] =	vst v56  }
0x101: {  	[tilespmem:s23+$0x11D60] =	vst v28;
	s23 =	sor.u32 $0x1C00, s24  }
0x102: {  	v0 =	vld [tilespmem:s23+$0x900]  }
0x103: {  	v1 =	vld [tilespmem:s23+$0x8900];
	_ =	sdelay $0x4  }
0x104: {  	v0 =	vmul.f32 v0, v4;
	v1 =	vmul.f32 v1, v3;
	_ =	sdelay $0x1  }
0x105: {  	v0 =	vadd.f32 v1, v0;
	_ =	sdelay $0x1  }
0x106: {  	[tilespmem:s23+$0x10900] =	vst v0;
	s23 =	sor.u32 $0x1C10, s24  }
0x107: {  	v0 =	vld [tilespmem:s23+$0x900]  }
0x108: {  	v57 =	vld [tilespmem:s23+$0x8900];
	_ =	sdelay $0x4  }
0x109: {  	v0 =	vmul.f32 v0, v4;
	v1 =	vmul.f32 v57, v3;
	_ =	sdelay $0x1  }
0x10a: {  	v0 =	vadd.f32 v1, v0;
	_ =	sdelay $0x1  }
0x10b: {  	[tilespmem:s23+$0x10900] =	vst v0;
	s23 =	sor.u32 $0x1C20, s24  }
0x10c: {  	v0 =	vld [tilespmem:s23+$0x900]  }
0x10d: {  	v58 =	vld [tilespmem:s23+$0x8900];
	_ =	sdelay $0x4  }
0x10e: {  	v0 =	vmul.f32 v0, v4;
	v1 =	vmul.f32 v58, v3;
	_ =	sdelay $0x1  }
0x10f: {  	v0 =	vadd.f32 v1, v0;
	_ =	sdelay $0x1  }
0x110: {  	[tilespmem:s23+$0x10900] =	vst v0;
	s23 =	sor.u32 $0x1C30, s24  }
0x111: {  	v0 =	vld [tilespmem:s23+$0x900]  }
0x112: {  	v59 =	vld [tilespmem:s23+$0x8900];
	_ =	sdelay $0x4  }
0x113: {  	v0 =	vmul.f32 v0, v4;
	v1 =	vmul.f32 v59, v3;
	_ =	sdelay $0x1  }
0x114: {  	v0 =	vadd.f32 v1, v0;
	_ =	sdelay $0x1  }
0x115: {  	[tilespmem:s23+$0x10900] =	vst v0;
	s23 =	sor.u32 $0x1C40, s24  }
0x116: {  	v0 =	vld [tilespmem:s23+$0x900]  }
0x117: {  	v60 =	vld [tilespmem:s23+$0x8900];
	_ =	sdelay $0x4  }
0x118: {  	v0 =	vmul.f32 v0, v4;
	v1 =	vmul.f32 v60, v3;
	_ =	sdelay $0x1  }
0x119: {  	v0 =	vadd.f32 v1, v0;
	_ =	sdelay $0x1  }
0x11a: {  	[tilespmem:s23+$0x10900] =	vst v0;
	s23 =	sor.u32 $0x1C50, s24  }
0x11b: {  	v0 =	vld [tilespmem:s23+$0x900]  }
0x11c: {  	v61 =	vld [tilespmem:s23+$0x8900];
	_ =	sdelay $0x4  }
0x11d: {  	v0 =	vmul.f32 v0, v4;
	v1 =	vmul.f32 v61, v3;
	_ =	sdelay $0x1  }
0x11e: {  	v0 =	vadd.f32 v1, v0;
	_ =	sdelay $0x1  }
0x11f: {  	[tilespmem:s23+$0x10900] =	vst v0;
	s23 =	sor.u32 $0x1C60, s24  }
0x120: {  	v0 =	vld [tilespmem:s23+$0x900]  }
0x121: {  	v62 =	vld [tilespmem:s23+$0x8900];
	_ =	sdelay $0x4  }
0x122: {  	v0 =	vmul.f32 v0, v4;
	v1 =	vmul.f32 v62, v3;
	_ =	sdelay $0x1  }
0x123: {  	v0 =	vadd.f32 v1, v0;
	_ =	sdelay $0x1  }
0x124: {  	s24 =	sor.u32 $0x1C70, s24;
	[tilespmem:s23+$0x10900] =	vst v0  }
0x125: {  	v0 =	vld [tilespmem:s24+$0x900]  }
0x126: {  	v63 =	vld [tilespmem:s24+$0x8900];
	_ =	sdelay $0x3  }
0x127: {  	p1 =	sne.s32 s22, $0x780  }
.Ltmp0:
0x128: {  	v0 =	vmul.f32 v0, v4;
	v1 =	vmul.f32 v63, v3;
	(pc) =	sbr.rel @p1 .LBB2_3-.Ltmp0, $4  }
0x129: {  	_ = 	snop  }
0x12a: {  	v0 =	vadd.f32 v1, v0  }
0x12b: {  	s19 =	sadd.s32 $0x400, s19;
	s0 =	sadd.s32 $0x1, s0  }
0x12c: {  	s22 =	sadd.s32 $0x80, s22;
	s18 =	sadd.s32 $0x1, s18;
	s21 =	sadd.s32 $0x400, s21;
	[tilespmem:s24+$0x10900] =	vst v0  }
0x12d: {  	s0 =	sadd.s32 s4, s16  }
0x12e: {  	s24 =	sor.u32 $0x1, s17;
	s0 =	sshll.u32 s0, $0x7  }
0x12f: {  	p1 =	sgt.u32 s24, $0x2E;
	s0 =	sadd.s32 s3, s0  }
0x130: {  	[hbm4b:s0+s5] =	stream.linear.scatter [tilespmem:s6], [sflag:$0x5], $0x4000, $0x38;
	[tilespmem:$0x18900] =	vst v63  }
0x131: {  	v0 =	vld @!p1 [tilespmem:s16+$0x20];
	_ =	sdelay $0x4  }
0x132: {  	v1 =	vshll.u32 @!p1 v0, $0x3  }
0x133: {  	v2 =	vlaneseq.u32 @!p1;
	v0 =	vand.u32 @!p1 $0x7, v0;
	v1 =	vand.u32 @!p1 $0xFFFFFFC0, v1  }
0x134: {  	v3 =	vshrl.u32 @!p1 v2, $0x3;
	v0 =	vor.u32 @!p1 v0, v1;
	v1 =	vand.u32 @!p1 $0x7, v2  }
0x135: {  	v3 =	vmul.u32 @!p1 $0x8, v3;
	v4 =	vperm.xlane @!p1 v0, v1;
	_ =	sdelay $0x1  }
0x136: {  	v4 =	vadd.s32 @!p1 v3, v4;
	_ =	sdelay $0x3  }
0x137: {  	vm1 =	vmmov @!p1 $0xffff;
	s17 =	simm.s32 @!p1 $0x0;
	s18 =	simm.s32 @!p1 $0x900  }
0x138: {  	v2 =	vor.u32 @!p1 $0x8, v2;
	[tilespmem:s18], [sflag:$0x1] =	stream.indirect_vreg.gather @!p1 [hbm4b:s1+s17], $0x80, v4, vm1, $0xb8;
	[tilespmem:$0x18900] =	vst v63  }
0x139: {  	v0 =	vperm.xlane @!p1 v0, v2;
	s18 =	simm.s32 @!p1 $0x1100  }
0x13a: {  	[tilespmem:s18], [sflag:$0x1] =	stream.indirect_vreg.gather @!p1 [hbm4b:s9+s17], $0x80, v4, vm1, $0xb8;
	[tilespmem:$0x18900] =	vst v63  }
0x13b: {  	v0 =	vadd.s32 @!p1 v3, v0;
	s18 =	simm.s32 @!p1 $0x1900  }
0x13c: {  	[tilespmem:s18], [sflag:$0x1] =	stream.indirect_vreg.gather @!p1 [hbm4b:s10+s17], $0x80, v4, vm1, $0xb8;
	[tilespmem:$0x18900] =	vst v63  }
0x13d: {  	s18 =	simm.s32 @!p1 $0x2100  }
0x13e: {  	[tilespmem:s18], [sflag:$0x1] =	stream.indirect_vreg.gather @!p1 [hbm4b:s11+s17], $0x80, v4, vm1, $0xb8;
	[tilespmem:$0x18900] =	vst v63  }
0x13f: {  	s18 =	simm.s32 @!p1 $0x2900  }
0x140: {  	[tilespmem:s18], [sflag:$0x1] =	stream.indirect_vreg.gather @!p1 [hbm4b:s1+s17], $0x80, v0, vm1, $0xb8;
	[tilespmem:$0x18900] =	vst v63  }
0x141: {  	s18 =	simm.s32 @!p1 $0x3100  }
0x142: {  	[tilespmem:s18], [sflag:$0x1] =	stream.indirect_vreg.gather @!p1 [hbm4b:s9+s17], $0x80, v0, vm1, $0xb8;
	[tilespmem:$0x18900] =	vst v63  }
0x143: {  	s18 =	simm.s32 @!p1 $0x3900  }
0x144: {  	[tilespmem:s18], [sflag:$0x1] =	stream.indirect_vreg.gather @!p1 [hbm4b:s10+s17], $0x80, v0, vm1, $0xb8;
	[tilespmem:$0x18900] =	vst v63  }
0x145: {  	s18 =	simm.s32 @!p1 $0x4100  }
0x146: {  	[tilespmem:s18], [sflag:$0x1] =	stream.indirect_vreg.gather @!p1 [hbm4b:s11+s17], $0x80, v0, vm1, $0xb8;
	[tilespmem:$0x18900] =	vst v63  }
0x147: {  	v0 =	vld @!p1 [tilespmem:s16+$0x320];
	_ =	sdelay $0x4  }
0x148: {  	v4 =	vshll.u32 @!p1 v0, $0x3  }
0x149: {  	v0 =	vand.u32 @!p1 $0x7, v0;
	v4 =	vand.u32 @!p1 $0xFFFFFFC0, v4  }
0x14a: {  	v0 =	vor.u32 @!p1 v0, v4  }
0x14b: {  	v1 =	vperm.xlane @!p1 v0, v1;
	_ =	sdelay $0x1  }
0x14c: {  	v1 =	vadd.s32 @!p1 v3, v1;
	_ =	sdelay $0x3  }
0x14d: {  	s16 =	simm.s32 @!p1 $0x8900  }
0x14e: {  	[tilespmem:s16], [sflag:$0x3] =	stream.indirect_vreg.gather @!p1 [hbm4b:s1+s17], $0x80, v1, vm1, $0xb8;
	[tilespmem:$0x18900] =	vst v63  }
0x14f: {  	v0 =	vperm.xlane @!p1 v0, v2;
	s16 =	simm.s32 @!p1 $0x9100  }
0x150: {  	[tilespmem:s16], [sflag:$0x3] =	stream.indirect_vreg.gather @!p1 [hbm4b:s9+s17], $0x80, v1, vm1, $0xb8;
	[tilespmem:$0x18900] =	vst v63  }
0x151: {  	v0 =	vadd.s32 @!p1 v3, v0;
	s16 =	simm.s32 @!p1 $0x9900  }
0x152: {  	[tilespmem:s16], [sflag:$0x3] =	stream.indirect_vreg.gather @!p1 [hbm4b:s10+s17], $0x80, v1, vm1, $0xb8;
	[tilespmem:$0x18900] =	vst v63  }
0x153: {  	s16 =	simm.s32 @!p1 $0xA100  }
0x154: {  	[tilespmem:s16], [sflag:$0x3] =	stream.indirect_vreg.gather @!p1 [hbm4b:s11+s17], $0x80, v1, vm1, $0xb8;
	[tilespmem:$0x18900] =	vst v63  }
0x155: {  	s16 =	simm.s32 @!p1 $0xA900  }
0x156: {  	[tilespmem:s16], [sflag:$0x3] =	stream.indirect_vreg.gather @!p1 [hbm4b:s1+s17], $0x80, v0, vm1, $0xb8;
	[tilespmem:$0x18900] =	vst v63  }
0x157: {  	s16 =	simm.s32 @!p1 $0xB100  }
0x158: {  	[tilespmem:s16], [sflag:$0x3] =	stream.indirect_vreg.gather @!p1 [hbm4b:s9+s17], $0x80, v0, vm1, $0xb8;
	[tilespmem:$0x18900] =	vst v63  }
0x159: {  	s16 =	simm.s32 @!p1 $0xB900  }
0x15a: {  	[tilespmem:s16], [sflag:$0x3] =	stream.indirect_vreg.gather @!p1 [hbm4b:s10+s17], $0x80, v0, vm1, $0xb8;
	[tilespmem:$0x18900] =	vst v63  }
0x15b: {  	s16 =	simm.s32 @!p1 $0xC100  }
0x15c: {  	[tilespmem:s16], [sflag:$0x3] =	stream.indirect_vreg.gather @!p1 [hbm4b:s11+s17], $0x80, v0, vm1, $0xb8;
	[tilespmem:$0x18900] =	vst v63  }
0x15d: {  	_ =	swait.ge [sflag:s7], $0x4000  }
0x15e: {  	[sflag:s7] =	ssyncset.done $0x0  }
0x15f: {  	[sflag:s7] =	ssyncadd.s32 $0xFFFFC000  }
0x160: {  	_ =	swait.ge [sflag:s8], $0x4000  }
0x161: {  	[sflag:s8] =	ssyncset.done $0x0  }
0x162: {  	s17 =	simm.s32 @!p0 $0x6;
	[sflag:s8] =	ssyncadd.s32 $0xFFFFC000  }
0x163: {  	s19 =	simm.s32 $0x0;
	s21 =	simm.s32 $0x0;
	_ =	swait.ge @!p0 [sflag:s17], $0x4000  }
0x164: {  	s0 =	smov.u32 s13;
	s18 =	simm.s32 $0xFFFFC000;
	[sflag:s17] =	ssyncset.done @!p0 $0x0  }
0x165: {  	s16 =	sshll.u32 s24, $0x4;
	[sflag:s17] =	ssyncadd.s32 @!p0 $0xFFFFC000;
	s17 =	simm.s32 $0x0  }
.LBB2_5:
0x166: {  	s22 =	sadd.s32 $0x4000, s18  }
0x167: {  	s23 =	sand.u32 $0x380, s21;
	s22 =	sand.u32 $0x2000, s22  }
0x168: {  	s22 =	sor.u32 s23, s22  }
0x169: {  	v1 =	vld [tilespmem:s22+$0xC900]  }
0x16a: {  	v2 =	vld [tilespmem:s22+$0x4910]  }
0x16b: {  	v6 =	vld [tilespmem:s22+$0xC910]  }
0x16c: {  	v10 =	vld [tilespmem:s22+$0x4920]  }
0x16d: {  	v11 =	vld [tilespmem:s22+$0xC920]  }
0x16e: {  	v16 =	vld [tilespmem:s22+$0x4930]  }
0x16f: {  	v17 =	vld [tilespmem:s22+$0xC930]  }
0x170: {  	v20 =	vld [tilespmem:s22+$0x4940]  }
0x171: {  	v23 =	vld [tilespmem:s22+$0xC940]  }
0x172: {  	v26 =	vld [tilespmem:s22+$0x4950]  }
0x173: {  	v27 =	vld [tilespmem:s22+$0xC950]  }
0x174: {  	v28 =	vld [tilespmem:s22+$0x4960]  }
0x175: {  	v29 =	vld [tilespmem:s22+$0xC960]  }
0x176: {  	v30 =	vld [tilespmem:s22+$0x4970]  }
0x177: {  	v31 =	vld [tilespmem:s22+$0xC970]  }
0x178: {  	v32 =	vld [tilespmem:s22+$0x4D00]  }
0x179: {  	v33 =	vld [tilespmem:s22+$0xCD00]  }
0x17a: {  	v34 =	vld [tilespmem:s22+$0x4D10]  }
0x17b: {  	v35 =	vld [tilespmem:s22+$0xCD10]  }
0x17c: {  	v36 =	vld [tilespmem:s22+$0x4D20]  }
0x17d: {  	v37 =	vld [tilespmem:s22+$0xCD20]  }
0x17e: {  	v38 =	vld [tilespmem:s22+$0x4D30]  }
0x17f: {  	v39 =	vld [tilespmem:s22+$0xCD30]  }
0x180: {  	v40 =	vld [tilespmem:s22+$0x4D40]  }
0x181: {  	v41 =	vld [tilespmem:s22+$0xCD40]  }
0x182: {  	v42 =	vld [tilespmem:s22+$0x4D50]  }
0x183: {  	v43 =	vld [tilespmem:s22+$0xCD50]  }
0x184: {  	v44 =	vld [tilespmem:s22+$0x4D60]  }
0x185: {  	v45 =	vld [tilespmem:s22+$0xCD60]  }
0x186: {  	v46 =	vld [tilespmem:s22+$0x4D70]  }
0x187: {  	v47 =	vld [tilespmem:s22+$0xCD70]  }
0x188: {  	v48 =	vld [tilespmem:s22+$0x5100]  }
0x189: {  	v49 =	vld [tilespmem:s22+$0xD100]  }
0x18a: {  	v50 =	vld [tilespmem:s22+$0x5110]  }
0x18b: {  	v51 =	vld [tilespmem:s22+$0xD110]  }
0x18c: {  	v52 =	vld [tilespmem:s22+$0x5120]  }
0x18d: {  	v53 =	vld [tilespmem:s22+$0xD120]  }
0x18e: {  	v54 =	vld [tilespmem:s22+$0x5130]  }
0x18f: {  	v55 =	vld [tilespmem:s22+$0xD130]  }
0x190: {  	v56 =	vld [tilespmem:s22+$0x5140]  }
0x191: {  	v57 =	vld [tilespmem:s22+$0xD140]  }
0x192: {  	v58 =	vld [tilespmem:s22+$0x5150]  }
0x193: {  	v59 =	vld [tilespmem:s22+$0xD150]  }
0x194: {  	v60 =	vld [tilespmem:s22+$0x5160]  }
0x195: {  	v61 =	vld [tilespmem:s22+$0xD160]  }
0x196: {  	v62 =	vld [tilespmem:s22+$0x5170]  }
0x197: {  	v63 =	vld [tilespmem:s22+$0xD170]  }
0x198: {  	v24 =	vld [tilespmem:s22+$0x5500]  }
0x199: {  	v25 =	vld [tilespmem:s22+$0xD500]  }
0x19a: {  	v0 =	vmov s0;
	v21 =	vld [tilespmem:s22+$0x5510]  }
0x19b: {  	v22 =	vld [tilespmem:s22+$0xD510]  }
0x19c: {  	v18 =	vld [tilespmem:s22+$0x5520]  }
0x19d: {  	v19 =	vld [tilespmem:s22+$0xD520]  }
0x19e: {  	v14 =	vld [tilespmem:s22+$0x5530]  }
0x19f: {  	v3 =	vld.idx.msk [tilespmem:v0+s15+$0x0], $0xffff  }
0x1a0: {  	v15 =	vld [tilespmem:s22+$0xD530]  }
0x1a1: {  	v0 =	vld [tilespmem:s22+$0x4900]  }
0x1a2: {  	v5 =	vld [tilespmem:s22+$0x5560]  }
0x1a3: {  	v12 =	vld [tilespmem:s22+$0x5540]  }
0x1a4: {  	v13 =	vld [tilespmem:s22+$0xD540];
	v4 =	vsub.f32 $1.000000000e+00, v3  }
0x1a5: {  	v7 =	vld [tilespmem:s22+$0x5550];
	v1 =	vmul.f32 v1, v3;
	v11 =	vmul.f32 v11, v3  }
0x1a6: {  	v9 =	vld [tilespmem:s22+$0xD550];
	v17 =	vmul.f32 v17, v3;
	v0 =	vmul.f32 v4, v0  }
0x1a7: {  	v8 =	vld [tilespmem:s22+$0xD560];
	[tilespmem:$0x1FFA0] =	vst v5;
	v5 =	vmul.f32 v2, v4;
	v2 =	vmul.f32 v6, v3  }
0x1a8: {  	v27 =	vmul.f32 v27, v3;
	v6 =	vld [tilespmem:s22+$0x5570];
	v0 =	vadd.f32 v1, v0;
	v1 =	vmul.f32 v10, v4  }
0x1a9: {  	v31 =	vmul.f32 v31, v3;
	v10 =	vld [tilespmem:s22+$0xD570];
	v5 =	vadd.f32 v2, v5;
	v2 =	vmul.f32 v16, v4  }
0x1aa: {  	v16 =	vld [tilespmem:s22+$0xD900];
	[tilespmem:s22+$0x14900] =	vst v0;
	v0 =	vadd.f32 v11, v1;
	v1 =	vmul.f32 v20, v4;
	v11 =	vmul.f32 v23, v3  }
0x1ab: {  	v33 =	vmul.f32 v33, v3;
	v26 =	vmul.f32 v26, v4;
	[tilespmem:s22+$0x14910] =	vst v5;
	v2 =	vadd.f32 v17, v2;
	v17 =	vld [tilespmem:s22+$0x5910]  }
0x1ac: {  	v20 =	vld [tilespmem:s22+$0xD910];
	[tilespmem:s22+$0x14920] =	vst v0;
	v0 =	vadd.f32 v11, v1;
	v1 =	vmul.f32 v28, v4;
	v11 =	vmul.f32 v29, v3  }
0x1ad: {  	v30 =	vmul.f32 v30, v4;
	v42 =	vmul.f32 v42, v4;
	v23 =	vld [tilespmem:s22+$0x5920];
	[tilespmem:$0x1FFB0] =	vst v6  }
0x1ae: {  	v5 =	vmul.f32 v34, v4;
	v6 =	vld [tilespmem:s22+$0x5900];
	[tilespmem:s22+$0x14940] =	vst v0;
	v0 =	vadd.f32 v11, v1;
	v1 =	vmul.f32 v32, v4  }
0x1af: {  	v34 =	vmul.f32 v37, v3;
	v37 =	vmul.f32 v39, v3;
	[tilespmem:s22+$0x14930] =	vst v2;
	v2 =	vadd.f32 v27, v26;
	v26 =	vld [tilespmem:s22+$0xD920]  }
0x1b0: {  	v28 =	vld [tilespmem:s22+$0x5930];
	[tilespmem:s22+$0x14960] =	vst v0;
	v0 =	vadd.f32 v33, v1;
	v33 =	vmul.f32 v36, v4;
	v36 =	vmul.f32 v38, v4  }
0x1b1: {  	v39 =	vmul.f32 v40, v4;
	v40 =	vmul.f32 v41, v3;
	v29 =	vld [tilespmem:s22+$0xD930];
	[tilespmem:s22+$0x14950] =	vst v2;
	v2 =	vadd.f32 v31, v30  }
0x1b2: {  	v32 =	vmul.f32 v35, v3;
	v30 =	vld [tilespmem:s22+$0x5940];
	v38 =	vadd.f32 v34, v33;
	v41 =	vadd.f32 v37, v36  }
0x1b3: {  	v31 =	vld [tilespmem:s22+$0xD940];
	v36 =	vmul.f32 v43, v3;
	v37 =	vadd.f32 v40, v39;
	v39 =	vmul.f32 v45, v3  }
0x1b4: {  	v11 =	vld [tilespmem:s22+$0xDD50];
	v35 =	vadd.f32 v32, v5;
	v45 =	vmul.f32 v49, v3;
	[tilespmem:s22+$0x14D20] =	vst v38;
	v38 =	vmul.f32 v44, v4  }
0x1b5: {  	v32 =	vld [tilespmem:s22+$0x5950];
	[tilespmem:s22+$0x14D30] =	vst v41;
	v40 =	vadd.f32 v36, v42;
	v41 =	vmul.f32 v46, v4;
	v42 =	vmul.f32 v47, v3  }
0x1b6: {  	[tilespmem:s22+$0x14970] =	vst v2;
	v33 =	vld [tilespmem:s22+$0xD950];
	v44 =	vmul.f32 v48, v4;
	v47 =	vmul.f32 v50, v4  }
0x1b7: {  	[tilespmem:s22+$0x14D00] =	vst v0;
	v34 =	vld [tilespmem:s22+$0x5960];
	v48 =	vmul.f32 v51, v3;
	v50 =	vmul.f32 v52, v4  }
0x1b8: {  	[tilespmem:s22+$0x14D10] =	vst v35;
	v35 =	vld [tilespmem:s22+$0xD960];
	v51 =	vmul.f32 v53, v3;
	v53 =	vmul.f32 v54, v4  }
0x1b9: {  	[tilespmem:s22+$0x14D40] =	vst v37;
	v36 =	vld [tilespmem:s22+$0x5970];
	v54 =	vmul.f32 v55, v3;
	v43 =	vadd.f32 v39, v38;
	v46 =	vadd.f32 v42, v41  }
0x1ba: {  	v37 =	vld [tilespmem:s22+$0xD970];
	[tilespmem:s22+$0x14D50] =	vst v40;
	v49 =	vadd.f32 v45, v44;
	v44 =	vmul.f32 v56, v4;
	v45 =	vmul.f32 v57, v3  }
0x1bb: {  	v52 =	vadd.f32 v48, v47;
	v38 =	vld [tilespmem:s22+$0x5D00];
	v47 =	vmul.f32 v58, v4;
	v48 =	vmul.f32 v59, v3;
	[tilespmem:s22+$0x14D60] =	vst v43  }
0x1bc: {  	v55 =	vadd.f32 v51, v50;
	v39 =	vld [tilespmem:s22+$0xDD00];
	v50 =	vmul.f32 v60, v4;
	v51 =	vmul.f32 v61, v3;
	[tilespmem:s22+$0x14D70] =	vst v46  }
0x1bd: {  	v40 =	vld [tilespmem:s22+$0x5D10];
	v56 =	vmul.f32 v24, v4;
	v57 =	vmul.f32 v25, v3;
	[tilespmem:s22+$0x15100] =	vst v49  }
0x1be: {  	v41 =	vld [tilespmem:s22+$0xDD10];
	v59 =	vmul.f32 v21, v4;
	v60 =	vmul.f32 v22, v3;
	[tilespmem:s22+$0x15110] =	vst v52;
	v46 =	vadd.f32 v54, v53  }
0x1bf: {  	v42 =	vld [tilespmem:s22+$0x5D20];
	v21 =	vmul.f32 v14, v4;
	v25 =	vmul.f32 v15, v3;
	[tilespmem:s22+$0x15120] =	vst v55;
	v49 =	vadd.f32 v45, v44  }
0x1c0: {  	v24 =	vld [tilespmem:s22+$0xDD20];
	v52 =	vadd.f32 v48, v47;
	v53 =	vmul.f32 v62, v4;
	v54 =	vmul.f32 v63, v3;
	[tilespmem:s22+$0x15130] =	vst v46  }
0x1c1: {  	v22 =	vld [tilespmem:s22+$0x5D30];
	v55 =	vadd.f32 v51, v50;
	v62 =	vmul.f32 v18, v4;
	v63 =	vmul.f32 v19, v3;
	[tilespmem:s22+$0x15140] =	vst v49  }
0x1c2: {  	v15 =	vld [tilespmem:s22+$0x5D40];
	v61 =	vadd.f32 v57, v56;
	v43 =	vmul.f32 v12, v4;
	v44 =	vmul.f32 v13, v3;
	[tilespmem:s22+$0x15150] =	vst v52  }
0x1c3: {  	v14 =	vld [tilespmem:s22+$0xDD70];
	v19 =	vadd.f32 v60, v59;
	v47 =	vmul.f32 v9, v3;
	v57 =	vmul.f32 v17, v4;
	[tilespmem:s22+$0x15160] =	vst v55  }
0x1c4: {  	v18 =	vld [tilespmem:s22+$0xDD30];
	v45 =	vadd.f32 v25, v21;
	v60 =	vmul.f32 v23, v4;
	v23 =	vmul.f32 v30, v4;
	[tilespmem:s22+$0x15500] =	vst v61  }
0x1c5: {  	v12 =	vld [tilespmem:s22+$0xDD40];
	v25 =	vmul.f32 v31, v3;
	v30 =	vmul.f32 v34, v4;
	v58 =	vadd.f32 v54, v53;
	[tilespmem:s22+$0x15510] =	vst v19  }
0x1c6: {  	v9 =	vld [tilespmem:s22+$0x5D50];
	v31 =	vmul.f32 v35, v3;
	v34 =	vmul.f32 v37, v3;
	v27 =	vadd.f32 v63, v62;
	[tilespmem:s22+$0x15530] =	vst v45  }
0x1c7: {  	v51 =	vld [tilespmem:$0x1FFB0];
	v46 =	vmul.f32 v7, v4;
	v48 =	vadd.f32 v44, v43;
	v52 =	vmul.f32 v10, v3;
	[tilespmem:s22+$0x15170] =	vst v58  }
0x1c8: {  	v13 =	vld [tilespmem:s22+$0x5D70];
	v54 =	vmul.f32 v6, v4;
	v55 =	vmul.f32 v16, v3;
	v35 =	vadd.f32 v31, v30;
	[tilespmem:s22+$0x15520] =	vst v27  }
0x1c9: {  	v17 =	vld [tilespmem:s22+$0xE100];
	v61 =	vmul.f32 v26, v3;
	v63 =	vmul.f32 v28, v4;
	v50 =	vadd.f32 v47, v46;
	[tilespmem:s22+$0x15540] =	vst v48  }
0x1ca: {  	v49 =	vld [tilespmem:$0x1FFA0];
	v28 =	vmul.f32 v33, v3;
	v33 =	vmul.f32 v36, v4;
	v59 =	vadd.f32 v55, v54;
	[tilespmem:s22+$0x15960] =	vst v35  }
0x1cb: {  	v10 =	vld [tilespmem:s22+$0x5D60];
	v36 =	vmul.f32 v38, v4;
	v37 =	vmul.f32 v39, v3;
	v21 =	vadd.f32 v61, v60;
	[tilespmem:s22+$0x15550] =	vst v50  }
0x1cc: {  	v16 =	vld [tilespmem:s22+$0x6100];
	v58 =	vmul.f32 v20, v3;
	v20 =	vmul.f32 v29, v3;
	v29 =	vadd.f32 v25, v23;
	[tilespmem:s22+$0x15900] =	vst v59  }
0x1cd: {  	v19 =	vld [tilespmem:s22+$0x6110];
	v40 =	vmul.f32 v40, v4;
	v41 =	vmul.f32 v41, v3;
	v39 =	vadd.f32 v34, v33;
	[tilespmem:s22+$0x15920] =	vst v21  }
0x1ce: {  	v43 =	vld [tilespmem:s22+$0x6130];
	v44 =	vadd.f32 v37, v36;
	[tilespmem:s22+$0x15940] =	vst v29  }
0x1cf: {  	v31 =	vld [tilespmem:s22+$0xE160];
	v48 =	vadd.f32 v41, v40;
	[tilespmem:s22+$0x15970] =	vst v39  }
0x1d0: {  	v38 =	vld [tilespmem:s22+$0xE120];
	v27 =	vmul.f32 v32, v4;
	v62 =	vadd.f32 v58, v57;
	[tilespmem:s22+$0x15D00] =	vst v44  }
0x1d1: {  	v8 =	vmul.f32 v8, v3;
	v47 =	vld [tilespmem:s22+$0xE130];
	v5 =	vmul.f32 v51, v4;
	v26 =	vadd.f32 v20, v63;
	[tilespmem:s22+$0x15D10] =	vst v48  }
0x1d2: {  	v45 =	vmul.f32 v42, v4;
	v46 =	vmul.f32 v24, v3;
	v55 =	vld [tilespmem:s22+$0xE140];
	v32 =	vadd.f32 v28, v27;
	[tilespmem:s22+$0x15910] =	vst v62  }
0x1d3: {  	v35 =	vld [tilespmem:s22+$0x6170];
	v30 =	vmul.f32 v17, v3;
	v1 =	vmul.f32 v49, v4;
	v56 =	vadd.f32 v52, v5;
	[tilespmem:s22+$0x15930] =	vst v26  }
0x1d4: {  	v51 =	vld [tilespmem:s22+$0x6140];
	v50 =	vmul.f32 v18, v3;
	v49 =	vmul.f32 v22, v4;
	v52 =	vadd.f32 v46, v45;
	[tilespmem:s22+$0x15950] =	vst v32  }
0x1d5: {  	v20 =	vld [tilespmem:s22+$0xE110];
	v57 =	vmul.f32 v9, v4;
	v29 =	vmul.f32 v16, v4;
	v53 =	vadd.f32 v8, v1;
	[tilespmem:s22+$0x15570] =	vst v56  }
0x1d6: {  	v21 =	vld [tilespmem:s22+$0x6120];
	v22 =	vmul.f32 v13, v4;
	v26 =	vmul.f32 v14, v3;
	v56 =	vadd.f32 v50, v49;
	[tilespmem:s22+$0x15D20] =	vst v52  }
0x1d7: {  	v58 =	vmul.f32 v11, v3;
	v59 =	vld [tilespmem:s22+$0x6150];
	v41 =	vmul.f32 v43, v4;
	v36 =	vadd.f32 v30, v29;
	[tilespmem:s22+$0x15560] =	vst v53  }
0x1d8: {  	v63 =	vld [tilespmem:s22+$0xE150];
	v42 =	vmul.f32 v47, v3;
	v45 =	vmul.f32 v55, v3;
	v32 =	vadd.f32 v26, v22;
	[tilespmem:s22+$0x15D30] =	vst v56  }
0x1d9: {  	v27 =	vld [tilespmem:s22+$0x6160];
	v44 =	vmul.f32 v51, v4;
	v53 =	vmul.f32 v15, v4;
	v15 =	vadd.f32 v58, v57;
	[tilespmem:s22+$0x16100] =	vst v36  }
0x1da: {  	v54 =	vmul.f32 v12, v3;
	v39 =	vld [tilespmem:s22+$0xE170];
	v46 =	vadd.f32 v42, v41;
	[tilespmem:s22+$0x15D70] =	vst v32  }
0x1db: {  	v33 =	vmul.f32 v19, v4;
	v8 =	vld [tilespmem:s22+$0xDD60];
	v34 =	vmul.f32 v20, v3;
	v49 =	vadd.f32 v45, v44;
	[tilespmem:s22+$0x15D50] =	vst v15  }
0x1dc: {  	v38 =	vmul.f32 v38, v3;
	v37 =	vmul.f32 v21, v4;
	v60 =	vadd.f32 v54, v53;
	[tilespmem:s22+$0x16130] =	vst v46  }
0x1dd: {  	v47 =	vmul.f32 v59, v4;
	v48 =	vmul.f32 v63, v3;
	v40 =	vadd.f32 v34, v33;
	[tilespmem:s22+$0x16140] =	vst v49  }
0x1de: {  	v51 =	vmul.f32 v31, v3;
	v50 =	vmul.f32 v27, v4;
	v43 =	vadd.f32 v38, v37;
	[tilespmem:s22+$0x15D40] =	vst v60  }
0x1df: {  	v52 =	vadd.f32 v48, v47;
	v53 =	vmul.f32 v35, v4;
	v54 =	vmul.f32 v39, v3;
	[tilespmem:s22+$0x16110] =	vst v40  }
0x1e0: {  	v61 =	vmul.f32 v10, v4;
	v55 =	vadd.f32 v51, v50;
	v62 =	vmul.f32 v8, v3;
	[tilespmem:s22+$0x16120] =	vst v43  }
0x1e1: {  	s24 =	sand.u32 $0x7, s17;
	[tilespmem:s22+$0x16150] =	vst v52;
	v56 =	vadd.f32 v54, v53  }
0x1e2: {  	s23 =	sshll.u32 s24, $0x7;
	[tilespmem:s22+$0x16160] =	vst v55;
	v28 =	vadd.f32 v62, v61  }
0x1e3: {  	s23 =	sadd.s32 s23, s19;
	[tilespmem:s22+$0x16170] =	vst v56  }
0x1e4: {  	s24 =	sor.u32 $0x1C00, s23;
	[tilespmem:s22+$0x15D60] =	vst v28  }
0x1e5: {  	v0 =	vld [tilespmem:s24+$0x4900]  }
0x1e6: {  	v1 =	vld [tilespmem:s24+$0xC900];
	_ =	sdelay $0x4  }
0x1e7: {  	v0 =	vmul.f32 v0, v4;
	v1 =	vmul.f32 v1, v3;
	_ =	sdelay $0x1  }
0x1e8: {  	v0 =	vadd.f32 v1, v0;
	_ =	sdelay $0x1  }
0x1e9: {  	[tilespmem:s24+$0x14900] =	vst v0;
	s24 =	sor.u32 $0x1C10, s23  }
0x1ea: {  	v0 =	vld [tilespmem:s24+$0x4900]  }
0x1eb: {  	v57 =	vld [tilespmem:s24+$0xC900];
	_ =	sdelay $0x4  }
0x1ec: {  	v0 =	vmul.f32 v0, v4;
	v1 =	vmul.f32 v57, v3;
	_ =	sdelay $0x1  }
0x1ed: {  	v0 =	vadd.f32 v1, v0;
	_ =	sdelay $0x1  }
0x1ee: {  	[tilespmem:s24+$0x14900] =	vst v0;
	s24 =	sor.u32 $0x1C20, s23  }
0x1ef: {  	v0 =	vld [tilespmem:s24+$0x4900]  }
0x1f0: {  	v58 =	vld [tilespmem:s24+$0xC900];
	_ =	sdelay $0x4  }
0x1f1: {  	v0 =	vmul.f32 v0, v4;
	v1 =	vmul.f32 v58, v3;
	_ =	sdelay $0x1  }
0x1f2: {  	v0 =	vadd.f32 v1, v0;
	_ =	sdelay $0x1  }
0x1f3: {  	[tilespmem:s24+$0x14900] =	vst v0;
	s24 =	sor.u32 $0x1C30, s23  }
0x1f4: {  	v0 =	vld [tilespmem:s24+$0x4900]  }
0x1f5: {  	v59 =	vld [tilespmem:s24+$0xC900];
	_ =	sdelay $0x4  }
0x1f6: {  	v0 =	vmul.f32 v0, v4;
	v1 =	vmul.f32 v59, v3;
	_ =	sdelay $0x1  }
0x1f7: {  	v0 =	vadd.f32 v1, v0;
	_ =	sdelay $0x1  }
0x1f8: {  	[tilespmem:s24+$0x14900] =	vst v0;
	s24 =	sor.u32 $0x1C40, s23  }
0x1f9: {  	v0 =	vld [tilespmem:s24+$0x4900]  }
0x1fa: {  	v60 =	vld [tilespmem:s24+$0xC900];
	_ =	sdelay $0x4  }
0x1fb: {  	v0 =	vmul.f32 v0, v4;
	v1 =	vmul.f32 v60, v3;
	_ =	sdelay $0x1  }
0x1fc: {  	v0 =	vadd.f32 v1, v0;
	_ =	sdelay $0x1  }
0x1fd: {  	[tilespmem:s24+$0x14900] =	vst v0;
	s24 =	sor.u32 $0x1C50, s23  }
0x1fe: {  	v0 =	vld [tilespmem:s24+$0x4900]  }
0x1ff: {  	v61 =	vld [tilespmem:s24+$0xC900];
	_ =	sdelay $0x4  }
0x200: {  	v0 =	vmul.f32 v0, v4;
	v1 =	vmul.f32 v61, v3;
	_ =	sdelay $0x1  }
0x201: {  	v0 =	vadd.f32 v1, v0;
	_ =	sdelay $0x1  }
0x202: {  	[tilespmem:s24+$0x14900] =	vst v0;
	s24 =	sor.u32 $0x1C60, s23  }
0x203: {  	v0 =	vld [tilespmem:s24+$0x4900]  }
0x204: {  	v62 =	vld [tilespmem:s24+$0xC900];
	_ =	sdelay $0x4  }
0x205: {  	v0 =	vmul.f32 v0, v4;
	v1 =	vmul.f32 v62, v3;
	_ =	sdelay $0x1  }
0x206: {  	v0 =	vadd.f32 v1, v0;
	_ =	sdelay $0x1  }
0x207: {  	[tilespmem:s24+$0x14900] =	vst v0;
	s24 =	sor.u32 $0x1C70, s23  }
0x208: {  	v0 =	vld [tilespmem:s24+$0x4900]  }
0x209: {  	v63 =	vld [tilespmem:s24+$0xC900];
	_ =	sdelay $0x3  }
0x20a: {  	p0 =	sne.s32 s21, $0x780  }
.Ltmp1:
0x20b: {  	v0 =	vmul.f32 v0, v4;
	v1 =	vmul.f32 v63, v3;
	(pc) =	sbr.rel @p0 .LBB2_5-.Ltmp1, $4  }
0x20c: {  	_ = 	snop  }
0x20d: {  	v0 =	vadd.f32 v1, v0  }
0x20e: {  	s17 =	sadd.s32 $0x1, s17;
	s18 =	sadd.s32 $0x400, s18  }
0x20f: {  	s0 =	sadd.s32 $0x1, s0;
	s21 =	sadd.s32 $0x80, s21;
	s19 =	sadd.s32 $0x400, s19;
	[tilespmem:s24+$0x14900] =	vst v0  }
0x210: {  	s14 =	sadd.s32 $0x1, s14  }
0x211: {  	p0 =	sne.s32 s14, $0x18  }
.Ltmp2:
0x212: {  	_ = 	snop;
	(pc) =	sbr.rel @p0 .LBB2_2-.Ltmp2, $4  }
0x213: {  	s0 =	sadd.s32 s4, s16  }
0x214: {  	s0 =	sshll.u32 s0, $0x7  }
0x215: {  	s20 =	sadd.s32 $0x20, s20;
	s13 =	sadd.s32 $0x20, s13;
	s0 =	sadd.s32 s3, s0  }
0x216: {  	[hbm4b:s0+s5] =	stream.linear.scatter [tilespmem:s12], [sflag:$0x6], $0x4000, $0x38;
	[tilespmem:$0x18900] =	vst v63  }
0x217: {  	s0 =	simm.s32 $0x5  }
0x218: {  	_ =	swait.ge [sflag:s0], $0x4000  }
0x219: {  	[sflag:s0] =	ssyncset.done $0x0  }
0x21a: {  	s13 =	simm.s32 $0x6;
	[sflag:s0] =	ssyncadd.s32 $0xFFFFC000  }
0x21b: {  	_ =	swait.ge [sflag:s13], $0x4000  }
0x21c: {  	s14 =	rddreg [dreg:$0x8]  }
0x21d: {  	s24 =	rddreg [dreg:$0x7];
	s14 =	sadd.s32 $0x1, s14  }
0x21e: {  	p0 =	sne.s32 s14, s24  }
.Ltmp3:
0x21f: {  	_ = 	snop;
	(pc) =	sbr.rel @p0 .LBB2_1-.Ltmp3, $3  }
0x220: {  	_ =	sdelay $0x1  }
0x221: {  	[sflag:s13] =	ssyncset.done $0x0  }
0x222: {  	[sflag:s13] =	ssyncadd.s32 $0xFFFFC000  }
0x223: {  	_ =	sfence.sel $0x180000  }
0x224: {  	[bflag:$0x0] =	sbarrier.arrive $0xFFFF  }
0x225: {  	_ =	strace $0x90000047  }
0x226: {  	s0 =	stileid.u32;
	[bflag:$0x2] =	sbarrier.arrive $0xFFFF  }
0x227: {  	p0 =	sne.s32 s0, $0x0;
	s0 =	rddreg [dreg:$0x3]  }
0x228: {  	s0 =	sadd.s32 @!p0 $0x100000, s0  }
0x229: {  	[sflag:s0] =	ssyncadd.tile.s32 @!p0 $0x1;
	_ =	shalt  }
.Lfunc_end2:
_tile_overlayer_lowered:
.L_overlay_start_2:
0x22a: {  	(tag) =	ssettag $0x2  }
0x22b: {  	s0 =	rddreg [dreg:$0x0];
	s2 =	stileid.u32  }
0x22c: {  	s1 =	rddreg [dreg:$0x1];
	p0 =	sne.s32 s2, $0x0  }
0x22d: {  	s3 =	rddreg [dreg:$0x2];
	[bflag:$0x3] =	sbarrier.arrive $0xFFFF;
	s2 =	simm.s32 @!p0 $0x1C07  }
0x22e: {  	[timem:s3], [sflag:s2] =	dma.local @!p0 [hbm:s0], s1  }
0x22f: {  	s0 =	simm.s32 @!p0 $0x7  }
0x230: {  	_ =	swait.ge @!p0 [sflag:s0], s1  }
0x231: {  	s1 =	ssub.s32 @!p0 $0x0, s1;
	[sflag:s0] =	ssyncset.done @!p0 $0x0  }
0x232: {  	[sflag:s0] =	ssyncadd.s32 @!p0 s1  }
0x233: {  	[bflag:$0x3] =	sbarrier.arrive $0xFFFF  }
0x234: {  	_ =	shalt  }

</sc_bundles>
